<compile_context>
chip_gen: v7x
topology: tpu7x:2x2x1
jax: 0.10.2.dev20260603
libtpu: 0.0.44.dev20260713+nightly
codegen_flags: <defaults>
</compile_context>

<pallas_src>
import functools

import jax
import jax.numpy as jnp
from jax import lax
from jax.experimental import pallas as pl
from jax.experimental.pallas import tpu as pltpu
from jax.experimental.pallas import tpu_sc as plsc

KNN = 20
_EPS = 1e-5
_N = 1024
_B = 2
_NBN = _B * _N
_NE = _NBN * KNN
_ROWS = 256
_PTS = 128


def _topk_body(ht_ref, hf_ref, idx_ref):
    b = pl.program_id(0)
    ht = ht_ref[0]
    hf = hf_ref[0]
    nt = (((1,), (1,)), ((), ()))
    inner = lax.dot_general(ht, hf, nt, preferred_element_type=jnp.float32)
    sq_f = jnp.sum(hf * hf, axis=1)
    sq_t = jnp.sum(ht * ht, axis=1, keepdims=True)
    key = (sq_t - 2.0 * inner) + sq_f[None, :]
    iota = lax.broadcasted_iota(jnp.int32, (_ROWS, _N), 1)
    cols = []
    for _ in range(KNN):
        am = jnp.argmin(key, axis=1).astype(jnp.int32)[:, None]
        cols.append(am)
        key = jnp.where(iota == am, jnp.float32(jnp.inf), key)
    idx_ref[0] = jnp.concatenate(cols, axis=1) + b * _N


def _topk(hT):
    B, N, C = hT.shape
    return pl.pallas_call(
        _topk_body,
        grid=(B, N // _ROWS),
        in_specs=[
            pl.BlockSpec((1, _ROWS, C), lambda b, r: (b, r, 0)),
            pl.BlockSpec((1, N, C), lambda b, r: (b, 0, 0)),
        ],
        out_specs=pl.BlockSpec((1, _ROWS, KNN), lambda b, r: (b, r, 0)),
        out_shape=jax.ShapeDtypeStruct((B, N, KNN), jnp.int32),
    )(hT, hT)


@functools.cache
def _make_sc_gather(C):
    info = plsc.get_sparse_core_info()
    NC, NS = info.num_cores, info.num_subcores
    NW = NC * NS
    per_w = _NE // NW
    CH = 128
    NCHUNK = per_w // CH
    mesh = plsc.VectorSubcoreMesh(core_axis_name="c", subcore_axis_name="s")

    @functools.partial(
        pl.kernel,
        mesh=mesh,
        compiler_params=pltpu.CompilerParams(use_tc_tiling_on_sc=False),
        out_type=jax.ShapeDtypeStruct((_NE, C), jnp.float32),
        scratch_types=[
            pltpu.VMEM((2, CH), jnp.int32),
            pltpu.VMEM((CH, C), jnp.float32),
            pltpu.VMEM((CH, C), jnp.float32),
            pltpu.SemaphoreType.DMA,
            pltpu.SemaphoreType.DMA,
            pltpu.SemaphoreType.DMA,
            pltpu.SemaphoreType.DMA,
        ],
    )
    def sc_kernel(tab_hbm, idx_hbm, out_hbm, idx_v, buf0, buf1,
                  gsem0, gsem1, wsem0, wsem1):
        wid = lax.axis_index("s") * NC + lax.axis_index("c")
        base = wid * per_w

        def fetch(ci, slot, buf, gsem):
            off = pl.multiple_of(base + ci * CH, 8)
            pltpu.sync_copy(idx_hbm.at[pl.ds(off, CH)], idx_v.at[slot])
            return pltpu.async_copy(tab_hbm.at[idx_v.at[slot]], buf, gsem)

        def pair_body(pi, _):
            c0 = 2 * pi
            c1 = 2 * pi + 1
            cpa = fetch(c0, 0, buf0, gsem0)
            cpb = fetch(c1, 1, buf1, gsem1)
            cpa.wait()
            off0 = pl.multiple_of(base + c0 * CH, 8)
            wa = pltpu.async_copy(buf0, out_hbm.at[pl.ds(off0, CH)], wsem0)
            cpb.wait()
            off1 = pl.multiple_of(base + c1 * CH, 8)
            wb = pltpu.async_copy(buf1, out_hbm.at[pl.ds(off1, CH)], wsem1)
            wa.wait()
            wb.wait()
            return 0

        lax.fori_loop(0, NCHUNK // 2, pair_body, 0)

    return sc_kernel


def _sc_gather(tab, idx1, C):
    return _make_sc_gather(C)(tab, idx1)


def _conv_body(nb_ref, ht_ref, w_ref, bv_ref, mx_ref, acc_ref):
    t = pl.program_id(0)
    C = ht_ref.shape[1]
    Cout = w_ref.shape[0]
    nb = nb_ref[...]
    xe = ht_ref[...]
    xer = jnp.broadcast_to(xe[:, None, :], (_PTS, KNN, C)).reshape(_PTS * KNN, C)
    e = jnp.concatenate([nb - xer, xer], axis=1)
    nt = (((1,), (1,)), ((), ()))
    conv = lax.dot_general(e, w_ref[...], nt,
                           preferred_element_type=jnp.float32) + bv_ref[...]
    mx_ref[...] = jnp.max(conv.reshape(_PTS, KNN, Cout), axis=1)
    s1 = jnp.sum(conv, axis=0, keepdims=True)

    @pl.when(t == 0)
    def _():
        ctr = s1 / jnp.float32(_PTS * KNN)
        d = conv - ctr
        acc_ref[0:1] = s1
        acc_ref[1:2] = jnp.zeros_like(s1)
        acc_ref[2:3] = jnp.sum(d * d, axis=0, keepdims=True)
        acc_ref[3:4] = jnp.zeros_like(s1)
        acc_ref[4:5] = ctr
        acc_ref[5:8] = jnp.zeros((3, Cout), jnp.float32)

    @pl.when(t > 0)
    def _():
        d = conv - acc_ref[4:5]
        s2 = jnp.sum(d * d, axis=0, keepdims=True)
        for (row, val) in ((0, s1), (2, s2)):
            y = val - acc_ref[row + 1:row + 2]
            tot = acc_ref[row:row + 1] + y
            acc_ref[row + 1:row + 2] = (tot - acc_ref[row:row + 1]) - y
            acc_ref[row:row + 1] = tot


def _conv_max_stats(nbg, hT2, Wcat, bvec):
    NE, C = nbg.shape
    Cout = Wcat.shape[0]
    return pl.pallas_call(
        _conv_body,
        grid=(_NBN // _PTS,),
        in_specs=[
            pl.BlockSpec((_PTS * KNN, C), lambda t: (t, 0)),
            pl.BlockSpec((_PTS, C), lambda t: (t, 0)),
            pl.BlockSpec((Cout, 2 * C), lambda t: (0, 0)),
            pl.BlockSpec((1, Cout), lambda t: (0, 0)),
        ],
        out_specs=[
            pl.BlockSpec((_PTS, Cout), lambda t: (t, 0)),
            pl.BlockSpec((8, Cout), lambda t: (0, 0)),
        ],
        out_shape=[
            jax.ShapeDtypeStruct((_NBN, Cout), jnp.float32),
            jax.ShapeDtypeStruct((8, Cout), jnp.float32),
        ],
    )(nbg, hT2, Wcat, bvec)


def _bn_body(mx_ref, acc_ref, g_ref, be_ref, out_ref):
    cnt = jnp.float32(_NE)
    m = (acc_ref[0:1] - acc_ref[1:2]) / cnt
    dm = m - acc_ref[4:5]
    var = (acc_ref[2:3] - acc_ref[3:4]) / cnt - dm * dm
    den = jnp.sqrt(var + _EPS)
    out_ref[...] = jnp.maximum(
        g_ref[...] * (mx_ref[...] - m) / den + be_ref[...], 0.0)


def _bn_relu(mx, acc, g, be):
    NBN, Cout = mx.shape
    return pl.pallas_call(
        _bn_body,
        out_shape=jax.ShapeDtypeStruct((NBN, Cout), jnp.float32),
    )(mx, acc, g.reshape(1, Cout), be.reshape(1, Cout))


def _final_body(h1_ref, h2_ref, h3_ref, h4_ref, w_ref, b_ref, g_ref, be_ref, out_ref):
    cat = jnp.concatenate(
        [h1_ref[...], h2_ref[...], h3_ref[...], h4_ref[...]], axis=1)
    nt = (((1,), (1,)), ((), ()))
    os = []
    for b in range(_B):
        cb = cat[b * _N:(b + 1) * _N]
        os.append(lax.dot_general(w_ref[...], cb, nt,
                                  preferred_element_type=jnp.float32) + b_ref[...])
    s1 = os[0].sum(axis=1, keepdims=True) + os[1].sum(axis=1, keepdims=True)
    s2 = (os[0] * os[0]).sum(axis=1, keepdims=True) + (os[1] * os[1]).sum(axis=1, keepdims=True)
    cnt = jnp.float32(_B * _N)
    m = s1 / cnt
    var = s2 / cnt - m * m
    den = jnp.sqrt(var + _EPS)
    for b in range(_B):
        out_ref[b] = jnp.maximum(g_ref[...] * (os[b] - m) / den + be_ref[...], 0.0)


def _final_layer(h1, h2, h3, h4, W5, b5, g5, be5):
    Cout = W5.shape[0]
    return pl.pallas_call(
        _final_body,
        out_shape=jax.ShapeDtypeStruct((_B, Cout, _N), jnp.float32),
    )(h1, h2, h3, h4, W5, b5.reshape(Cout, 1), g5.reshape(Cout, 1), be5.reshape(Cout, 1))


def kernel(x, W1, b1, g1, be1, W2, b2, g2, be2, W3, b3, g3, be3,
           W4, b4, g4, be4, W5, b5, g5, be5):
    B, N, C0 = x.shape
    hT = jnp.pad(x, ((0, 0), (0, 0), (0, 8 - C0)))
    inter = []
    for (W, bb, g, be) in ((W1, b1, g1, be1), (W2, b2, g2, be2),
                           (W3, b3, g3, be3), (W4, b4, g4, be4)):
        Cin = hT.shape[2]
        Chalf = W.shape[1] // 2
        if Chalf < Cin:
            pad = Cin - Chalf
            Wcat = jnp.concatenate(
                [jnp.pad(W[:, :Chalf], ((0, 0), (0, pad))),
                 jnp.pad(W[:, Chalf:], ((0, 0), (0, pad)))], axis=1)
        else:
            Wcat = W
        Cout = W.shape[0]
        idx = _topk(hT)
        nbg = _sc_gather(hT.reshape(B * N, Cin), idx.reshape(-1), Cin)
        mx, acc = _conv_max_stats(nbg, hT.reshape(B * N, Cin), Wcat,
                                  bb.reshape(1, Cout))
        hT = _bn_relu(mx, acc, g, be).reshape(B, N, Cout)
        inter.append(hT.reshape(B * N, Cout))
    return _final_layer(inter[0], inter[1], inter[2], inter[3], W5, b5, g5, be5)

# --- scband reference (transcript-rebuilt; emitter-appended) ---
"""Pipeline reference for scband-dgcnn-52415780880769 (READ-ONLY COPY).

The authoritative reference and input builder live on the scoring server;
editing this copy changes nothing except your own understanding.
"""

import jax, jax.numpy as jnp
import numpy as np

K = 20
_EPS = 1e-5
_DIMS = [(64, 6), (64, 128), (128, 128), (256, 256), (512, 512)]


def _graph_feature(x, k):
    # x: (B, C, N) -> edge features (B, 2C, N, k), DGCNN get_graph_feature
    inner = jnp.einsum('bcn,bcm->bnm', x, x)
    sq = jnp.sum(x * x, axis=1)
    dist = sq[:, :, None] - 2.0 * inner + sq[:, None, :]
    _, idx = jax.lax.top_k(-dist, k)  # (B, N, k), includes self
    nb = jnp.take_along_axis(x[:, :, None, :], idx[:, None, :, :], axis=3)  # (B, C, N, k)
    xe = x[:, :, :, None]
    return jnp.concatenate([nb - xe, jnp.broadcast_to(xe, nb.shape)], axis=1)


def _conv(x, W, b):
    # 1x1 Conv2d: x (B, Cin, N, k), W (Cout, Cin)
    return jnp.einsum('oc,bcnk->bonk', W, x) + b[None, :, None, None]


def _bn(x, g, b):
    # BatchNorm2d in training mode (batch statistics)
    m = jnp.mean(x, axis=(0, 2, 3), keepdims=True)
    v = jnp.var(x, axis=(0, 2, 3), keepdims=True)
    return g[None, :, None, None] * (x - m) / jnp.sqrt(v + _EPS) + b[None, :, None, None]


def setup_inputs(seed: int = 0):
    key = jax.random.key(seed)
    B, N, C = 2, 1024, 3
    inp = {'x': jax.random.normal(jax.random.fold_in(key, 0), (B, N, C), dtype=jnp.float32)}
    for i, (co, ci) in enumerate(_DIMS):
        k1, k2 = jax.random.split(jax.random.fold_in(key, i + 1))
        inp['W%d' % (i + 1)] = jax.random.normal(k1, (co, ci), dtype=jnp.float32) * (1.0 / np.sqrt(ci))
        inp['b%d' % (i + 1)] = jnp.zeros((co,), dtype=jnp.float32)
        inp['g%d' % (i + 1)] = jnp.ones((co,), dtype=jnp.float32)
        inp['be%d' % (i + 1)] = jnp.zeros((co,), dtype=jnp.float32)
    return inp


def reference(x, W1, b1, g1, be1, W2, b2, g2, be2, W3, b3, g3, be3, W4, b4, g4, be4, W5, b5, g5, be5):
    h = jnp.transpose(x, (0, 2, 1))  # (B, C, N)
    inter = []
    for (W, b, g, be) in ((W1, b1, g1, be1), (W2, b2, g2, be2), (W3, b3, g3, be3), (W4, b4, g4, be4)):
        e = _graph_feature(h, K)
        a = jax.nn.relu(_bn(_conv(e, W, b), g, be))
        h = jnp.max(a, axis=-1)  # max over k neighbors
        inter.append(h)
    cat = jnp.concatenate(inter, axis=1)[:, :, :, None]  # (B, 512, N, 1)
    out = jax.nn.relu(_bn(_conv(cat, W5, b5), g5, be5))
    return out[:, :, :, 0]  # (B, embed_dim, N)

if __name__ == "__main__":
    import jax
    _d = setup_inputs()
    print(jax.jit(kernel)(*tuple(_d.values())))

</pallas_src>

<mosaic_0001>
#map = affine_map<(d0, d1) -> (0, 0)>
#map1 = affine_map<(d0, d1) -> (0)>
module attributes {stable_mosaic.version = 14 : i64} {
  func.func @sc_kernel(%arg0: i32, %arg1: i32, %arg2: memref<2048x8xf32, #tpu.memory_space<hbm>>, %arg3: memref<40960xi32, #tpu.memory_space<hbm>>, %arg4: memref<40960x8xf32, #tpu.memory_space<hbm>>, %arg5: memref<2x128xi32, #tpu.memory_space<vmem>>, %arg6: memref<128x8xf32, #tpu.memory_space<vmem>>, %arg7: memref<128x8xf32, #tpu.memory_space<vmem>>, %arg8: memref<!tpu.dma_semaphore, #tpu.memory_space<semaphore_mem>>, %arg9: memref<!tpu.dma_semaphore, #tpu.memory_space<semaphore_mem>>, %arg10: memref<!tpu.dma_semaphore, #tpu.memory_space<semaphore_mem>>, %arg11: memref<!tpu.dma_semaphore, #tpu.memory_space<semaphore_mem>>) attributes {dimension_semantics = [#tpu.dimension_semantics<core_parallel>, #tpu.dimension_semantics<subcore_parallel>], iteration_bounds = array<i64: 2, 16>, scalar_prefetch = 0 : i64, scratch_operands = 7 : i64, tpu.core_type = #tpu.core_type<sc_vector_subcore>, window_params = [{transform_indices = #map}, {transform_indices = #map1}, {transform_indices = #map}]} {
    %mul3A = arith.constant 2 : i32
    %mul3A_0 = arith.muli %arg1, %mul3A : i32
    %add3A = arith.addi %mul3A_0, %arg0 : i32
    %mul3A_1 = arith.constant 1280 : i32
    %mul3A_2 = arith.muli %add3A, %mul3A_1 : i32
    %scan3A = arith.constant 0 : i32
    %scan3A_3 = arith.constant 0 : i32
    %scan3A_4 = arith.constant 5 : i32
    %scan3A_5 = arith.addi %scan3A_3, %scan3A_4 : i32
    %scan3A_6 = arith.constant 1 : i32
    %scan3A_7 = scf.for %scan3A_9 = %scan3A_3 to %scan3A_5 step %scan3A_6 iter_args(%scan3A_10 = %scan3A) -> (i32)  : i32 {
      %mul3A_11 = arith.constant 2 : i32
      %mul3A_12 = arith.muli %mul3A_11, %scan3A_9 : i32
      %mul3A_13 = arith.constant 2 : i32
      %mul3A_14 = arith.muli %mul3A_13, %scan3A_9 : i32
      %add3A_15 = arith.constant 1 : i32
      %add3A_16 = arith.addi %mul3A_14, %add3A_15 : i32
      %mul3A_17 = arith.constant 128 : i32
      %mul3A_18 = arith.muli %mul3A_12, %mul3A_17 : i32
      %add3A_19 = arith.addi %mul3A_2, %mul3A_18 : i32
      %multiple_of3A = tpu.assume_multiple %add3A_19, 8 : i32
      %run_scoped3A = arith.constant 0 : i32
      "tpu.region"() ({
        %run_scoped3A_76 = tpu.sem_alloc : memref<!tpu.dma_semaphore, #tpu.memory_space<semaphore_mem>>
        %dma_start3A_77 = arith.constant 0 : i32
        %dma_start3A_78 = tpu.memref_slice %arg5[%run_scoped3A, %dma_start3A_77] : memref<2x128xi32, #tpu.memory_space<vmem>> -> memref<1x128xi32, #tpu.memory_space<vmem>>
        %dma_start3A_79 = tpu.memref_squeeze %dma_start3A_78 : memref<1x128xi32, #tpu.memory_space<vmem>> -> memref<128xi32, #tpu.memory_space<vmem>>
        %dma_start3A_80 = tpu.memref_slice %arg3[%multiple_of3A] : memref<40960xi32, #tpu.memory_space<hbm>> -> memref<128xi32, #tpu.memory_space<hbm>>
        %dma_start3A_81 = arith.constant 0 : i32
        %dma_start3A_82 = tpu.memref_slice %arg5[%run_scoped3A, %dma_start3A_81] : memref<2x128xi32, #tpu.memory_space<vmem>> -> memref<1x128xi32, #tpu.memory_space<vmem>>
        %dma_start3A_83 = tpu.memref_squeeze %dma_start3A_82 : memref<1x128xi32, #tpu.memory_space<vmem>> -> memref<128xi32, #tpu.memory_space<vmem>>
        %dma_start3A_84 = tpu.memref_slice %arg3[%multiple_of3A] : memref<40960xi32, #tpu.memory_space<hbm>> -> memref<128xi32, #tpu.memory_space<hbm>>
        tpu.enqueue_dma source(%dma_start3A_84 : memref<128xi32, #tpu.memory_space<hbm>>) target(%dma_start3A_83 : memref<128xi32, #tpu.memory_space<vmem>>) target_semaphore(%run_scoped3A_76 : memref<!tpu.dma_semaphore, #tpu.memory_space<semaphore_mem>>)
        %dma_wait3A_85 = arith.constant 0 : i32
        %dma_wait3A_86 = tpu.memref_slice %arg5[%run_scoped3A, %dma_wait3A_85] : memref<2x128xi32, #tpu.memory_space<vmem>> -> memref<1x128xi32, #tpu.memory_space<vmem>>
        %dma_wait3A_87 = tpu.memref_squeeze %dma_wait3A_86 : memref<1x128xi32, #tpu.memory_space<vmem>> -> memref<128xi32, #tpu.memory_space<vmem>>
        %dma_wait3A_88 = tpu.memref_slice %arg3[%multiple_of3A] : memref<40960xi32, #tpu.memory_space<hbm>> -> memref<128xi32, #tpu.memory_space<hbm>>
        %dma_wait3A_89 = arith.constant 0 : i32
        %dma_wait3A_90 = tpu.memref_slice %arg5[%run_scoped3A, %dma_wait3A_89] : memref<2x128xi32, #tpu.memory_space<vmem>> -> memref<1x128xi32, #tpu.memory_space<vmem>>
        %dma_wait3A_91 = tpu.memref_squeeze %dma_wait3A_90 : memref<1x128xi32, #tpu.memory_space<vmem>> -> memref<128xi32, #tpu.memory_space<vmem>>
        %dma_wait3A_92 = tpu.memref_slice %arg3[%multiple_of3A] : memref<40960xi32, #tpu.memory_space<hbm>> -> memref<128xi32, #tpu.memory_space<hbm>>
        tpu.wait_dma2 semaphore(%run_scoped3A_76 : memref<!tpu.dma_semaphore, #tpu.memory_space<semaphore_mem>>) src(%dma_wait3A_92 : memref<128xi32, #tpu.memory_space<hbm>>) dst(%dma_wait3A_91 : memref<128xi32, #tpu.memory_space<vmem>>)
        tpu.yield
      }) : () -> ()
      %dma_start3A = arith.constant 0 : i32
      %dma_start3A_20 = arith.constant 0 : i32
      %dma_start3A_21 = tpu.memref_slice %arg5[%dma_start3A, %dma_start3A_20] : memref<2x128xi32, #tpu.memory_space<vmem>> -> memref<1x128xi32, #tpu.memory_space<vmem>>
      %dma_start3A_22 = tpu.memref_squeeze %dma_start3A_21 : memref<1x128xi32, #tpu.memory_space<vmem>> -> memref<128xi32, #tpu.memory_space<vmem>>
      %dma_start3A_23 = arith.constant 0 : i32
      %dma_start3A_24 = arith.constant 0 : i32
      %dma_start3A_25 = tpu.memref_slice %arg2[%dma_start3A_23, %dma_start3A_24] : memref<2048x8xf32, #tpu.memory_space<hbm>> -> memref<2048x8xf32, #tpu.memory_space<hbm>>
      tpu.enqueue_indirect_dma source(%dma_start3A_25 : memref<2048x8xf32, #tpu.memory_space<hbm>>) target(%arg6 : memref<128x8xf32, #tpu.memory_space<vmem>>) offsets(%dma_start3A_22 : memref<128xi32, #tpu.memory_space<vmem>>) semaphore(%arg8 : memref<!tpu.dma_semaphore, #tpu.memory_space<semaphore_mem>>)
      %mul3A_26 = arith.constant 128 : i32
      %mul3A_27 = arith.muli %add3A_16, %mul3A_26 : i32
      %add3A_28 = arith.addi %mul3A_2, %mul3A_27 : i32
      %multiple_of3A_29 = tpu.assume_multiple %add3A_28, 8 : i32
      %run_scoped3A_30 = arith.constant 1 : i32
      "tpu.region"() ({
        %run_scoped3A_76 = tpu.sem_alloc : memref<!tpu.dma_semaphore, #tpu.memory_space<semaphore_mem>>
        %dma_start3A_77 = arith.constant 0 : i32
        %dma_start3A_78 = tpu.memref_slice %arg5[%run_scoped3A_30, %dma_start3A_77] : memref<2x128xi32, #tpu.memory_space<vmem>> -> memref<1x128xi32, #tpu.memory_space<vmem>>
        %dma_start3A_79 = tpu.memref_squeeze %dma_start3A_78 : memref<1x128xi32, #tpu.memory_space<vmem>> -> memref<128xi32, #tpu.memory_space<vmem>>
        %dma_start3A_80 = tpu.memref_slice %arg3[%multiple_of3A_29] : memref<40960xi32, #tpu.memory_space<hbm>> -> memref<128xi32, #tpu.memory_space<hbm>>
        %dma_start3A_81 = arith.constant 0 : i32
        %dma_start3A_82 = tpu.memref_slice %arg5[%run_scoped3A_30, %dma_start3A_81] : memref<2x128xi32, #tpu.memory_space<vmem>> -> memref<1x128xi32, #tpu.memory_space<vmem>>
        %dma_start3A_83 = tpu.memref_squeeze %dma_start3A_82 : memref<1x128xi32, #tpu.memory_space<vmem>> -> memref<128xi32, #tpu.memory_space<vmem>>
        %dma_start3A_84 = tpu.memref_slice %arg3[%multiple_of3A_29] : memref<40960xi32, #tpu.memory_space<hbm>> -> memref<128xi32, #tpu.memory_space<hbm>>
        tpu.enqueue_dma source(%dma_start3A_84 : memref<128xi32, #tpu.memory_space<hbm>>) target(%dma_start3A_83 : memref<128xi32, #tpu.memory_space<vmem>>) target_semaphore(%run_scoped3A_76 : memref<!tpu.dma_semaphore, #tpu.memory_space<semaphore_mem>>)
        %dma_wait3A_85 = arith.constant 0 : i32
        %dma_wait3A_86 = tpu.memref_slice %arg5[%run_scoped3A_30, %dma_wait3A_85] : memref<2x128xi32, #tpu.memory_space<vmem>> -> memref<1x128xi32, #tpu.memory_space<vmem>>
        %dma_wait3A_87 = tpu.memref_squeeze %dma_wait3A_86 : memref<1x128xi32, #tpu.memory_space<vmem>> -> memref<128xi32, #tpu.memory_space<vmem>>
        %dma_wait3A_88 = tpu.memref_slice %arg3[%multiple_of3A_29] : memref<40960xi32, #tpu.memory_space<hbm>> -> memref<128xi32, #tpu.memory_space<hbm>>
        %dma_wait3A_89 = arith.constant 0 : i32
        %dma_wait3A_90 = tpu.memref_slice %arg5[%run_scoped3A_30, %dma_wait3A_89] : memref<2x128xi32, #tpu.memory_space<vmem>> -> memref<1x128xi32, #tpu.memory_space<vmem>>
        %dma_wait3A_91 = tpu.memref_squeeze %dma_wait3A_90 : memref<1x128xi32, #tpu.memory_space<vmem>> -> memref<128xi32, #tpu.memory_space<vmem>>
        %dma_wait3A_92 = tpu.memref_slice %arg3[%multiple_of3A_29] : memref<40960xi32, #tpu.memory_space<hbm>> -> memref<128xi32, #tpu.memory_space<hbm>>
        tpu.wait_dma2 semaphore(%run_scoped3A_76 : memref<!tpu.dma_semaphore, #tpu.memory_space<semaphore_mem>>) src(%dma_wait3A_92 : memref<128xi32, #tpu.memory_space<hbm>>) dst(%dma_wait3A_91 : memref<128xi32, #tpu.memory_space<vmem>>)
        tpu.yield
      }) : () -> ()
      %dma_start3A_31 = arith.constant 1 : i32
      %dma_start3A_32 = arith.constant 0 : i32
      %dma_start3A_33 = tpu.memref_slice %arg5[%dma_start3A_31, %dma_start3A_32] : memref<2x128xi32, #tpu.memory_space<vmem>> -> memref<1x128xi32, #tpu.memory_space<vmem>>
      %dma_start3A_34 = tpu.memref_squeeze %dma_start3A_33 : memref<1x128xi32, #tpu.memory_space<vmem>> -> memref<128xi32, #tpu.memory_space<vmem>>
      %dma_start3A_35 = arith.constant 0 : i32
      %dma_start3A_36 = arith.constant 0 : i32
      %dma_start3A_37 = tpu.memref_slice %arg2[%dma_start3A_35, %dma_start3A_36] : memref<2048x8xf32, #tpu.memory_space<hbm>> -> memref<2048x8xf32, #tpu.memory_space<hbm>>
      tpu.enqueue_indirect_dma source(%dma_start3A_37 : memref<2048x8xf32, #tpu.memory_space<hbm>>) target(%arg7 : memref<128x8xf32, #tpu.memory_space<vmem>>) offsets(%dma_start3A_34 : memref<128xi32, #tpu.memory_space<vmem>>) semaphore(%arg9 : memref<!tpu.dma_semaphore, #tpu.memory_space<semaphore_mem>>)
      %dma_wait3A = arith.constant 0 : i32
      %dma_wait3A_38 = arith.constant 0 : i32
      %dma_wait3A_39 = tpu.memref_slice %arg5[%dma_wait3A, %dma_wait3A_38] : memref<2x128xi32, #tpu.memory_space<vmem>> -> memref<1x128xi32, #tpu.memory_space<vmem>>
      %dma_wait3A_40 = tpu.memref_squeeze %dma_wait3A_39 : memref<1x128xi32, #tpu.memory_space<vmem>> -> memref<128xi32, #tpu.memory_space<vmem>>
      %dma_wait3A_41 = arith.constant 0 : i32
      %dma_wait3A_42 = arith.constant 0 : i32
      %dma_wait3A_43 = tpu.memref_slice %arg2[%dma_wait3A_41, %dma_wait3A_42] : memref<2048x8xf32, #tpu.memory_space<hbm>> -> memref<2048x8xf32, #tpu.memory_space<hbm>>
      tpu.wait_indirect_dma semaphore(%arg8 : memref<!tpu.dma_semaphore, #tpu.memory_space<semaphore_mem>>) src(%dma_wait3A_43 : memref<2048x8xf32, #tpu.memory_space<hbm>>) dst(%arg6 : memref<128x8xf32, #tpu.memory_space<vmem>>)
      %mul3A_44 = arith.constant 128 : i32
      %mul3A_45 = arith.muli %mul3A_12, %mul3A_44 : i32
      %add3A_46 = arith.addi %mul3A_2, %mul3A_45 : i32
      %multiple_of3A_47 = tpu.assume_multiple %add3A_46, 8 : i32
      %dma_start3A_48 = arith.constant 0 : i32
      %dma_start3A_49 = tpu.memref_slice %arg4[%multiple_of3A_47, %dma_start3A_48] : memref<40960x8xf32, #tpu.memory_space<hbm>> -> memref<128x8xf32, #tpu.memory_space<hbm>>
      %dma_start3A_50 = arith.constant 0 : i32
      %dma_start3A_51 = tpu.memref_slice %arg4[%multiple_of3A_47, %dma_start3A_50] : memref<40960x8xf32, #tpu.memory_space<hbm>> -> memref<128x8xf32, #tpu.memory_space<hbm>>
      tpu.enqueue_dma source(%arg6 : memref<128x8xf32, #tpu.memory_space<vmem>>) target(%dma_start3A_51 : memref<128x8xf32, #tpu.memory_space<hbm>>) target_semaphore(%arg10 : memref<!tpu.dma_semaphore, #tpu.memory_space<semaphore_mem>>)
      %dma_wait3A_52 = arith.constant 1 : i32
      %dma_wait3A_53 = arith.constant 0 : i32
      %dma_wait3A_54 = tpu.memref_slice %arg5[%dma_wait3A_52, %dma_wait3A_53] : memref<2x128xi32, #tpu.memory_space<vmem>> -> memref<1x128xi32, #tpu.memory_space<vmem>>
      %dma_wait3A_55 = tpu.memref_squeeze %dma_wait3A_54 : memref<1x128xi32, #tpu.memory_space<vmem>> -> memref<128xi32, #tpu.memory_space<vmem>>
      %dma_wait3A_56 = arith.constant 0 : i32
      %dma_wait3A_57 = arith.constant 0 : i32
      %dma_wait3A_58 = tpu.memref_slice %arg2[%dma_wait3A_56, %dma_wait3A_57] : memref<2048x8xf32, #tpu.memory_space<hbm>> -> memref<2048x8xf32, #tpu.memory_space<hbm>>
      tpu.wait_indirect_dma semaphore(%arg9 : memref<!tpu.dma_semaphore, #tpu.memory_space<semaphore_mem>>) src(%dma_wait3A_58 : memref<2048x8xf32, #tpu.memory_space<hbm>>) dst(%arg7 : memref<128x8xf32, #tpu.memory_space<vmem>>)
      %mul3A_59 = arith.constant 128 : i32
      %mul3A_60 = arith.muli %add3A_16, %mul3A_59 : i32
      %add3A_61 = arith.addi %mul3A_2, %mul3A_60 : i32
      %multiple_of3A_62 = tpu.assume_multiple %add3A_61, 8 : i32
      %dma_start3A_63 = arith.constant 0 : i32
      %dma_start3A_64 = tpu.memref_slice %arg4[%multiple_of3A_62, %dma_start3A_63] : memref<40960x8xf32, #tpu.memory_space<hbm>> -> memref<128x8xf32, #tpu.memory_space<hbm>>
      %dma_start3A_65 = arith.constant 0 : i32
      %dma_start3A_66 = tpu.memref_slice %arg4[%multiple_of3A_62, %dma_start3A_65] : memref<40960x8xf32, #tpu.memory_space<hbm>> -> memref<128x8xf32, #tpu.memory_space<hbm>>
      tpu.enqueue_dma source(%arg7 : memref<128x8xf32, #tpu.memory_space<vmem>>) target(%dma_start3A_66 : memref<128x8xf32, #tpu.memory_space<hbm>>) target_semaphore(%arg11 : memref<!tpu.dma_semaphore, #tpu.memory_space<semaphore_mem>>)
      %dma_wait3A_67 = arith.constant 0 : i32
      %dma_wait3A_68 = tpu.memref_slice %arg4[%multiple_of3A_47, %dma_wait3A_67] : memref<40960x8xf32, #tpu.memory_space<hbm>> -> memref<128x8xf32, #tpu.memory_space<hbm>>
      %dma_wait3A_69 = arith.constant 0 : i32
      %dma_wait3A_70 = tpu.memref_slice %arg4[%multiple_of3A_47, %dma_wait3A_69] : memref<40960x8xf32, #tpu.memory_space<hbm>> -> memref<128x8xf32, #tpu.memory_space<hbm>>
      tpu.wait_dma2 semaphore(%arg10 : memref<!tpu.dma_semaphore, #tpu.memory_space<semaphore_mem>>) src(%arg6 : memref<128x8xf32, #tpu.memory_space<vmem>>) dst(%dma_wait3A_70 : memref<128x8xf32, #tpu.memory_space<hbm>>)
      %dma_wait3A_71 = arith.constant 0 : i32
      %dma_wait3A_72 = tpu.memref_slice %arg4[%multiple_of3A_62, %dma_wait3A_71] : memref<40960x8xf32, #tpu.memory_space<hbm>> -> memref<128x8xf32, #tpu.memory_space<hbm>>
      %dma_wait3A_73 = arith.constant 0 : i32
      %dma_wait3A_74 = tpu.memref_slice %arg4[%multiple_of3A_62, %dma_wait3A_73] : memref<40960x8xf32, #tpu.memory_space<hbm>> -> memref<128x8xf32, #tpu.memory_space<hbm>>
      tpu.wait_dma2 semaphore(%arg11 : memref<!tpu.dma_semaphore, #tpu.memory_space<semaphore_mem>>) src(%arg7 : memref<128x8xf32, #tpu.memory_space<vmem>>) dst(%dma_wait3A_74 : memref<128x8xf32, #tpu.memory_space<hbm>>)
      %scan3A_75 = arith.constant 0 : i32
      scf.yield %scan3A_75 : i32
    }
    %scan3A_8 = arith.constant 5 : i32
    return
  }
}

#map = affine_map<(d0, d1) -> (0, 0)>
#map1 = affine_map<(d0, d1) -> (0)>
module attributes {stable_mosaic.version = 14 : i64} {
  func.func @sc_kernel(%arg0: i32, %arg1: i32, %arg2: memref<2048x64xf32, #tpu.memory_space<hbm>>, %arg3: memref<40960xi32, #tpu.memory_space<hbm>>, %arg4: memref<40960x64xf32, #tpu.memory_space<hbm>>, %arg5: memref<2x128xi32, #tpu.memory_space<vmem>>, %arg6: memref<128x64xf32, #tpu.memory_space<vmem>>, %arg7: memref<128x64xf32, #tpu.memory_space<vmem>>, %arg8: memref<!tpu.dma_semaphore, #tpu.memory_space<semaphore_mem>>, %arg9: memref<!tpu.dma_semaphore, #tpu.memory_space<semaphore_mem>>, %arg10: memref<!tpu.dma_semaphore, #tpu.memory_space<semaphore_mem>>, %arg11: memref<!tpu.dma_semaphore, #tpu.memory_space<semaphore_mem>>) attributes {dimension_semantics = [#tpu.dimension_semantics<core_parallel>, #tpu.dimension_semantics<subcore_parallel>], iteration_bounds = array<i64: 2, 16>, scalar_prefetch = 0 : i64, scratch_operands = 7 : i64, tpu.core_type = #tpu.core_type<sc_vector_subcore>, window_params = [{transform_indices = #map}, {transform_indices = #map1}, {transform_indices = #map}]} {
    %mul3A = arith.constant 2 : i32
    %mul3A_0 = arith.muli %arg1, %mul3A : i32
    %add3A = arith.addi %mul3A_0, %arg0 : i32
    %mul3A_1 = arith.constant 1280 : i32
    %mul3A_2 = arith.muli %add3A, %mul3A_1 : i32
    %scan3A = arith.constant 0 : i32
    %scan3A_3 = arith.constant 0 : i32
    %scan3A_4 = arith.constant 5 : i32
    %scan3A_5 = arith.addi %scan3A_3, %scan3A_4 : i32
    %scan3A_6 = arith.constant 1 : i32
    %scan3A_7 = scf.for %scan3A_9 = %scan3A_3 to %scan3A_5 step %scan3A_6 iter_args(%scan3A_10 = %scan3A) -> (i32)  : i32 {
      %mul3A_11 = arith.constant 2 : i32
      %mul3A_12 = arith.muli %mul3A_11, %scan3A_9 : i32
      %mul3A_13 = arith.constant 2 : i32
      %mul3A_14 = arith.muli %mul3A_13, %scan3A_9 : i32
      %add3A_15 = arith.constant 1 : i32
      %add3A_16 = arith.addi %mul3A_14, %add3A_15 : i32
      %mul3A_17 = arith.constant 128 : i32
      %mul3A_18 = arith.muli %mul3A_12, %mul3A_17 : i32
      %add3A_19 = arith.addi %mul3A_2, %mul3A_18 : i32
      %multiple_of3A = tpu.assume_multiple %add3A_19, 8 : i32
      %run_scoped3A = arith.constant 0 : i32
      "tpu.region"() ({
        %run_scoped3A_76 = tpu.sem_alloc : memref<!tpu.dma_semaphore, #tpu.memory_space<semaphore_mem>>
        %dma_start3A_77 = arith.constant 0 : i32
        %dma_start3A_78 = tpu.memref_slice %arg5[%run_scoped3A, %dma_start3A_77] : memref<2x128xi32, #tpu.memory_space<vmem>> -> memref<1x128xi32, #tpu.memory_space<vmem>>
        %dma_start3A_79 = tpu.memref_squeeze %dma_start3A_78 : memref<1x128xi32, #tpu.memory_space<vmem>> -> memref<128xi32, #tpu.memory_space<vmem>>
        %dma_start3A_80 = tpu.memref_slice %arg3[%multiple_of3A] : memref<40960xi32, #tpu.memory_space<hbm>> -> memref<128xi32, #tpu.memory_space<hbm>>
        %dma_start3A_81 = arith.constant 0 : i32
        %dma_start3A_82 = tpu.memref_slice %arg5[%run_scoped3A, %dma_start3A_81] : memref<2x128xi32, #tpu.memory_space<vmem>> -> memref<1x128xi32, #tpu.memory_space<vmem>>
        %dma_start3A_83 = tpu.memref_squeeze %dma_start3A_82 : memref<1x128xi32, #tpu.memory_space<vmem>> -> memref<128xi32, #tpu.memory_space<vmem>>
        %dma_start3A_84 = tpu.memref_slice %arg3[%multiple_of3A] : memref<40960xi32, #tpu.memory_space<hbm>> -> memref<128xi32, #tpu.memory_space<hbm>>
        tpu.enqueue_dma source(%dma_start3A_84 : memref<128xi32, #tpu.memory_space<hbm>>) target(%dma_start3A_83 : memref<128xi32, #tpu.memory_space<vmem>>) target_semaphore(%run_scoped3A_76 : memref<!tpu.dma_semaphore, #tpu.memory_space<semaphore_mem>>)
        %dma_wait3A_85 = arith.constant 0 : i32
        %dma_wait3A_86 = tpu.memref_slice %arg5[%run_scoped3A, %dma_wait3A_85] : memref<2x128xi32, #tpu.memory_space<vmem>> -> memref<1x128xi32, #tpu.memory_space<vmem>>
        %dma_wait3A_87 = tpu.memref_squeeze %dma_wait3A_86 : memref<1x128xi32, #tpu.memory_space<vmem>> -> memref<128xi32, #tpu.memory_space<vmem>>
        %dma_wait3A_88 = tpu.memref_slice %arg3[%multiple_of3A] : memref<40960xi32, #tpu.memory_space<hbm>> -> memref<128xi32, #tpu.memory_space<hbm>>
        %dma_wait3A_89 = arith.constant 0 : i32
        %dma_wait3A_90 = tpu.memref_slice %arg5[%run_scoped3A, %dma_wait3A_89] : memref<2x128xi32, #tpu.memory_space<vmem>> -> memref<1x128xi32, #tpu.memory_space<vmem>>
        %dma_wait3A_91 = tpu.memref_squeeze %dma_wait3A_90 : memref<1x128xi32, #tpu.memory_space<vmem>> -> memref<128xi32, #tpu.memory_space<vmem>>
        %dma_wait3A_92 = tpu.memref_slice %arg3[%multiple_of3A] : memref<40960xi32, #tpu.memory_space<hbm>> -> memref<128xi32, #tpu.memory_space<hbm>>
        tpu.wait_dma2 semaphore(%run_scoped3A_76 : memref<!tpu.dma_semaphore, #tpu.memory_space<semaphore_mem>>) src(%dma_wait3A_92 : memref<128xi32, #tpu.memory_space<hbm>>) dst(%dma_wait3A_91 : memref<128xi32, #tpu.memory_space<vmem>>)
        tpu.yield
      }) : () -> ()
      %dma_start3A = arith.constant 0 : i32
      %dma_start3A_20 = arith.constant 0 : i32
      %dma_start3A_21 = tpu.memref_slice %arg5[%dma_start3A, %dma_start3A_20] : memref<2x128xi32, #tpu.memory_space<vmem>> -> memref<1x128xi32, #tpu.memory_space<vmem>>
      %dma_start3A_22 = tpu.memref_squeeze %dma_start3A_21 : memref<1x128xi32, #tpu.memory_space<vmem>> -> memref<128xi32, #tpu.memory_space<vmem>>
      %dma_start3A_23 = arith.constant 0 : i32
      %dma_start3A_24 = arith.constant 0 : i32
      %dma_start3A_25 = tpu.memref_slice %arg2[%dma_start3A_23, %dma_start3A_24] : memref<2048x64xf32, #tpu.memory_space<hbm>> -> memref<2048x64xf32, #tpu.memory_space<hbm>>
      tpu.enqueue_indirect_dma source(%dma_start3A_25 : memref<2048x64xf32, #tpu.memory_space<hbm>>) target(%arg6 : memref<128x64xf32, #tpu.memory_space<vmem>>) offsets(%dma_start3A_22 : memref<128xi32, #tpu.memory_space<vmem>>) semaphore(%arg8 : memref<!tpu.dma_semaphore, #tpu.memory_space<semaphore_mem>>)
      %mul3A_26 = arith.constant 128 : i32
      %mul3A_27 = arith.muli %add3A_16, %mul3A_26 : i32
      %add3A_28 = arith.addi %mul3A_2, %mul3A_27 : i32
      %multiple_of3A_29 = tpu.assume_multiple %add3A_28, 8 : i32
      %run_scoped3A_30 = arith.constant 1 : i32
      "tpu.region"() ({
        %run_scoped3A_76 = tpu.sem_alloc : memref<!tpu.dma_semaphore, #tpu.memory_space<semaphore_mem>>
        %dma_start3A_77 = arith.constant 0 : i32
        %dma_start3A_78 = tpu.memref_slice %arg5[%run_scoped3A_30, %dma_start3A_77] : memref<2x128xi32, #tpu.memory_space<vmem>> -> memref<1x128xi32, #tpu.memory_space<vmem>>
        %dma_start3A_79 = tpu.memref_squeeze %dma_start3A_78 : memref<1x128xi32, #tpu.memory_space<vmem>> -> memref<128xi32, #tpu.memory_space<vmem>>
        %dma_start3A_80 = tpu.memref_slice %arg3[%multiple_of3A_29] : memref<40960xi32, #tpu.memory_space<hbm>> -> memref<128xi32, #tpu.memory_space<hbm>>
        %dma_start3A_81 = arith.constant 0 : i32
        %dma_start3A_82 = tpu.memref_slice %arg5[%run_scoped3A_30, %dma_start3A_81] : memref<2x128xi32, #tpu.memory_space<vmem>> -> memref<1x128xi32, #tpu.memory_space<vmem>>
        %dma_start3A_83 = tpu.memref_squeeze %dma_start3A_82 : memref<1x128xi32, #tpu.memory_space<vmem>> -> memref<128xi32, #tpu.memory_space<vmem>>
        %dma_start3A_84 = tpu.memref_slice %arg3[%multiple_of3A_29] : memref<40960xi32, #tpu.memory_space<hbm>> -> memref<128xi32, #tpu.memory_space<hbm>>
        tpu.enqueue_dma source(%dma_start3A_84 : memref<128xi32, #tpu.memory_space<hbm>>) target(%dma_start3A_83 : memref<128xi32, #tpu.memory_space<vmem>>) target_semaphore(%run_scoped3A_76 : memref<!tpu.dma_semaphore, #tpu.memory_space<semaphore_mem>>)
        %dma_wait3A_85 = arith.constant 0 : i32
        %dma_wait3A_86 = tpu.memref_slice %arg5[%run_scoped3A_30, %dma_wait3A_85] : memref<2x128xi32, #tpu.memory_space<vmem>> -> memref<1x128xi32, #tpu.memory_space<vmem>>
        %dma_wait3A_87 = tpu.memref_squeeze %dma_wait3A_86 : memref<1x128xi32, #tpu.memory_space<vmem>> -> memref<128xi32, #tpu.memory_space<vmem>>
        %dma_wait3A_88 = tpu.memref_slice %arg3[%multiple_of3A_29] : memref<40960xi32, #tpu.memory_space<hbm>> -> memref<128xi32, #tpu.memory_space<hbm>>
        %dma_wait3A_89 = arith.constant 0 : i32
        %dma_wait3A_90 = tpu.memref_slice %arg5[%run_scoped3A_30, %dma_wait3A_89] : memref<2x128xi32, #tpu.memory_space<vmem>> -> memref<1x128xi32, #tpu.memory_space<vmem>>
        %dma_wait3A_91 = tpu.memref_squeeze %dma_wait3A_90 : memref<1x128xi32, #tpu.memory_space<vmem>> -> memref<128xi32, #tpu.memory_space<vmem>>
        %dma_wait3A_92 = tpu.memref_slice %arg3[%multiple_of3A_29] : memref<40960xi32, #tpu.memory_space<hbm>> -> memref<128xi32, #tpu.memory_space<hbm>>
        tpu.wait_dma2 semaphore(%run_scoped3A_76 : memref<!tpu.dma_semaphore, #tpu.memory_space<semaphore_mem>>) src(%dma_wait3A_92 : memref<128xi32, #tpu.memory_space<hbm>>) dst(%dma_wait3A_91 : memref<128xi32, #tpu.memory_space<vmem>>)
        tpu.yield
      }) : () -> ()
      %dma_start3A_31 = arith.constant 1 : i32
      %dma_start3A_32 = arith.constant 0 : i32
      %dma_start3A_33 = tpu.memref_slice %arg5[%dma_start3A_31, %dma_start3A_32] : memref<2x128xi32, #tpu.memory_space<vmem>> -> memref<1x128xi32, #tpu.memory_space<vmem>>
      %dma_start3A_34 = tpu.memref_squeeze %dma_start3A_33 : memref<1x128xi32, #tpu.memory_space<vmem>> -> memref<128xi32, #tpu.memory_space<vmem>>
      %dma_start3A_35 = arith.constant 0 : i32
      %dma_start3A_36 = arith.constant 0 : i32
      %dma_start3A_37 = tpu.memref_slice %arg2[%dma_start3A_35, %dma_start3A_36] : memref<2048x64xf32, #tpu.memory_space<hbm>> -> memref<2048x64xf32, #tpu.memory_space<hbm>>
      tpu.enqueue_indirect_dma source(%dma_start3A_37 : memref<2048x64xf32, #tpu.memory_space<hbm>>) target(%arg7 : memref<128x64xf32, #tpu.memory_space<vmem>>) offsets(%dma_start3A_34 : memref<128xi32, #tpu.memory_space<vmem>>) semaphore(%arg9 : memref<!tpu.dma_semaphore, #tpu.memory_space<semaphore_mem>>)
      %dma_wait3A = arith.constant 0 : i32
      %dma_wait3A_38 = arith.constant 0 : i32
      %dma_wait3A_39 = tpu.memref_slice %arg5[%dma_wait3A, %dma_wait3A_38] : memref<2x128xi32, #tpu.memory_space<vmem>> -> memref<1x128xi32, #tpu.memory_space<vmem>>
      %dma_wait3A_40 = tpu.memref_squeeze %dma_wait3A_39 : memref<1x128xi32, #tpu.memory_space<vmem>> -> memref<128xi32, #tpu.memory_space<vmem>>
      %dma_wait3A_41 = arith.constant 0 : i32
      %dma_wait3A_42 = arith.constant 0 : i32
      %dma_wait3A_43 = tpu.memref_slice %arg2[%dma_wait3A_41, %dma_wait3A_42] : memref<2048x64xf32, #tpu.memory_space<hbm>> -> memref<2048x64xf32, #tpu.memory_space<hbm>>
      tpu.wait_indirect_dma semaphore(%arg8 : memref<!tpu.dma_semaphore, #tpu.memory_space<semaphore_mem>>) src(%dma_wait3A_43 : memref<2048x64xf32, #tpu.memory_space<hbm>>) dst(%arg6 : memref<128x64xf32, #tpu.memory_space<vmem>>)
      %mul3A_44 = arith.constant 128 : i32
      %mul3A_45 = arith.muli %mul3A_12, %mul3A_44 : i32
      %add3A_46 = arith.addi %mul3A_2, %mul3A_45 : i32
      %multiple_of3A_47 = tpu.assume_multiple %add3A_46, 8 : i32
      %dma_start3A_48 = arith.constant 0 : i32
      %dma_start3A_49 = tpu.memref_slice %arg4[%multiple_of3A_47, %dma_start3A_48] : memref<40960x64xf32, #tpu.memory_space<hbm>> -> memref<128x64xf32, #tpu.memory_space<hbm>>
      %dma_start3A_50 = arith.constant 0 : i32
      %dma_start3A_51 = tpu.memref_slice %arg4[%multiple_of3A_47, %dma_start3A_50] : memref<40960x64xf32, #tpu.memory_space<hbm>> -> memref<128x64xf32, #tpu.memory_space<hbm>>
      tpu.enqueue_dma source(%arg6 : memref<128x64xf32, #tpu.memory_space<vmem>>) target(%dma_start3A_51 : memref<128x64xf32, #tpu.memory_space<hbm>>) target_semaphore(%arg10 : memref<!tpu.dma_semaphore, #tpu.memory_space<semaphore_mem>>)
      %dma_wait3A_52 = arith.constant 1 : i32
      %dma_wait3A_53 = arith.constant 0 : i32
      %dma_wait3A_54 = tpu.memref_slice %arg5[%dma_wait3A_52, %dma_wait3A_53] : memref<2x128xi32, #tpu.memory_space<vmem>> -> memref<1x128xi32, #tpu.memory_space<vmem>>
      %dma_wait3A_55 = tpu.memref_squeeze %dma_wait3A_54 : memref<1x128xi32, #tpu.memory_space<vmem>> -> memref<128xi32, #tpu.memory_space<vmem>>
      %dma_wait3A_56 = arith.constant 0 : i32
      %dma_wait3A_57 = arith.constant 0 : i32
      %dma_wait3A_58 = tpu.memref_slice %arg2[%dma_wait3A_56, %dma_wait3A_57] : memref<2048x64xf32, #tpu.memory_space<hbm>> -> memref<2048x64xf32, #tpu.memory_space<hbm>>
      tpu.wait_indirect_dma semaphore(%arg9 : memref<!tpu.dma_semaphore, #tpu.memory_space<semaphore_mem>>) src(%dma_wait3A_58 : memref<2048x64xf32, #tpu.memory_space<hbm>>) dst(%arg7 : memref<128x64xf32, #tpu.memory_space<vmem>>)
      %mul3A_59 = arith.constant 128 : i32
      %mul3A_60 = arith.muli %add3A_16, %mul3A_59 : i32
      %add3A_61 = arith.addi %mul3A_2, %mul3A_60 : i32
      %multiple_of3A_62 = tpu.assume_multiple %add3A_61, 8 : i32
      %dma_start3A_63 = arith.constant 0 : i32
      %dma_start3A_64 = tpu.memref_slice %arg4[%multiple_of3A_62, %dma_start3A_63] : memref<40960x64xf32, #tpu.memory_space<hbm>> -> memref<128x64xf32, #tpu.memory_space<hbm>>
      %dma_start3A_65 = arith.constant 0 : i32
      %dma_start3A_66 = tpu.memref_slice %arg4[%multiple_of3A_62, %dma_start3A_65] : memref<40960x64xf32, #tpu.memory_space<hbm>> -> memref<128x64xf32, #tpu.memory_space<hbm>>
      tpu.enqueue_dma source(%arg7 : memref<128x64xf32, #tpu.memory_space<vmem>>) target(%dma_start3A_66 : memref<128x64xf32, #tpu.memory_space<hbm>>) target_semaphore(%arg11 : memref<!tpu.dma_semaphore, #tpu.memory_space<semaphore_mem>>)
      %dma_wait3A_67 = arith.constant 0 : i32
      %dma_wait3A_68 = tpu.memref_slice %arg4[%multiple_of3A_47, %dma_wait3A_67] : memref<40960x64xf32, #tpu.memory_space<hbm>> -> memref<128x64xf32, #tpu.memory_space<hbm>>
      %dma_wait3A_69 = arith.constant 0 : i32
      %dma_wait3A_70 = tpu.memref_slice %arg4[%multiple_of3A_47, %dma_wait3A_69] : memref<40960x64xf32, #tpu.memory_space<hbm>> -> memref<128x64xf32, #tpu.memory_space<hbm>>
      tpu.wait_dma2 semaphore(%arg10 : memref<!tpu.dma_semaphore, #tpu.memory_space<semaphore_mem>>) src(%arg6 : memref<128x64xf32, #tpu.memory_space<vmem>>) dst(%dma_wait3A_70 : memref<128x64xf32, #tpu.memory_space<hbm>>)
      %dma_wait3A_71 = arith.constant 0 : i32
      %dma_wait3A_72 = tpu.memref_slice %arg4[%multiple_of3A_62, %dma_wait3A_71] : memref<40960x64xf32, #tpu.memory_space<hbm>> -> memref<128x64xf32, #tpu.memory_space<hbm>>
      %dma_wait3A_73 = arith.constant 0 : i32
      %dma_wait3A_74 = tpu.memref_slice %arg4[%multiple_of3A_62, %dma_wait3A_73] : memref<40960x64xf32, #tpu.memory_space<hbm>> -> memref<128x64xf32, #tpu.memory_space<hbm>>
      tpu.wait_dma2 semaphore(%arg11 : memref<!tpu.dma_semaphore, #tpu.memory_space<semaphore_mem>>) src(%arg7 : memref<128x64xf32, #tpu.memory_space<vmem>>) dst(%dma_wait3A_74 : memref<128x64xf32, #tpu.memory_space<hbm>>)
      %scan3A_75 = arith.constant 0 : i32
      scf.yield %scan3A_75 : i32
    }
    %scan3A_8 = arith.constant 5 : i32
    return
  }
}

#map = affine_map<(d0, d1) -> (0, 0)>
#map1 = affine_map<(d0, d1) -> (0)>
module attributes {stable_mosaic.version = 14 : i64} {
  func.func @sc_kernel(%arg0: i32, %arg1: i32, %arg2: memref<2048x128xf32, #tpu.memory_space<hbm>>, %arg3: memref<40960xi32, #tpu.memory_space<hbm>>, %arg4: memref<40960x128xf32, #tpu.memory_space<hbm>>, %arg5: memref<2x128xi32, #tpu.memory_space<vmem>>, %arg6: memref<128x128xf32, #tpu.memory_space<vmem>>, %arg7: memref<128x128xf32, #tpu.memory_space<vmem>>, %arg8: memref<!tpu.dma_semaphore, #tpu.memory_space<semaphore_mem>>, %arg9: memref<!tpu.dma_semaphore, #tpu.memory_space<semaphore_mem>>, %arg10: memref<!tpu.dma_semaphore, #tpu.memory_space<semaphore_mem>>, %arg11: memref<!tpu.dma_semaphore, #tpu.memory_space<semaphore_mem>>) attributes {dimension_semantics = [#tpu.dimension_semantics<core_parallel>, #tpu.dimension_semantics<subcore_parallel>], iteration_bounds = array<i64: 2, 16>, scalar_prefetch = 0 : i64, scratch_operands = 7 : i64, tpu.core_type = #tpu.core_type<sc_vector_subcore>, window_params = [{transform_indices = #map}, {transform_indices = #map1}, {transform_indices = #map}]} {
    %mul3A = arith.constant 2 : i32
    %mul3A_0 = arith.muli %arg1, %mul3A : i32
    %add3A = arith.addi %mul3A_0, %arg0 : i32
    %mul3A_1 = arith.constant 1280 : i32
    %mul3A_2 = arith.muli %add3A, %mul3A_1 : i32
    %scan3A = arith.constant 0 : i32
    %scan3A_3 = arith.constant 0 : i32
    %scan3A_4 = arith.constant 5 : i32
    %scan3A_5 = arith.addi %scan3A_3, %scan3A_4 : i32
    %scan3A_6 = arith.constant 1 : i32
    %scan3A_7 = scf.for %scan3A_9 = %scan3A_3 to %scan3A_5 step %scan3A_6 iter_args(%scan3A_10 = %scan3A) -> (i32)  : i32 {
      %mul3A_11 = arith.constant 2 : i32
      %mul3A_12 = arith.muli %mul3A_11, %scan3A_9 : i32
      %mul3A_13 = arith.constant 2 : i32
      %mul3A_14 = arith.muli %mul3A_13, %scan3A_9 : i32
      %add3A_15 = arith.constant 1 : i32
      %add3A_16 = arith.addi %mul3A_14, %add3A_15 : i32
      %mul3A_17 = arith.constant 128 : i32
      %mul3A_18 = arith.muli %mul3A_12, %mul3A_17 : i32
      %add3A_19 = arith.addi %mul3A_2, %mul3A_18 : i32
      %multiple_of3A = tpu.assume_multiple %add3A_19, 8 : i32
      %run_scoped3A = arith.constant 0 : i32
      "tpu.region"() ({
        %run_scoped3A_76 = tpu.sem_alloc : memref<!tpu.dma_semaphore, #tpu.memory_space<semaphore_mem>>
        %dma_start3A_77 = arith.constant 0 : i32
        %dma_start3A_78 = tpu.memref_slice %arg5[%run_scoped3A, %dma_start3A_77] : memref<2x128xi32, #tpu.memory_space<vmem>> -> memref<1x128xi32, #tpu.memory_space<vmem>>
        %dma_start3A_79 = tpu.memref_squeeze %dma_start3A_78 : memref<1x128xi32, #tpu.memory_space<vmem>> -> memref<128xi32, #tpu.memory_space<vmem>>
        %dma_start3A_80 = tpu.memref_slice %arg3[%multiple_of3A] : memref<40960xi32, #tpu.memory_space<hbm>> -> memref<128xi32, #tpu.memory_space<hbm>>
        %dma_start3A_81 = arith.constant 0 : i32
        %dma_start3A_82 = tpu.memref_slice %arg5[%run_scoped3A, %dma_start3A_81] : memref<2x128xi32, #tpu.memory_space<vmem>> -> memref<1x128xi32, #tpu.memory_space<vmem>>
        %dma_start3A_83 = tpu.memref_squeeze %dma_start3A_82 : memref<1x128xi32, #tpu.memory_space<vmem>> -> memref<128xi32, #tpu.memory_space<vmem>>
        %dma_start3A_84 = tpu.memref_slice %arg3[%multiple_of3A] : memref<40960xi32, #tpu.memory_space<hbm>> -> memref<128xi32, #tpu.memory_space<hbm>>
        tpu.enqueue_dma source(%dma_start3A_84 : memref<128xi32, #tpu.memory_space<hbm>>) target(%dma_start3A_83 : memref<128xi32, #tpu.memory_space<vmem>>) target_semaphore(%run_scoped3A_76 : memref<!tpu.dma_semaphore, #tpu.memory_space<semaphore_mem>>)
        %dma_wait3A_85 = arith.constant 0 : i32
        %dma_wait3A_86 = tpu.memref_slice %arg5[%run_scoped3A, %dma_wait3A_85] : memref<2x128xi32, #tpu.memory_space<vmem>> -> memref<1x128xi32, #tpu.memory_space<vmem>>
        %dma_wait3A_87 = tpu.memref_squeeze %dma_wait3A_86 : memref<1x128xi32, #tpu.memory_space<vmem>> -> memref<128xi32, #tpu.memory_space<vmem>>
        %dma_wait3A_88 = tpu.memref_slice %arg3[%multiple_of3A] : memref<40960xi32, #tpu.memory_space<hbm>> -> memref<128xi32, #tpu.memory_space<hbm>>
        %dma_wait3A_89 = arith.constant 0 : i32
        %dma_wait3A_90 = tpu.memref_slice %arg5[%run_scoped3A, %dma_wait3A_89] : memref<2x128xi32, #tpu.memory_space<vmem>> -> memref<1x128xi32, #tpu.memory_space<vmem>>
        %dma_wait3A_91 = tpu.memref_squeeze %dma_wait3A_90 : memref<1x128xi32, #tpu.memory_space<vmem>> -> memref<128xi32, #tpu.memory_space<vmem>>
        %dma_wait3A_92 = tpu.memref_slice %arg3[%multiple_of3A] : memref<40960xi32, #tpu.memory_space<hbm>> -> memref<128xi32, #tpu.memory_space<hbm>>
        tpu.wait_dma2 semaphore(%run_scoped3A_76 : memref<!tpu.dma_semaphore, #tpu.memory_space<semaphore_mem>>) src(%dma_wait3A_92 : memref<128xi32, #tpu.memory_space<hbm>>) dst(%dma_wait3A_91 : memref<128xi32, #tpu.memory_space<vmem>>)
        tpu.yield
      }) : () -> ()
      %dma_start3A = arith.constant 0 : i32
      %dma_start3A_20 = arith.constant 0 : i32
      %dma_start3A_21 = tpu.memref_slice %arg5[%dma_start3A, %dma_start3A_20] : memref<2x128xi32, #tpu.memory_space<vmem>> -> memref<1x128xi32, #tpu.memory_space<vmem>>
      %dma_start3A_22 = tpu.memref_squeeze %dma_start3A_21 : memref<1x128xi32, #tpu.memory_space<vmem>> -> memref<128xi32, #tpu.memory_space<vmem>>
      %dma_start3A_23 = arith.constant 0 : i32
      %dma_start3A_24 = arith.constant 0 : i32
      %dma_start3A_25 = tpu.memref_slice %arg2[%dma_start3A_23, %dma_start3A_24] : memref<2048x128xf32, #tpu.memory_space<hbm>> -> memref<2048x128xf32, #tpu.memory_space<hbm>>
      tpu.enqueue_indirect_dma source(%dma_start3A_25 : memref<2048x128xf32, #tpu.memory_space<hbm>>) target(%arg6 : memref<128x128xf32, #tpu.memory_space<vmem>>) offsets(%dma_start3A_22 : memref<128xi32, #tpu.memory_space<vmem>>) semaphore(%arg8 : memref<!tpu.dma_semaphore, #tpu.memory_space<semaphore_mem>>)
      %mul3A_26 = arith.constant 128 : i32
      %mul3A_27 = arith.muli %add3A_16, %mul3A_26 : i32
      %add3A_28 = arith.addi %mul3A_2, %mul3A_27 : i32
      %multiple_of3A_29 = tpu.assume_multiple %add3A_28, 8 : i32
      %run_scoped3A_30 = arith.constant 1 : i32
      "tpu.region"() ({
        %run_scoped3A_76 = tpu.sem_alloc : memref<!tpu.dma_semaphore, #tpu.memory_space<semaphore_mem>>
        %dma_start3A_77 = arith.constant 0 : i32
        %dma_start3A_78 = tpu.memref_slice %arg5[%run_scoped3A_30, %dma_start3A_77] : memref<2x128xi32, #tpu.memory_space<vmem>> -> memref<1x128xi32, #tpu.memory_space<vmem>>
        %dma_start3A_79 = tpu.memref_squeeze %dma_start3A_78 : memref<1x128xi32, #tpu.memory_space<vmem>> -> memref<128xi32, #tpu.memory_space<vmem>>
        %dma_start3A_80 = tpu.memref_slice %arg3[%multiple_of3A_29] : memref<40960xi32, #tpu.memory_space<hbm>> -> memref<128xi32, #tpu.memory_space<hbm>>
        %dma_start3A_81 = arith.constant 0 : i32
        %dma_start3A_82 = tpu.memref_slice %arg5[%run_scoped3A_30, %dma_start3A_81] : memref<2x128xi32, #tpu.memory_space<vmem>> -> memref<1x128xi32, #tpu.memory_space<vmem>>
        %dma_start3A_83 = tpu.memref_squeeze %dma_start3A_82 : memref<1x128xi32, #tpu.memory_space<vmem>> -> memref<128xi32, #tpu.memory_space<vmem>>
        %dma_start3A_84 = tpu.memref_slice %arg3[%multiple_of3A_29] : memref<40960xi32, #tpu.memory_space<hbm>> -> memref<128xi32, #tpu.memory_space<hbm>>
        tpu.enqueue_dma source(%dma_start3A_84 : memref<128xi32, #tpu.memory_space<hbm>>) target(%dma_start3A_83 : memref<128xi32, #tpu.memory_space<vmem>>) target_semaphore(%run_scoped3A_76 : memref<!tpu.dma_semaphore, #tpu.memory_space<semaphore_mem>>)
        %dma_wait3A_85 = arith.constant 0 : i32
        %dma_wait3A_86 = tpu.memref_slice %arg5[%run_scoped3A_30, %dma_wait3A_85] : memref<2x128xi32, #tpu.memory_space<vmem>> -> memref<1x128xi32, #tpu.memory_space<vmem>>
        %dma_wait3A_87 = tpu.memref_squeeze %dma_wait3A_86 : memref<1x128xi32, #tpu.memory_space<vmem>> -> memref<128xi32, #tpu.memory_space<vmem>>
        %dma_wait3A_88 = tpu.memref_slice %arg3[%multiple_of3A_29] : memref<40960xi32, #tpu.memory_space<hbm>> -> memref<128xi32, #tpu.memory_space<hbm>>
        %dma_wait3A_89 = arith.constant 0 : i32
        %dma_wait3A_90 = tpu.memref_slice %arg5[%run_scoped3A_30, %dma_wait3A_89] : memref<2x128xi32, #tpu.memory_space<vmem>> -> memref<1x128xi32, #tpu.memory_space<vmem>>
        %dma_wait3A_91 = tpu.memref_squeeze %dma_wait3A_90 : memref<1x128xi32, #tpu.memory_space<vmem>> -> memref<128xi32, #tpu.memory_space<vmem>>
        %dma_wait3A_92 = tpu.memref_slice %arg3[%multiple_of3A_29] : memref<40960xi32, #tpu.memory_space<hbm>> -> memref<128xi32, #tpu.memory_space<hbm>>
        tpu.wait_dma2 semaphore(%run_scoped3A_76 : memref<!tpu.dma_semaphore, #tpu.memory_space<semaphore_mem>>) src(%dma_wait3A_92 : memref<128xi32, #tpu.memory_space<hbm>>) dst(%dma_wait3A_91 : memref<128xi32, #tpu.memory_space<vmem>>)
        tpu.yield
      }) : () -> ()
      %dma_start3A_31 = arith.constant 1 : i32
      %dma_start3A_32 = arith.constant 0 : i32
      %dma_start3A_33 = tpu.memref_slice %arg5[%dma_start3A_31, %dma_start3A_32] : memref<2x128xi32, #tpu.memory_space<vmem>> -> memref<1x128xi32, #tpu.memory_space<vmem>>
      %dma_start3A_34 = tpu.memref_squeeze %dma_start3A_33 : memref<1x128xi32, #tpu.memory_space<vmem>> -> memref<128xi32, #tpu.memory_space<vmem>>
      %dma_start3A_35 = arith.constant 0 : i32
      %dma_start3A_36 = arith.constant 0 : i32
      %dma_start3A_37 = tpu.memref_slice %arg2[%dma_start3A_35, %dma_start3A_36] : memref<2048x128xf32, #tpu.memory_space<hbm>> -> memref<2048x128xf32, #tpu.memory_space<hbm>>
      tpu.enqueue_indirect_dma source(%dma_start3A_37 : memref<2048x128xf32, #tpu.memory_space<hbm>>) target(%arg7 : memref<128x128xf32, #tpu.memory_space<vmem>>) offsets(%dma_start3A_34 : memref<128xi32, #tpu.memory_space<vmem>>) semaphore(%arg9 : memref<!tpu.dma_semaphore, #tpu.memory_space<semaphore_mem>>)
      %dma_wait3A = arith.constant 0 : i32
      %dma_wait3A_38 = arith.constant 0 : i32
      %dma_wait3A_39 = tpu.memref_slice %arg5[%dma_wait3A, %dma_wait3A_38] : memref<2x128xi32, #tpu.memory_space<vmem>> -> memref<1x128xi32, #tpu.memory_space<vmem>>
      %dma_wait3A_40 = tpu.memref_squeeze %dma_wait3A_39 : memref<1x128xi32, #tpu.memory_space<vmem>> -> memref<128xi32, #tpu.memory_space<vmem>>
      %dma_wait3A_41 = arith.constant 0 : i32
      %dma_wait3A_42 = arith.constant 0 : i32
      %dma_wait3A_43 = tpu.memref_slice %arg2[%dma_wait3A_41, %dma_wait3A_42] : memref<2048x128xf32, #tpu.memory_space<hbm>> -> memref<2048x128xf32, #tpu.memory_space<hbm>>
      tpu.wait_indirect_dma semaphore(%arg8 : memref<!tpu.dma_semaphore, #tpu.memory_space<semaphore_mem>>) src(%dma_wait3A_43 : memref<2048x128xf32, #tpu.memory_space<hbm>>) dst(%arg6 : memref<128x128xf32, #tpu.memory_space<vmem>>)
      %mul3A_44 = arith.constant 128 : i32
      %mul3A_45 = arith.muli %mul3A_12, %mul3A_44 : i32
      %add3A_46 = arith.addi %mul3A_2, %mul3A_45 : i32
      %multiple_of3A_47 = tpu.assume_multiple %add3A_46, 8 : i32
      %dma_start3A_48 = arith.constant 0 : i32
      %dma_start3A_49 = tpu.memref_slice %arg4[%multiple_of3A_47, %dma_start3A_48] : memref<40960x128xf32, #tpu.memory_space<hbm>> -> memref<128x128xf32, #tpu.memory_space<hbm>>
      %dma_start3A_50 = arith.constant 0 : i32
      %dma_start3A_51 = tpu.memref_slice %arg4[%multiple_of3A_47, %dma_start3A_50] : memref<40960x128xf32, #tpu.memory_space<hbm>> -> memref<128x128xf32, #tpu.memory_space<hbm>>
      tpu.enqueue_dma source(%arg6 : memref<128x128xf32, #tpu.memory_space<vmem>>) target(%dma_start3A_51 : memref<128x128xf32, #tpu.memory_space<hbm>>) target_semaphore(%arg10 : memref<!tpu.dma_semaphore, #tpu.memory_space<semaphore_mem>>)
      %dma_wait3A_52 = arith.constant 1 : i32
      %dma_wait3A_53 = arith.constant 0 : i32
      %dma_wait3A_54 = tpu.memref_slice %arg5[%dma_wait3A_52, %dma_wait3A_53] : memref<2x128xi32, #tpu.memory_space<vmem>> -> memref<1x128xi32, #tpu.memory_space<vmem>>
      %dma_wait3A_55 = tpu.memref_squeeze %dma_wait3A_54 : memref<1x128xi32, #tpu.memory_space<vmem>> -> memref<128xi32, #tpu.memory_space<vmem>>
      %dma_wait3A_56 = arith.constant 0 : i32
      %dma_wait3A_57 = arith.constant 0 : i32
      %dma_wait3A_58 = tpu.memref_slice %arg2[%dma_wait3A_56, %dma_wait3A_57] : memref<2048x128xf32, #tpu.memory_space<hbm>> -> memref<2048x128xf32, #tpu.memory_space<hbm>>
      tpu.wait_indirect_dma semaphore(%arg9 : memref<!tpu.dma_semaphore, #tpu.memory_space<semaphore_mem>>) src(%dma_wait3A_58 : memref<2048x128xf32, #tpu.memory_space<hbm>>) dst(%arg7 : memref<128x128xf32, #tpu.memory_space<vmem>>)
      %mul3A_59 = arith.constant 128 : i32
      %mul3A_60 = arith.muli %add3A_16, %mul3A_59 : i32
      %add3A_61 = arith.addi %mul3A_2, %mul3A_60 : i32
      %multiple_of3A_62 = tpu.assume_multiple %add3A_61, 8 : i32
      %dma_start3A_63 = arith.constant 0 : i32
      %dma_start3A_64 = tpu.memref_slice %arg4[%multiple_of3A_62, %dma_start3A_63] : memref<40960x128xf32, #tpu.memory_space<hbm>> -> memref<128x128xf32, #tpu.memory_space<hbm>>
      %dma_start3A_65 = arith.constant 0 : i32
      %dma_start3A_66 = tpu.memref_slice %arg4[%multiple_of3A_62, %dma_start3A_65] : memref<40960x128xf32, #tpu.memory_space<hbm>> -> memref<128x128xf32, #tpu.memory_space<hbm>>
      tpu.enqueue_dma source(%arg7 : memref<128x128xf32, #tpu.memory_space<vmem>>) target(%dma_start3A_66 : memref<128x128xf32, #tpu.memory_space<hbm>>) target_semaphore(%arg11 : memref<!tpu.dma_semaphore, #tpu.memory_space<semaphore_mem>>)
      %dma_wait3A_67 = arith.constant 0 : i32
      %dma_wait3A_68 = tpu.memref_slice %arg4[%multiple_of3A_47, %dma_wait3A_67] : memref<40960x128xf32, #tpu.memory_space<hbm>> -> memref<128x128xf32, #tpu.memory_space<hbm>>
      %dma_wait3A_69 = arith.constant 0 : i32
      %dma_wait3A_70 = tpu.memref_slice %arg4[%multiple_of3A_47, %dma_wait3A_69] : memref<40960x128xf32, #tpu.memory_space<hbm>> -> memref<128x128xf32, #tpu.memory_space<hbm>>
      tpu.wait_dma2 semaphore(%arg10 : memref<!tpu.dma_semaphore, #tpu.memory_space<semaphore_mem>>) src(%arg6 : memref<128x128xf32, #tpu.memory_space<vmem>>) dst(%dma_wait3A_70 : memref<128x128xf32, #tpu.memory_space<hbm>>)
      %dma_wait3A_71 = arith.constant 0 : i32
      %dma_wait3A_72 = tpu.memref_slice %arg4[%multiple_of3A_62, %dma_wait3A_71] : memref<40960x128xf32, #tpu.memory_space<hbm>> -> memref<128x128xf32, #tpu.memory_space<hbm>>
      %dma_wait3A_73 = arith.constant 0 : i32
      %dma_wait3A_74 = tpu.memref_slice %arg4[%multiple_of3A_62, %dma_wait3A_73] : memref<40960x128xf32, #tpu.memory_space<hbm>> -> memref<128x128xf32, #tpu.memory_space<hbm>>
      tpu.wait_dma2 semaphore(%arg11 : memref<!tpu.dma_semaphore, #tpu.memory_space<semaphore_mem>>) src(%arg7 : memref<128x128xf32, #tpu.memory_space<vmem>>) dst(%dma_wait3A_74 : memref<128x128xf32, #tpu.memory_space<hbm>>)
      %scan3A_75 = arith.constant 0 : i32
      scf.yield %scan3A_75 : i32
    }
    %scan3A_8 = arith.constant 5 : i32
    return
  }
}

#map = affine_map<(d0, d1) -> (0, 0)>
#map1 = affine_map<(d0, d1) -> (0)>
module attributes {stable_mosaic.version = 14 : i64} {
  func.func @sc_kernel(%arg0: i32, %arg1: i32, %arg2: memref<2048x64xf32, #tpu.memory_space<hbm>>, %arg3: memref<40960xi32, #tpu.memory_space<hbm>>, %arg4: memref<40960x64xf32, #tpu.memory_space<hbm>>, %arg5: memref<2x128xi32, #tpu.memory_space<vmem>>, %arg6: memref<128x64xf32, #tpu.memory_space<vmem>>, %arg7: memref<128x64xf32, #tpu.memory_space<vmem>>, %arg8: memref<!tpu.dma_semaphore, #tpu.memory_space<semaphore_mem>>, %arg9: memref<!tpu.dma_semaphore, #tpu.memory_space<semaphore_mem>>, %arg10: memref<!tpu.dma_semaphore, #tpu.memory_space<semaphore_mem>>, %arg11: memref<!tpu.dma_semaphore, #tpu.memory_space<semaphore_mem>>) attributes {dimension_semantics = [#tpu.dimension_semantics<core_parallel>, #tpu.dimension_semantics<subcore_parallel>], iteration_bounds = array<i64: 2, 16>, scalar_prefetch = 0 : i64, scratch_operands = 7 : i64, tpu.core_type = #tpu.core_type<sc_vector_subcore>, window_params = [{transform_indices = #map}, {transform_indices = #map1}, {transform_indices = #map}]} {
    %mul3A = arith.constant 2 : i32
    %mul3A_0 = arith.muli %arg1, %mul3A : i32
    %add3A = arith.addi %mul3A_0, %arg0 : i32
    %mul3A_1 = arith.constant 1280 : i32
    %mul3A_2 = arith.muli %add3A, %mul3A_1 : i32
    %scan3A = arith.constant 0 : i32
    %scan3A_3 = arith.constant 0 : i32
    %scan3A_4 = arith.constant 5 : i32
    %scan3A_5 = arith.addi %scan3A_3, %scan3A_4 : i32
    %scan3A_6 = arith.constant 1 : i32
    %scan3A_7 = scf.for %scan3A_9 = %scan3A_3 to %scan3A_5 step %scan3A_6 iter_args(%scan3A_10 = %scan3A) -> (i32)  : i32 {
      %mul3A_11 = arith.constant 2 : i32
      %mul3A_12 = arith.muli %mul3A_11, %scan3A_9 : i32
      %mul3A_13 = arith.constant 2 : i32
      %mul3A_14 = arith.muli %mul3A_13, %scan3A_9 : i32
      %add3A_15 = arith.constant 1 : i32
      %add3A_16 = arith.addi %mul3A_14, %add3A_15 : i32
      %mul3A_17 = arith.constant 128 : i32
      %mul3A_18 = arith.muli %mul3A_12, %mul3A_17 : i32
      %add3A_19 = arith.addi %mul3A_2, %mul3A_18 : i32
      %multiple_of3A = tpu.assume_multiple %add3A_19, 8 : i32
      %run_scoped3A = arith.constant 0 : i32
      "tpu.region"() ({
        %run_scoped3A_76 = tpu.sem_alloc : memref<!tpu.dma_semaphore, #tpu.memory_space<semaphore_mem>>
        %dma_start3A_77 = arith.constant 0 : i32
        %dma_start3A_78 = tpu.memref_slice %arg5[%run_scoped3A, %dma_start3A_77] : memref<2x128xi32, #tpu.memory_space<vmem>> -> memref<1x128xi32, #tpu.memory_space<vmem>>
        %dma_start3A_79 = tpu.memref_squeeze %dma_start3A_78 : memref<1x128xi32, #tpu.memory_space<vmem>> -> memref<128xi32, #tpu.memory_space<vmem>>
        %dma_start3A_80 = tpu.memref_slice %arg3[%multiple_of3A] : memref<40960xi32, #tpu.memory_space<hbm>> -> memref<128xi32, #tpu.memory_space<hbm>>
        %dma_start3A_81 = arith.constant 0 : i32
        %dma_start3A_82 = tpu.memref_slice %arg5[%run_scoped3A, %dma_start3A_81] : memref<2x128xi32, #tpu.memory_space<vmem>> -> memref<1x128xi32, #tpu.memory_space<vmem>>
        %dma_start3A_83 = tpu.memref_squeeze %dma_start3A_82 : memref<1x128xi32, #tpu.memory_space<vmem>> -> memref<128xi32, #tpu.memory_space<vmem>>
        %dma_start3A_84 = tpu.memref_slice %arg3[%multiple_of3A] : memref<40960xi32, #tpu.memory_space<hbm>> -> memref<128xi32, #tpu.memory_space<hbm>>
        tpu.enqueue_dma source(%dma_start3A_84 : memref<128xi32, #tpu.memory_space<hbm>>) target(%dma_start3A_83 : memref<128xi32, #tpu.memory_space<vmem>>) target_semaphore(%run_scoped3A_76 : memref<!tpu.dma_semaphore, #tpu.memory_space<semaphore_mem>>)
        %dma_wait3A_85 = arith.constant 0 : i32
        %dma_wait3A_86 = tpu.memref_slice %arg5[%run_scoped3A, %dma_wait3A_85] : memref<2x128xi32, #tpu.memory_space<vmem>> -> memref<1x128xi32, #tpu.memory_space<vmem>>
        %dma_wait3A_87 = tpu.memref_squeeze %dma_wait3A_86 : memref<1x128xi32, #tpu.memory_space<vmem>> -> memref<128xi32, #tpu.memory_space<vmem>>
        %dma_wait3A_88 = tpu.memref_slice %arg3[%multiple_of3A] : memref<40960xi32, #tpu.memory_space<hbm>> -> memref<128xi32, #tpu.memory_space<hbm>>
        %dma_wait3A_89 = arith.constant 0 : i32
        %dma_wait3A_90 = tpu.memref_slice %arg5[%run_scoped3A, %dma_wait3A_89] : memref<2x128xi32, #tpu.memory_space<vmem>> -> memref<1x128xi32, #tpu.memory_space<vmem>>
        %dma_wait3A_91 = tpu.memref_squeeze %dma_wait3A_90 : memref<1x128xi32, #tpu.memory_space<vmem>> -> memref<128xi32, #tpu.memory_space<vmem>>
        %dma_wait3A_92 = tpu.memref_slice %arg3[%multiple_of3A] : memref<40960xi32, #tpu.memory_space<hbm>> -> memref<128xi32, #tpu.memory_space<hbm>>
        tpu.wait_dma2 semaphore(%run_scoped3A_76 : memref<!tpu.dma_semaphore, #tpu.memory_space<semaphore_mem>>) src(%dma_wait3A_92 : memref<128xi32, #tpu.memory_space<hbm>>) dst(%dma_wait3A_91 : memref<128xi32, #tpu.memory_space<vmem>>)
        tpu.yield
      }) : () -> ()
      %dma_start3A = arith.constant 0 : i32
      %dma_start3A_20 = arith.constant 0 : i32
      %dma_start3A_21 = tpu.memref_slice %arg5[%dma_start3A, %dma_start3A_20] : memref<2x128xi32, #tpu.memory_space<vmem>> -> memref<1x128xi32, #tpu.memory_space<vmem>>
      %dma_start3A_22 = tpu.memref_squeeze %dma_start3A_21 : memref<1x128xi32, #tpu.memory_space<vmem>> -> memref<128xi32, #tpu.memory_space<vmem>>
      %dma_start3A_23 = arith.constant 0 : i32
      %dma_start3A_24 = arith.constant 0 : i32
      %dma_start3A_25 = tpu.memref_slice %arg2[%dma_start3A_23, %dma_start3A_24] : memref<2048x64xf32, #tpu.memory_space<hbm>> -> memref<2048x64xf32, #tpu.memory_space<hbm>>
      tpu.enqueue_indirect_dma source(%dma_start3A_25 : memref<2048x64xf32, #tpu.memory_space<hbm>>) target(%arg6 : memref<128x64xf32, #tpu.memory_space<vmem>>) offsets(%dma_start3A_22 : memref<128xi32, #tpu.memory_space<vmem>>) semaphore(%arg8 : memref<!tpu.dma_semaphore, #tpu.memory_space<semaphore_mem>>)
      %mul3A_26 = arith.constant 128 : i32
      %mul3A_27 = arith.muli %add3A_16, %mul3A_26 : i32
      %add3A_28 = arith.addi %mul3A_2, %mul3A_27 : i32
      %multiple_of3A_29 = tpu.assume_multiple %add3A_28, 8 : i32
      %run_scoped3A_30 = arith.constant 1 : i32
      "tpu.region"() ({
        %run_scoped3A_76 = tpu.sem_alloc : memref<!tpu.dma_semaphore, #tpu.memory_space<semaphore_mem>>
        %dma_start3A_77 = arith.constant 0 : i32
        %dma_start3A_78 = tpu.memref_slice %arg5[%run_scoped3A_30, %dma_start3A_77] : memref<2x128xi32, #tpu.memory_space<vmem>> -> memref<1x128xi32, #tpu.memory_space<vmem>>
        %dma_start3A_79 = tpu.memref_squeeze %dma_start3A_78 : memref<1x128xi32, #tpu.memory_space<vmem>> -> memref<128xi32, #tpu.memory_space<vmem>>
        %dma_start3A_80 = tpu.memref_slice %arg3[%multiple_of3A_29] : memref<40960xi32, #tpu.memory_space<hbm>> -> memref<128xi32, #tpu.memory_space<hbm>>
        %dma_start3A_81 = arith.constant 0 : i32
        %dma_start3A_82 = tpu.memref_slice %arg5[%run_scoped3A_30, %dma_start3A_81] : memref<2x128xi32, #tpu.memory_space<vmem>> -> memref<1x128xi32, #tpu.memory_space<vmem>>
        %dma_start3A_83 = tpu.memref_squeeze %dma_start3A_82 : memref<1x128xi32, #tpu.memory_space<vmem>> -> memref<128xi32, #tpu.memory_space<vmem>>
        %dma_start3A_84 = tpu.memref_slice %arg3[%multiple_of3A_29] : memref<40960xi32, #tpu.memory_space<hbm>> -> memref<128xi32, #tpu.memory_space<hbm>>
        tpu.enqueue_dma source(%dma_start3A_84 : memref<128xi32, #tpu.memory_space<hbm>>) target(%dma_start3A_83 : memref<128xi32, #tpu.memory_space<vmem>>) target_semaphore(%run_scoped3A_76 : memref<!tpu.dma_semaphore, #tpu.memory_space<semaphore_mem>>)
        %dma_wait3A_85 = arith.constant 0 : i32
        %dma_wait3A_86 = tpu.memref_slice %arg5[%run_scoped3A_30, %dma_wait3A_85] : memref<2x128xi32, #tpu.memory_space<vmem>> -> memref<1x128xi32, #tpu.memory_space<vmem>>
        %dma_wait3A_87 = tpu.memref_squeeze %dma_wait3A_86 : memref<1x128xi32, #tpu.memory_space<vmem>> -> memref<128xi32, #tpu.memory_space<vmem>>
        %dma_wait3A_88 = tpu.memref_slice %arg3[%multiple_of3A_29] : memref<40960xi32, #tpu.memory_space<hbm>> -> memref<128xi32, #tpu.memory_space<hbm>>
        %dma_wait3A_89 = arith.constant 0 : i32
        %dma_wait3A_90 = tpu.memref_slice %arg5[%run_scoped3A_30, %dma_wait3A_89] : memref<2x128xi32, #tpu.memory_space<vmem>> -> memref<1x128xi32, #tpu.memory_space<vmem>>
        %dma_wait3A_91 = tpu.memref_squeeze %dma_wait3A_90 : memref<1x128xi32, #tpu.memory_space<vmem>> -> memref<128xi32, #tpu.memory_space<vmem>>
        %dma_wait3A_92 = tpu.memref_slice %arg3[%multiple_of3A_29] : memref<40960xi32, #tpu.memory_space<hbm>> -> memref<128xi32, #tpu.memory_space<hbm>>
        tpu.wait_dma2 semaphore(%run_scoped3A_76 : memref<!tpu.dma_semaphore, #tpu.memory_space<semaphore_mem>>) src(%dma_wait3A_92 : memref<128xi32, #tpu.memory_space<hbm>>) dst(%dma_wait3A_91 : memref<128xi32, #tpu.memory_space<vmem>>)
        tpu.yield
      }) : () -> ()
      %dma_start3A_31 = arith.constant 1 : i32
      %dma_start3A_32 = arith.constant 0 : i32
      %dma_start3A_33 = tpu.memref_slice %arg5[%dma_start3A_31, %dma_start3A_32] : memref<2x128xi32, #tpu.memory_space<vmem>> -> memref<1x128xi32, #tpu.memory_space<vmem>>
      %dma_start3A_34 = tpu.memref_squeeze %dma_start3A_33 : memref<1x128xi32, #tpu.memory_space<vmem>> -> memref<128xi32, #tpu.memory_space<vmem>>
      %dma_start3A_35 = arith.constant 0 : i32
      %dma_start3A_36 = arith.constant 0 : i32
      %dma_start3A_37 = tpu.memref_slice %arg2[%dma_start3A_35, %dma_start3A_36] : memref<2048x64xf32, #tpu.memory_space<hbm>> -> memref<2048x64xf32, #tpu.memory_space<hbm>>
      tpu.enqueue_indirect_dma source(%dma_start3A_37 : memref<2048x64xf32, #tpu.memory_space<hbm>>) target(%arg7 : memref<128x64xf32, #tpu.memory_space<vmem>>) offsets(%dma_start3A_34 : memref<128xi32, #tpu.memory_space<vmem>>) semaphore(%arg9 : memref<!tpu.dma_semaphore, #tpu.memory_space<semaphore_mem>>)
      %dma_wait3A = arith.constant 0 : i32
      %dma_wait3A_38 = arith.constant 0 : i32
      %dma_wait3A_39 = tpu.memref_slice %arg5[%dma_wait3A, %dma_wait3A_38] : memref<2x128xi32, #tpu.memory_space<vmem>> -> memref<1x128xi32, #tpu.memory_space<vmem>>
      %dma_wait3A_40 = tpu.memref_squeeze %dma_wait3A_39 : memref<1x128xi32, #tpu.memory_space<vmem>> -> memref<128xi32, #tpu.memory_space<vmem>>
      %dma_wait3A_41 = arith.constant 0 : i32
      %dma_wait3A_42 = arith.constant 0 : i32
      %dma_wait3A_43 = tpu.memref_slice %arg2[%dma_wait3A_41, %dma_wait3A_42] : memref<2048x64xf32, #tpu.memory_space<hbm>> -> memref<2048x64xf32, #tpu.memory_space<hbm>>
      tpu.wait_indirect_dma semaphore(%arg8 : memref<!tpu.dma_semaphore, #tpu.memory_space<semaphore_mem>>) src(%dma_wait3A_43 : memref<2048x64xf32, #tpu.memory_space<hbm>>) dst(%arg6 : memref<128x64xf32, #tpu.memory_space<vmem>>)
      %mul3A_44 = arith.constant 128 : i32
      %mul3A_45 = arith.muli %mul3A_12, %mul3A_44 : i32
      %add3A_46 = arith.addi %mul3A_2, %mul3A_45 : i32
      %multiple_of3A_47 = tpu.assume_multiple %add3A_46, 8 : i32
      %dma_start3A_48 = arith.constant 0 : i32
      %dma_start3A_49 = tpu.memref_slice %arg4[%multiple_of3A_47, %dma_start3A_48] : memref<40960x64xf32, #tpu.memory_space<hbm>> -> memref<128x64xf32, #tpu.memory_space<hbm>>
      %dma_start3A_50 = arith.constant 0 : i32
      %dma_start3A_51 = tpu.memref_slice %arg4[%multiple_of3A_47, %dma_start3A_50] : memref<40960x64xf32, #tpu.memory_space<hbm>> -> memref<128x64xf32, #tpu.memory_space<hbm>>
      tpu.enqueue_dma source(%arg6 : memref<128x64xf32, #tpu.memory_space<vmem>>) target(%dma_start3A_51 : memref<128x64xf32, #tpu.memory_space<hbm>>) target_semaphore(%arg10 : memref<!tpu.dma_semaphore, #tpu.memory_space<semaphore_mem>>)
      %dma_wait3A_52 = arith.constant 1 : i32
      %dma_wait3A_53 = arith.constant 0 : i32
      %dma_wait3A_54 = tpu.memref_slice %arg5[%dma_wait3A_52, %dma_wait3A_53] : memref<2x128xi32, #tpu.memory_space<vmem>> -> memref<1x128xi32, #tpu.memory_space<vmem>>
      %dma_wait3A_55 = tpu.memref_squeeze %dma_wait3A_54 : memref<1x128xi32, #tpu.memory_space<vmem>> -> memref<128xi32, #tpu.memory_space<vmem>>
      %dma_wait3A_56 = arith.constant 0 : i32
      %dma_wait3A_57 = arith.constant 0 : i32
      %dma_wait3A_58 = tpu.memref_slice %arg2[%dma_wait3A_56, %dma_wait3A_57] : memref<2048x64xf32, #tpu.memory_space<hbm>> -> memref<2048x64xf32, #tpu.memory_space<hbm>>
      tpu.wait_indirect_dma semaphore(%arg9 : memref<!tpu.dma_semaphore, #tpu.memory_space<semaphore_mem>>) src(%dma_wait3A_58 : memref<2048x64xf32, #tpu.memory_space<hbm>>) dst(%arg7 : memref<128x64xf32, #tpu.memory_space<vmem>>)
      %mul3A_59 = arith.constant 128 : i32
      %mul3A_60 = arith.muli %add3A_16, %mul3A_59 : i32
      %add3A_61 = arith.addi %mul3A_2, %mul3A_60 : i32
      %multiple_of3A_62 = tpu.assume_multiple %add3A_61, 8 : i32
      %dma_start3A_63 = arith.constant 0 : i32
      %dma_start3A_64 = tpu.memref_slice %arg4[%multiple_of3A_62, %dma_start3A_63] : memref<40960x64xf32, #tpu.memory_space<hbm>> -> memref<128x64xf32, #tpu.memory_space<hbm>>
      %dma_start3A_65 = arith.constant 0 : i32
      %dma_start3A_66 = tpu.memref_slice %arg4[%multiple_of3A_62, %dma_start3A_65] : memref<40960x64xf32, #tpu.memory_space<hbm>> -> memref<128x64xf32, #tpu.memory_space<hbm>>
      tpu.enqueue_dma source(%arg7 : memref<128x64xf32, #tpu.memory_space<vmem>>) target(%dma_start3A_66 : memref<128x64xf32, #tpu.memory_space<hbm>>) target_semaphore(%arg11 : memref<!tpu.dma_semaphore, #tpu.memory_space<semaphore_mem>>)
      %dma_wait3A_67 = arith.constant 0 : i32
      %dma_wait3A_68 = tpu.memref_slice %arg4[%multiple_of3A_47, %dma_wait3A_67] : memref<40960x64xf32, #tpu.memory_space<hbm>> -> memref<128x64xf32, #tpu.memory_space<hbm>>
      %dma_wait3A_69 = arith.constant 0 : i32
      %dma_wait3A_70 = tpu.memref_slice %arg4[%multiple_of3A_47, %dma_wait3A_69] : memref<40960x64xf32, #tpu.memory_space<hbm>> -> memref<128x64xf32, #tpu.memory_space<hbm>>
      tpu.wait_dma2 semaphore(%arg10 : memref<!tpu.dma_semaphore, #tpu.memory_space<semaphore_mem>>) src(%arg6 : memref<128x64xf32, #tpu.memory_space<vmem>>) dst(%dma_wait3A_70 : memref<128x64xf32, #tpu.memory_space<hbm>>)
      %dma_wait3A_71 = arith.constant 0 : i32
      %dma_wait3A_72 = tpu.memref_slice %arg4[%multiple_of3A_62, %dma_wait3A_71] : memref<40960x64xf32, #tpu.memory_space<hbm>> -> memref<128x64xf32, #tpu.memory_space<hbm>>
      %dma_wait3A_73 = arith.constant 0 : i32
      %dma_wait3A_74 = tpu.memref_slice %arg4[%multiple_of3A_62, %dma_wait3A_73] : memref<40960x64xf32, #tpu.memory_space<hbm>> -> memref<128x64xf32, #tpu.memory_space<hbm>>
      tpu.wait_dma2 semaphore(%arg11 : memref<!tpu.dma_semaphore, #tpu.memory_space<semaphore_mem>>) src(%arg7 : memref<128x64xf32, #tpu.memory_space<vmem>>) dst(%dma_wait3A_74 : memref<128x64xf32, #tpu.memory_space<hbm>>)
      %scan3A_75 = arith.constant 0 : i32
      scf.yield %scan3A_75 : i32
    }
    %scan3A_8 = arith.constant 5 : i32
    return
  }
}

module attributes {stable_mosaic.version = 14 : i64} {
  func.func @_topk_body(%arg0: i32, %arg1: i32, %arg2: memref<1x256x8xf32, #tpu.memory_space<vmem>>, %arg3: memref<1x1024x8xf32, #tpu.memory_space<vmem>>, %arg4: memref<1x256x20xi32, #tpu.memory_space<vmem>>) attributes {dimension_semantics = [#tpu.dimension_semantics<arbitrary>, #tpu.dimension_semantics<arbitrary>], iteration_bounds = array<i64: 2, 4>, scalar_prefetch = 0 : i64, scratch_operands = 0 : i64, tpu.core_type = #tpu.core_type<tc>, window_params = [{transform_indices = @transform_0, window_bounds = array<i64: 1, 256, 8>}, {transform_indices = @transform_1, window_bounds = array<i64: 1, 1024, 8>}, {transform_indices = @transform_2, window_bounds = array<i64: 1, 256, 20>}]} {
    %get3A = arith.constant 0 : index
    %get3A_0 = arith.constant 0 : index
    %get3A_1 = arith.constant 0 : index
    %get3A_2 = vector.load %arg2[%get3A, %get3A_0, %get3A_1] : memref<1x256x8xf32, #tpu.memory_space<vmem>>, vector<1x256x8xf32>
    %get3A_3 = vector.shape_cast %get3A_2 : vector<1x256x8xf32> to vector<256x8xf32>
    %get3A_4 = arith.constant 0 : index
    %get3A_5 = arith.constant 0 : index
    %get3A_6 = arith.constant 0 : index
    %get3A_7 = vector.load %arg3[%get3A_4, %get3A_5, %get3A_6] : memref<1x1024x8xf32, #tpu.memory_space<vmem>>, vector<1x1024x8xf32>
    %get3A_8 = vector.shape_cast %get3A_7 : vector<1x1024x8xf32> to vector<1024x8xf32>
    %dot_general3A = arith.constant dense<0.000000e+00> : vector<256x1024xf32>
    %dot_general3A_9 = tpu.matmul %get3A_3, %get3A_8, %dot_general3A {dimension_numbers = #tpu.dot_dimension_numbers<[1], [1], [0], [0], [0, 0, 1, 0], [], []>, transpose_lhs_hint = false} : vector<256x8xf32>, vector<1024x8xf32>, vector<256x1024xf32> -> vector<256x1024xf32>
    %mul3A = arith.mulf %get3A_8, %get3A_8 : vector<1024x8xf32>
    %reduce_sum3A = arith.constant dense<0.000000e+00> : vector<1024xf32>
    %reduce_sum3A_10 = vector.multi_reduction <add>, %mul3A, %reduce_sum3A [1] : vector<1024x8xf32> to vector<1024xf32>
    %mul3A_11 = arith.mulf %get3A_3, %get3A_3 : vector<256x8xf32>
    %reduce_sum3A_12 = arith.constant dense<0.000000e+00> : vector<256xf32>
    %reduce_sum3A_13 = vector.multi_reduction <add>, %mul3A_11, %reduce_sum3A_12 [1] : vector<256x8xf32> to vector<256xf32>
    %broadcast_in_dim3A = vector.shape_cast %reduce_sum3A_13 : vector<256xf32> to vector<256x1xf32>
    %mul3A_14 = arith.constant 2.000000e+00 : f32
    %mul3A_15 = vector.broadcast %mul3A_14 : f32 to vector<256x1024xf32>
    %mul3A_16 = arith.mulf %mul3A_15, %dot_general3A_9 : vector<256x1024xf32>
    %sub3A = vector.broadcast %broadcast_in_dim3A : vector<256x1xf32> to vector<256x1024xf32>
    %sub3A_17 = arith.subf %sub3A, %mul3A_16 : vector<256x1024xf32>
    %broadcast_in_dim3A_18 = vector.shape_cast %reduce_sum3A_10 : vector<1024xf32> to vector<1x1024xf32>
    %add3A = vector.broadcast %broadcast_in_dim3A_18 : vector<1x1024xf32> to vector<256x1024xf32>
    %add3A_19 = arith.addf %sub3A_17, %add3A : vector<256x1024xf32>
    %iota3A = tpu.iota {dimensions = array<i32: 1>} : vector<256x1024xi32>
    %argmin3A = tpu.reduce_index %add3A_19 {axis = 1 : i32, kind = #tpu.reduction_kind<arg_min>} : vector<256x1024xf32> -> vector<256xi32>
    %broadcast_in_dim3A_20 = vector.shape_cast %argmin3A : vector<256xi32> to vector<256x1xi32>
    %eq3A = vector.broadcast %broadcast_in_dim3A_20 : vector<256x1xi32> to vector<256x1024xi32>
    %eq3A_21 = arith.cmpi eq, %iota3A, %eq3A : vector<256x1024xi32>
    %jit3A = arith.constant 0x7F800000 : f32
    %broadcast_in_dim3A_22 = vector.broadcast %jit3A : f32 to vector<256x1024xf32>
    %select_n3A = arith.select %eq3A_21, %broadcast_in_dim3A_22, %add3A_19 : vector<256x1024xi1>, vector<256x1024xf32>
    %argmin3A_23 = tpu.reduce_index %select_n3A {axis = 1 : i32, kind = #tpu.reduction_kind<arg_min>} : vector<256x1024xf32> -> vector<256xi32>
    %broadcast_in_dim3A_24 = vector.shape_cast %argmin3A_23 : vector<256xi32> to vector<256x1xi32>
    %eq3A_25 = vector.broadcast %broadcast_in_dim3A_24 : vector<256x1xi32> to vector<256x1024xi32>
    %eq3A_26 = arith.cmpi eq, %iota3A, %eq3A_25 : vector<256x1024xi32>
    %jit3A_27 = arith.constant 0x7F800000 : f32
    %broadcast_in_dim3A_28 = vector.broadcast %jit3A_27 : f32 to vector<256x1024xf32>
    %select_n3A_29 = arith.select %eq3A_26, %broadcast_in_dim3A_28, %select_n3A : vector<256x1024xi1>, vector<256x1024xf32>
    %argmin3A_30 = tpu.reduce_index %select_n3A_29 {axis = 1 : i32, kind = #tpu.reduction_kind<arg_min>} : vector<256x1024xf32> -> vector<256xi32>
    %broadcast_in_dim3A_31 = vector.shape_cast %argmin3A_30 : vector<256xi32> to vector<256x1xi32>
    %eq3A_32 = vector.broadcast %broadcast_in_dim3A_31 : vector<256x1xi32> to vector<256x1024xi32>
    %eq3A_33 = arith.cmpi eq, %iota3A, %eq3A_32 : vector<256x1024xi32>
    %jit3A_34 = arith.constant 0x7F800000 : f32
    %broadcast_in_dim3A_35 = vector.broadcast %jit3A_34 : f32 to vector<256x1024xf32>
    %select_n3A_36 = arith.select %eq3A_33, %broadcast_in_dim3A_35, %select_n3A_29 : vector<256x1024xi1>, vector<256x1024xf32>
    %argmin3A_37 = tpu.reduce_index %select_n3A_36 {axis = 1 : i32, kind = #tpu.reduction_kind<arg_min>} : vector<256x1024xf32> -> vector<256xi32>
    %broadcast_in_dim3A_38 = vector.shape_cast %argmin3A_37 : vector<256xi32> to vector<256x1xi32>
    %eq3A_39 = vector.broadcast %broadcast_in_dim3A_38 : vector<256x1xi32> to vector<256x1024xi32>
    %eq3A_40 = arith.cmpi eq, %iota3A, %eq3A_39 : vector<256x1024xi32>
    %jit3A_41 = arith.constant 0x7F800000 : f32
    %broadcast_in_dim3A_42 = vector.broadcast %jit3A_41 : f32 to vector<256x1024xf32>
    %select_n3A_43 = arith.select %eq3A_40, %broadcast_in_dim3A_42, %select_n3A_36 : vector<256x1024xi1>, vector<256x1024xf32>
    %argmin3A_44 = tpu.reduce_index %select_n3A_43 {axis = 1 : i32, kind = #tpu.reduction_kind<arg_min>} : vector<256x1024xf32> -> vector<256xi32>
    %broadcast_in_dim3A_45 = vector.shape_cast %argmin3A_44 : vector<256xi32> to vector<256x1xi32>
    %eq3A_46 = vector.broadcast %broadcast_in_dim3A_45 : vector<256x1xi32> to vector<256x1024xi32>
    %eq3A_47 = arith.cmpi eq, %iota3A, %eq3A_46 : vector<256x1024xi32>
    %jit3A_48 = arith.constant 0x7F800000 : f32
    %broadcast_in_dim3A_49 = vector.broadcast %jit3A_48 : f32 to vector<256x1024xf32>
    %select_n3A_50 = arith.select %eq3A_47, %broadcast_in_dim3A_49, %select_n3A_43 : vector<256x1024xi1>, vector<256x1024xf32>
    %argmin3A_51 = tpu.reduce_index %select_n3A_50 {axis = 1 : i32, kind = #tpu.reduction_kind<arg_min>} : vector<256x1024xf32> -> vector<256xi32>
    %broadcast_in_dim3A_52 = vector.shape_cast %argmin3A_51 : vector<256xi32> to vector<256x1xi32>
    %eq3A_53 = vector.broadcast %broadcast_in_dim3A_52 : vector<256x1xi32> to vector<256x1024xi32>
    %eq3A_54 = arith.cmpi eq, %iota3A, %eq3A_53 : vector<256x1024xi32>
    %jit3A_55 = arith.constant 0x7F800000 : f32
    %broadcast_in_dim3A_56 = vector.broadcast %jit3A_55 : f32 to vector<256x1024xf32>
    %select_n3A_57 = arith.select %eq3A_54, %broadcast_in_dim3A_56, %select_n3A_50 : vector<256x1024xi1>, vector<256x1024xf32>
    %argmin3A_58 = tpu.reduce_index %select_n3A_57 {axis = 1 : i32, kind = #tpu.reduction_kind<arg_min>} : vector<256x1024xf32> -> vector<256xi32>
    %broadcast_in_dim3A_59 = vector.shape_cast %argmin3A_58 : vector<256xi32> to vector<256x1xi32>
    %eq3A_60 = vector.broadcast %broadcast_in_dim3A_59 : vector<256x1xi32> to vector<256x1024xi32>
    %eq3A_61 = arith.cmpi eq, %iota3A, %eq3A_60 : vector<256x1024xi32>
    %jit3A_62 = arith.constant 0x7F800000 : f32
    %broadcast_in_dim3A_63 = vector.broadcast %jit3A_62 : f32 to vector<256x1024xf32>
    %select_n3A_64 = arith.select %eq3A_61, %broadcast_in_dim3A_63, %select_n3A_57 : vector<256x1024xi1>, vector<256x1024xf32>
    %argmin3A_65 = tpu.reduce_index %select_n3A_64 {axis = 1 : i32, kind = #tpu.reduction_kind<arg_min>} : vector<256x1024xf32> -> vector<256xi32>
    %broadcast_in_dim3A_66 = vector.shape_cast %argmin3A_65 : vector<256xi32> to vector<256x1xi32>
    %eq3A_67 = vector.broadcast %broadcast_in_dim3A_66 : vector<256x1xi32> to vector<256x1024xi32>
    %eq3A_68 = arith.cmpi eq, %iota3A, %eq3A_67 : vector<256x1024xi32>
    %jit3A_69 = arith.constant 0x7F800000 : f32
    %broadcast_in_dim3A_70 = vector.broadcast %jit3A_69 : f32 to vector<256x1024xf32>
    %select_n3A_71 = arith.select %eq3A_68, %broadcast_in_dim3A_70, %select_n3A_64 : vector<256x1024xi1>, vector<256x1024xf32>
    %argmin3A_72 = tpu.reduce_index %select_n3A_71 {axis = 1 : i32, kind = #tpu.reduction_kind<arg_min>} : vector<256x1024xf32> -> vector<256xi32>
    %broadcast_in_dim3A_73 = vector.shape_cast %argmin3A_72 : vector<256xi32> to vector<256x1xi32>
    %eq3A_74 = vector.broadcast %broadcast_in_dim3A_73 : vector<256x1xi32> to vector<256x1024xi32>
    %eq3A_75 = arith.cmpi eq, %iota3A, %eq3A_74 : vector<256x1024xi32>
    %jit3A_76 = arith.constant 0x7F800000 : f32
    %broadcast_in_dim3A_77 = vector.broadcast %jit3A_76 : f32 to vector<256x1024xf32>
    %select_n3A_78 = arith.select %eq3A_75, %broadcast_in_dim3A_77, %select_n3A_71 : vector<256x1024xi1>, vector<256x1024xf32>
    %argmin3A_79 = tpu.reduce_index %select_n3A_78 {axis = 1 : i32, kind = #tpu.reduction_kind<arg_min>} : vector<256x1024xf32> -> vector<256xi32>
    %broadcast_in_dim3A_80 = vector.shape_cast %argmin3A_79 : vector<256xi32> to vector<256x1xi32>
    %eq3A_81 = vector.broadcast %broadcast_in_dim3A_80 : vector<256x1xi32> to vector<256x1024xi32>
    %eq3A_82 = arith.cmpi eq, %iota3A, %eq3A_81 : vector<256x1024xi32>
    %jit3A_83 = arith.constant 0x7F800000 : f32
    %broadcast_in_dim3A_84 = vector.broadcast %jit3A_83 : f32 to vector<256x1024xf32>
    %select_n3A_85 = arith.select %eq3A_82, %broadcast_in_dim3A_84, %select_n3A_78 : vector<256x1024xi1>, vector<256x1024xf32>
    %argmin3A_86 = tpu.reduce_index %select_n3A_85 {axis = 1 : i32, kind = #tpu.reduction_kind<arg_min>} : vector<256x1024xf32> -> vector<256xi32>
    %broadcast_in_dim3A_87 = vector.shape_cast %argmin3A_86 : vector<256xi32> to vector<256x1xi32>
    %eq3A_88 = vector.broadcast %broadcast_in_dim3A_87 : vector<256x1xi32> to vector<256x1024xi32>
    %eq3A_89 = arith.cmpi eq, %iota3A, %eq3A_88 : vector<256x1024xi32>
    %jit3A_90 = arith.constant 0x7F800000 : f32
    %broadcast_in_dim3A_91 = vector.broadcast %jit3A_90 : f32 to vector<256x1024xf32>
    %select_n3A_92 = arith.select %eq3A_89, %broadcast_in_dim3A_91, %select_n3A_85 : vector<256x1024xi1>, vector<256x1024xf32>
    %argmin3A_93 = tpu.reduce_index %select_n3A_92 {axis = 1 : i32, kind = #tpu.reduction_kind<arg_min>} : vector<256x1024xf32> -> vector<256xi32>
    %broadcast_in_dim3A_94 = vector.shape_cast %argmin3A_93 : vector<256xi32> to vector<256x1xi32>
    %eq3A_95 = vector.broadcast %broadcast_in_dim3A_94 : vector<256x1xi32> to vector<256x1024xi32>
    %eq3A_96 = arith.cmpi eq, %iota3A, %eq3A_95 : vector<256x1024xi32>
    %jit3A_97 = arith.constant 0x7F800000 : f32
    %broadcast_in_dim3A_98 = vector.broadcast %jit3A_97 : f32 to vector<256x1024xf32>
    %select_n3A_99 = arith.select %eq3A_96, %broadcast_in_dim3A_98, %select_n3A_92 : vector<256x1024xi1>, vector<256x1024xf32>
    %argmin3A_100 = tpu.reduce_index %select_n3A_99 {axis = 1 : i32, kind = #tpu.reduction_kind<arg_min>} : vector<256x1024xf32> -> vector<256xi32>
    %broadcast_in_dim3A_101 = vector.shape_cast %argmin3A_100 : vector<256xi32> to vector<256x1xi32>
    %eq3A_102 = vector.broadcast %broadcast_in_dim3A_101 : vector<256x1xi32> to vector<256x1024xi32>
    %eq3A_103 = arith.cmpi eq, %iota3A, %eq3A_102 : vector<256x1024xi32>
    %jit3A_104 = arith.constant 0x7F800000 : f32
    %broadcast_in_dim3A_105 = vector.broadcast %jit3A_104 : f32 to vector<256x1024xf32>
    %select_n3A_106 = arith.select %eq3A_103, %broadcast_in_dim3A_105, %select_n3A_99 : vector<256x1024xi1>, vector<256x1024xf32>
    %argmin3A_107 = tpu.reduce_index %select_n3A_106 {axis = 1 : i32, kind = #tpu.reduction_kind<arg_min>} : vector<256x1024xf32> -> vector<256xi32>
    %broadcast_in_dim3A_108 = vector.shape_cast %argmin3A_107 : vector<256xi32> to vector<256x1xi32>
    %eq3A_109 = vector.broadcast %broadcast_in_dim3A_108 : vector<256x1xi32> to vector<256x1024xi32>
    %eq3A_110 = arith.cmpi eq, %iota3A, %eq3A_109 : vector<256x1024xi32>
    %jit3A_111 = arith.constant 0x7F800000 : f32
    %broadcast_in_dim3A_112 = vector.broadcast %jit3A_111 : f32 to vector<256x1024xf32>
    %select_n3A_113 = arith.select %eq3A_110, %broadcast_in_dim3A_112, %select_n3A_106 : vector<256x1024xi1>, vector<256x1024xf32>
    %argmin3A_114 = tpu.reduce_index %select_n3A_113 {axis = 1 : i32, kind = #tpu.reduction_kind<arg_min>} : vector<256x1024xf32> -> vector<256xi32>
    %broadcast_in_dim3A_115 = vector.shape_cast %argmin3A_114 : vector<256xi32> to vector<256x1xi32>
    %eq3A_116 = vector.broadcast %broadcast_in_dim3A_115 : vector<256x1xi32> to vector<256x1024xi32>
    %eq3A_117 = arith.cmpi eq, %iota3A, %eq3A_116 : vector<256x1024xi32>
    %jit3A_118 = arith.constant 0x7F800000 : f32
    %broadcast_in_dim3A_119 = vector.broadcast %jit3A_118 : f32 to vector<256x1024xf32>
    %select_n3A_120 = arith.select %eq3A_117, %broadcast_in_dim3A_119, %select_n3A_113 : vector<256x1024xi1>, vector<256x1024xf32>
    %argmin3A_121 = tpu.reduce_index %select_n3A_120 {axis = 1 : i32, kind = #tpu.reduction_kind<arg_min>} : vector<256x1024xf32> -> vector<256xi32>
    %broadcast_in_dim3A_122 = vector.shape_cast %argmin3A_121 : vector<256xi32> to vector<256x1xi32>
    %eq3A_123 = vector.broadcast %broadcast_in_dim3A_122 : vector<256x1xi32> to vector<256x1024xi32>
    %eq3A_124 = arith.cmpi eq, %iota3A, %eq3A_123 : vector<256x1024xi32>
    %jit3A_125 = arith.constant 0x7F800000 : f32
    %broadcast_in_dim3A_126 = vector.broadcast %jit3A_125 : f32 to vector<256x1024xf32>
    %select_n3A_127 = arith.select %eq3A_124, %broadcast_in_dim3A_126, %select_n3A_120 : vector<256x1024xi1>, vector<256x1024xf32>
    %argmin3A_128 = tpu.reduce_index %select_n3A_127 {axis = 1 : i32, kind = #tpu.reduction_kind<arg_min>} : vector<256x1024xf32> -> vector<256xi32>
    %broadcast_in_dim3A_129 = vector.shape_cast %argmin3A_128 : vector<256xi32> to vector<256x1xi32>
    %eq3A_130 = vector.broadcast %broadcast_in_dim3A_129 : vector<256x1xi32> to vector<256x1024xi32>
    %eq3A_131 = arith.cmpi eq, %iota3A, %eq3A_130 : vector<256x1024xi32>
    %jit3A_132 = arith.constant 0x7F800000 : f32
    %broadcast_in_dim3A_133 = vector.broadcast %jit3A_132 : f32 to vector<256x1024xf32>
    %select_n3A_134 = arith.select %eq3A_131, %broadcast_in_dim3A_133, %select_n3A_127 : vector<256x1024xi1>, vector<256x1024xf32>
    %argmin3A_135 = tpu.reduce_index %select_n3A_134 {axis = 1 : i32, kind = #tpu.reduction_kind<arg_min>} : vector<256x1024xf32> -> vector<256xi32>
    %broadcast_in_dim3A_136 = vector.shape_cast %argmin3A_135 : vector<256xi32> to vector<256x1xi32>
    %eq3A_137 = vector.broadcast %broadcast_in_dim3A_136 : vector<256x1xi32> to vector<256x1024xi32>
    %eq3A_138 = arith.cmpi eq, %iota3A, %eq3A_137 : vector<256x1024xi32>
    %jit3A_139 = arith.constant 0x7F800000 : f32
    %broadcast_in_dim3A_140 = vector.broadcast %jit3A_139 : f32 to vector<256x1024xf32>
    %select_n3A_141 = arith.select %eq3A_138, %broadcast_in_dim3A_140, %select_n3A_134 : vector<256x1024xi1>, vector<256x1024xf32>
    %argmin3A_142 = tpu.reduce_index %select_n3A_141 {axis = 1 : i32, kind = #tpu.reduction_kind<arg_min>} : vector<256x1024xf32> -> vector<256xi32>
    %broadcast_in_dim3A_143 = vector.shape_cast %argmin3A_142 : vector<256xi32> to vector<256x1xi32>
    %eq3A_144 = vector.broadcast %broadcast_in_dim3A_143 : vector<256x1xi32> to vector<256x1024xi32>
    %eq3A_145 = arith.cmpi eq, %iota3A, %eq3A_144 : vector<256x1024xi32>
    %jit3A_146 = arith.constant 0x7F800000 : f32
    %broadcast_in_dim3A_147 = vector.broadcast %jit3A_146 : f32 to vector<256x1024xf32>
    %select_n3A_148 = arith.select %eq3A_145, %broadcast_in_dim3A_147, %select_n3A_141 : vector<256x1024xi1>, vector<256x1024xf32>
    %argmin3A_149 = tpu.reduce_index %select_n3A_148 {axis = 1 : i32, kind = #tpu.reduction_kind<arg_min>} : vector<256x1024xf32> -> vector<256xi32>
    %broadcast_in_dim3A_150 = vector.shape_cast %argmin3A_149 : vector<256xi32> to vector<256x1xi32>
    %concatenate3A = tpu.concatenate %broadcast_in_dim3A_20, %broadcast_in_dim3A_24, %broadcast_in_dim3A_31, %broadcast_in_dim3A_38, %broadcast_in_dim3A_45, %broadcast_in_dim3A_52, %broadcast_in_dim3A_59, %broadcast_in_dim3A_66, %broadcast_in_dim3A_73, %broadcast_in_dim3A_80, %broadcast_in_dim3A_87, %broadcast_in_dim3A_94, %broadcast_in_dim3A_101, %broadcast_in_dim3A_108, %broadcast_in_dim3A_115, %broadcast_in_dim3A_122, %broadcast_in_dim3A_129, %broadcast_in_dim3A_136, %broadcast_in_dim3A_143, %broadcast_in_dim3A_150 in 1 : vector<256x1xi32>, vector<256x1xi32>, vector<256x1xi32>, vector<256x1xi32>, vector<256x1xi32>, vector<256x1xi32>, vector<256x1xi32>, vector<256x1xi32>, vector<256x1xi32>, vector<256x1xi32>, vector<256x1xi32>, vector<256x1xi32>, vector<256x1xi32>, vector<256x1xi32>, vector<256x1xi32>, vector<256x1xi32>, vector<256x1xi32>, vector<256x1xi32>, vector<256x1xi32>, vector<256x1xi32> -> vector<256x20xi32>
    %mul3A_151 = arith.constant 1024 : i32
    %mul3A_152 = arith.muli %arg0, %mul3A_151 : i32
    %add3A_153 = vector.broadcast %mul3A_152 : i32 to vector<256x20xi32>
    %add3A_154 = arith.addi %concatenate3A, %add3A_153 : vector<256x20xi32>
    %swap3A = arith.constant 0 : index
    %swap3A_155 = arith.constant 0 : index
    %swap3A_156 = arith.constant 0 : index
    %swap3A_157 = vector.load %arg4[%swap3A, %swap3A_155, %swap3A_156] : memref<1x256x20xi32, #tpu.memory_space<vmem>>, vector<1x256x20xi32>
    %swap3A_158 = vector.shape_cast %swap3A_157 : vector<1x256x20xi32> to vector<256x20xi32>
    %swap3A_159 = vector.shape_cast %add3A_154 : vector<256x20xi32> to vector<1x256x20xi32>
    tpu.vector_store %arg4[%swap3A, %swap3A_155, %swap3A_156], %swap3A_159 {strides = array<i32>} : memref<1x256x20xi32, #tpu.memory_space<vmem>>, vector<1x256x20xi32>,
    return
  }
  func.func @transform_0(%arg0: i32, %arg1: i32) -> (i32, i32, i32) {
    %c0_i32 = arith.constant 0 : i32
    %c0_i32_0 = arith.constant 0 : i32
    return %arg0, %arg1, %c0_i32 : i32, i32, i32
  }
  func.func @transform_1(%arg0: i32, %arg1: i32) -> (i32, i32, i32) {
    %c0_i32 = arith.constant 0 : i32
    %c0_i32_0 = arith.constant 0 : i32
    %c0_i32_1 = arith.constant 0 : i32
    return %arg0, %c0_i32, %c0_i32_0 : i32, i32, i32
  }
  func.func @transform_2(%arg0: i32, %arg1: i32) -> (i32, i32, i32) {
    %c0_i32 = arith.constant 0 : i32
    %c0_i32_0 = arith.constant 0 : i32
    return %arg0, %arg1, %c0_i32 : i32, i32, i32
  }
}

module attributes {stable_mosaic.version = 14 : i64} {
  func.func @_conv_body(%arg0: i32, %arg1: memref<2560x8xf32, #tpu.memory_space<vmem>>, %arg2: memref<128x8xf32, #tpu.memory_space<vmem>>, %arg3: memref<64x16xf32, #tpu.memory_space<vmem>>, %arg4: memref<1x64xf32, #tpu.memory_space<vmem>>, %arg5: memref<128x64xf32, #tpu.memory_space<vmem>>, %arg6: memref<8x64xf32, #tpu.memory_space<vmem>>) attributes {dimension_semantics = [#tpu.dimension_semantics<arbitrary>], iteration_bounds = array<i64: 16>, scalar_prefetch = 0 : i64, scratch_operands = 0 : i64, tpu.core_type = #tpu.core_type<tc>, window_params = [{transform_indices = @transform_0, window_bounds = array<i64: 2560, 8>}, {transform_indices = @transform_1, window_bounds = array<i64: 128, 8>}, {pipeline_mode = #tpu.pipeline_mode<synchronous>, transform_indices = @transform_2, window_bounds = array<i64: 64, 16>}, {pipeline_mode = #tpu.pipeline_mode<synchronous>, transform_indices = @transform_3, window_bounds = array<i64: 1, 64>}, {transform_indices = @transform_4, window_bounds = array<i64: 128, 64>}, {pipeline_mode = #tpu.pipeline_mode<synchronous>, transform_indices = @transform_5, window_bounds = array<i64: 8, 64>}]} {
    %get3A = arith.constant 0 : index
    %get3A_0 = arith.constant 0 : index
    %get3A_1 = vector.load %arg1[%get3A, %get3A_0] : memref<2560x8xf32, #tpu.memory_space<vmem>>, vector<2560x8xf32>
    %get3A_2 = arith.constant 0 : index
    %get3A_3 = arith.constant 0 : index
    %get3A_4 = vector.load %arg2[%get3A_2, %get3A_3] : memref<128x8xf32, #tpu.memory_space<vmem>>, vector<128x8xf32>
    %broadcast_in_dim3A = vector.shape_cast %get3A_4 : vector<128x8xf32> to vector<128x1x8xf32>
    %broadcast_in_dim3A_5 = vector.shape_cast %broadcast_in_dim3A : vector<128x1x8xf32> to vector<128x1x8xf32>
    %broadcast_in_dim3A_6 = vector.broadcast %broadcast_in_dim3A_5 : vector<128x1x8xf32> to vector<128x20x8xf32>
    %reshape3A = vector.shape_cast %broadcast_in_dim3A_6 : vector<128x20x8xf32> to vector<2560x8xf32>
    %sub3A = arith.subf %get3A_1, %reshape3A : vector<2560x8xf32>
    %concatenate3A = tpu.concatenate %sub3A, %reshape3A in 1 : vector<2560x8xf32>, vector<2560x8xf32> -> vector<2560x16xf32>
    %get3A_7 = arith.constant 0 : index
    %get3A_8 = arith.constant 0 : index
    %get3A_9 = vector.load %arg3[%get3A_7, %get3A_8] : memref<64x16xf32, #tpu.memory_space<vmem>>, vector<64x16xf32>
    %dot_general3A = arith.constant dense<0.000000e+00> : vector<2560x64xf32>
    %dot_general3A_10 = tpu.matmul %concatenate3A, %get3A_9, %dot_general3A {dimension_numbers = #tpu.dot_dimension_numbers<[1], [1], [0], [0], [0, 0, 1, 0], [], []>, transpose_lhs_hint = false} : vector<2560x16xf32>, vector<64x16xf32>, vector<2560x64xf32> -> vector<2560x64xf32>
    %get3A_11 = arith.constant 0 : index
    %get3A_12 = arith.constant 0 : index
    %get3A_13 = vector.load %arg4[%get3A_11, %get3A_12] : memref<1x64xf32, #tpu.memory_space<vmem>>, vector<1x64xf32>
    %add3A = vector.broadcast %get3A_13 : vector<1x64xf32> to vector<2560x64xf32>
    %add3A_14 = arith.addf %dot_general3A_10, %add3A : vector<2560x64xf32>
    %reshape3A_15 = vector.shape_cast %add3A_14 : vector<2560x64xf32> to vector<128x20x64xf32>
    %reduce_max3A = arith.constant dense<0xFF800000> : vector<128x64xf32>
    %reduce_max3A_16 = vector.multi_reduction <maximumf>, %reshape3A_15, %reduce_max3A [1] : vector<128x20x64xf32> to vector<128x64xf32>
    %swap3A = arith.constant 0 : index
    %swap3A_17 = arith.constant 0 : index
    %swap3A_18 = vector.load %arg5[%swap3A, %swap3A_17] : memref<128x64xf32, #tpu.memory_space<vmem>>, vector<128x64xf32>
    tpu.vector_store %arg5[%swap3A, %swap3A_17], %reduce_max3A_16 {strides = array<i32>} : memref<128x64xf32, #tpu.memory_space<vmem>>, vector<128x64xf32>,
    %reduce_sum3A = arith.constant dense<0.000000e+00> : vector<64xf32>
    %reduce_sum3A_19 = vector.multi_reduction <add>, %add3A_14, %reduce_sum3A [0] : vector<2560x64xf32> to vector<64xf32>
    %broadcast_in_dim3A_20 = vector.shape_cast %reduce_sum3A_19 : vector<64xf32> to vector<1x64xf32>
    %eq3A = arith.constant 0 : i32
    %eq3A_21 = arith.cmpi eq, %arg0, %eq3A : i32
    %convert_element_type3A = arith.extui %eq3A_21 : i1 to i32
    %cond3A = arith.constant 0 : i32
    %cond3A_22 = arith.cmpi ne, %convert_element_type3A, %cond3A : i32
    scf.if %cond3A_22 {
      %div3A = arith.constant 2.560000e+03 : f32
      %div3A_27 = vector.broadcast %div3A : f32 to vector<1x64xf32>
      %div3A_28 = arith.divf %broadcast_in_dim3A_20, %div3A_27 : vector<1x64xf32>
      %sub3A_29 = vector.broadcast %div3A_28 : vector<1x64xf32> to vector<2560x64xf32>
      %sub3A_30 = arith.subf %add3A_14, %sub3A_29 : vector<2560x64xf32>
      %swap3A_31 = arith.constant 0 : index
      %swap3A_32 = arith.constant 0 : index
      %swap3A_33 = vector.load %arg6[%swap3A_31, %swap3A_32] : memref<8x64xf32, #tpu.memory_space<vmem>>, vector<1x64xf32>
      tpu.vector_store %arg6[%swap3A_31, %swap3A_32], %broadcast_in_dim3A_20 {strides = array<i32>} : memref<8x64xf32, #tpu.memory_space<vmem>>, vector<1x64xf32>,
      %broadcast_in_dim3A_34 = arith.constant 0.000000e+00 : f32
      %broadcast_in_dim3A_35 = vector.broadcast %broadcast_in_dim3A_34 : f32 to vector<1x64xf32>
      %swap3A_36 = arith.constant 1 : index
      %swap3A_37 = arith.constant 0 : index
      %swap3A_38 = vector.load %arg6[%swap3A_36, %swap3A_37] : memref<8x64xf32, #tpu.memory_space<vmem>>, vector<1x64xf32>
      tpu.vector_store %arg6[%swap3A_36, %swap3A_37], %broadcast_in_dim3A_35 {strides = array<i32>} : memref<8x64xf32, #tpu.memory_space<vmem>>, vector<1x64xf32>,
      %mul3A = arith.mulf %sub3A_30, %sub3A_30 : vector<2560x64xf32>
      %reduce_sum3A_39 = arith.constant dense<0.000000e+00> : vector<64xf32>
      %reduce_sum3A_40 = vector.multi_reduction <add>, %mul3A, %reduce_sum3A_39 [0] : vector<2560x64xf32> to vector<64xf32>
      %broadcast_in_dim3A_41 = vector.shape_cast %reduce_sum3A_40 : vector<64xf32> to vector<1x64xf32>
      %swap3A_42 = arith.constant 2 : index
      %swap3A_43 = arith.constant 0 : index
      %swap3A_44 = vector.load %arg6[%swap3A_42, %swap3A_43] : memref<8x64xf32, #tpu.memory_space<vmem>>, vector<1x64xf32>
      tpu.vector_store %arg6[%swap3A_42, %swap3A_43], %broadcast_in_dim3A_41 {strides = array<i32>} : memref<8x64xf32, #tpu.memory_space<vmem>>, vector<1x64xf32>,
      %broadcast_in_dim3A_45 = arith.constant 0.000000e+00 : f32
      %broadcast_in_dim3A_46 = vector.broadcast %broadcast_in_dim3A_45 : f32 to vector<1x64xf32>
      %swap3A_47 = arith.constant 3 : index
      %swap3A_48 = arith.constant 0 : index
      %swap3A_49 = vector.load %arg6[%swap3A_47, %swap3A_48] : memref<8x64xf32, #tpu.memory_space<vmem>>, vector<1x64xf32>
      tpu.vector_store %arg6[%swap3A_47, %swap3A_48], %broadcast_in_dim3A_46 {strides = array<i32>} : memref<8x64xf32, #tpu.memory_space<vmem>>, vector<1x64xf32>,
      %swap3A_50 = arith.constant 4 : index
      %swap3A_51 = arith.constant 0 : index
      %swap3A_52 = vector.load %arg6[%swap3A_50, %swap3A_51] : memref<8x64xf32, #tpu.memory_space<vmem>>, vector<1x64xf32>
      tpu.vector_store %arg6[%swap3A_50, %swap3A_51], %div3A_28 {strides = array<i32>} : memref<8x64xf32, #tpu.memory_space<vmem>>, vector<1x64xf32>,
      %broadcast_in_dim3A_53 = arith.constant 0.000000e+00 : f32
      %broadcast_in_dim3A_54 = vector.broadcast %broadcast_in_dim3A_53 : f32 to vector<3x64xf32>
      %swap3A_55 = arith.constant 5 : index
      %swap3A_56 = arith.constant 0 : index
      %swap3A_57 = vector.load %arg6[%swap3A_55, %swap3A_56] : memref<8x64xf32, #tpu.memory_space<vmem>>, vector<3x64xf32>
      tpu.vector_store %arg6[%swap3A_55, %swap3A_56], %broadcast_in_dim3A_54 {strides = array<i32>} : memref<8x64xf32, #tpu.memory_space<vmem>>, vector<3x64xf32>,
    } else {
    }
    %gt3A = arith.constant 0 : i32
    %gt3A_23 = arith.cmpi sgt, %arg0, %gt3A : i32
    %convert_element_type3A_24 = arith.extui %gt3A_23 : i1 to i32
    %cond3A_25 = arith.constant 0 : i32
    %cond3A_26 = arith.cmpi ne, %convert_element_type3A_24, %cond3A_25 : i32
    scf.if %cond3A_26 {
      %get3A_27 = arith.constant 4 : index
      %get3A_28 = arith.constant 0 : index
      %get3A_29 = vector.load %arg6[%get3A_27, %get3A_28] : memref<8x64xf32, #tpu.memory_space<vmem>>, vector<1x64xf32>
      %sub3A_30 = vector.broadcast %get3A_29 : vector<1x64xf32> to vector<2560x64xf32>
      %sub3A_31 = arith.subf %add3A_14, %sub3A_30 : vector<2560x64xf32>
      %mul3A = arith.mulf %sub3A_31, %sub3A_31 : vector<2560x64xf32>
      %reduce_sum3A_32 = arith.constant dense<0.000000e+00> : vector<64xf32>
      %reduce_sum3A_33 = vector.multi_reduction <add>, %mul3A, %reduce_sum3A_32 [0] : vector<2560x64xf32> to vector<64xf32>
      %broadcast_in_dim3A_34 = vector.shape_cast %reduce_sum3A_33 : vector<64xf32> to vector<1x64xf32>
      %get3A_35 = arith.constant 1 : index
      %get3A_36 = arith.constant 0 : index
      %get3A_37 = vector.load %arg6[%get3A_35, %get3A_36] : memref<8x64xf32, #tpu.memory_space<vmem>>, vector<1x64xf32>
      %sub3A_38 = arith.subf %broadcast_in_dim3A_20, %get3A_37 : vector<1x64xf32>
      %get3A_39 = arith.constant 0 : index
      %get3A_40 = arith.constant 0 : index
      %get3A_41 = vector.load %arg6[%get3A_39, %get3A_40] : memref<8x64xf32, #tpu.memory_space<vmem>>, vector<1x64xf32>
      %add3A_42 = arith.addf %get3A_41, %sub3A_38 : vector<1x64xf32>
      %get3A_43 = arith.constant 0 : index
      %get3A_44 = arith.constant 0 : index
      %get3A_45 = vector.load %arg6[%get3A_43, %get3A_44] : memref<8x64xf32, #tpu.memory_space<vmem>>, vector<1x64xf32>
      %sub3A_46 = arith.subf %add3A_42, %get3A_45 : vector<1x64xf32>
      %sub3A_47 = arith.subf %sub3A_46, %sub3A_38 : vector<1x64xf32>
      %swap3A_48 = arith.constant 1 : index
      %swap3A_49 = arith.constant 0 : index
      %swap3A_50 = vector.load %arg6[%swap3A_48, %swap3A_49] : memref<8x64xf32, #tpu.memory_space<vmem>>, vector<1x64xf32>
      tpu.vector_store %arg6[%swap3A_48, %swap3A_49], %sub3A_47 {strides = array<i32>} : memref<8x64xf32, #tpu.memory_space<vmem>>, vector<1x64xf32>,
      %swap3A_51 = arith.constant 0 : index
      %swap3A_52 = arith.constant 0 : index
      %swap3A_53 = vector.load %arg6[%swap3A_51, %swap3A_52] : memref<8x64xf32, #tpu.memory_space<vmem>>, vector<1x64xf32>
      tpu.vector_store %arg6[%swap3A_51, %swap3A_52], %add3A_42 {strides = array<i32>} : memref<8x64xf32, #tpu.memory_space<vmem>>, vector<1x64xf32>,
      %get3A_54 = arith.constant 3 : index
      %get3A_55 = arith.constant 0 : index
      %get3A_56 = vector.load %arg6[%get3A_54, %get3A_55] : memref<8x64xf32, #tpu.memory_space<vmem>>, vector<1x64xf32>
      %sub3A_57 = arith.subf %broadcast_in_dim3A_34, %get3A_56 : vector<1x64xf32>
      %get3A_58 = arith.constant 2 : index
      %get3A_59 = arith.constant 0 : index
      %get3A_60 = vector.load %arg6[%get3A_58, %get3A_59] : memref<8x64xf32, #tpu.memory_space<vmem>>, vector<1x64xf32>
      %add3A_61 = arith.addf %get3A_60, %sub3A_57 : vector<1x64xf32>
      %get3A_62 = arith.constant 2 : index
      %get3A_63 = arith.constant 0 : index
      %get3A_64 = vector.load %arg6[%get3A_62, %get3A_63] : memref<8x64xf32, #tpu.memory_space<vmem>>, vector<1x64xf32>
      %sub3A_65 = arith.subf %add3A_61, %get3A_64 : vector<1x64xf32>
      %sub3A_66 = arith.subf %sub3A_65, %sub3A_57 : vector<1x64xf32>
      %swap3A_67 = arith.constant 3 : index
      %swap3A_68 = arith.constant 0 : index
      %swap3A_69 = vector.load %arg6[%swap3A_67, %swap3A_68] : memref<8x64xf32, #tpu.memory_space<vmem>>, vector<1x64xf32>
      tpu.vector_store %arg6[%swap3A_67, %swap3A_68], %sub3A_66 {strides = array<i32>} : memref<8x64xf32, #tpu.memory_space<vmem>>, vector<1x64xf32>,
      %swap3A_70 = arith.constant 2 : index
      %swap3A_71 = arith.constant 0 : index
      %swap3A_72 = vector.load %arg6[%swap3A_70, %swap3A_71] : memref<8x64xf32, #tpu.memory_space<vmem>>, vector<1x64xf32>
      tpu.vector_store %arg6[%swap3A_70, %swap3A_71], %add3A_61 {strides = array<i32>} : memref<8x64xf32, #tpu.memory_space<vmem>>, vector<1x64xf32>,
    } else {
    }
    return
  }
  func.func @transform_0(%arg0: i32) -> (i32, i32) {
    %c0_i32 = arith.constant 0 : i32
    %c0_i32_0 = arith.constant 0 : i32
    return %arg0, %c0_i32 : i32, i32
  }
  func.func @transform_1(%arg0: i32) -> (i32, i32) {
    %c0_i32 = arith.constant 0 : i32
    %c0_i32_0 = arith.constant 0 : i32
    return %arg0, %c0_i32 : i32, i32
  }
  func.func @transform_2(%arg0: i32) -> (i32, i32) {
    %c0_i32 = arith.constant 0 : i32
    %c0_i32_0 = arith.constant 0 : i32
    %c0_i32_1 = arith.constant 0 : i32
    return %c0_i32, %c0_i32_0 : i32, i32
  }
  func.func @transform_3(%arg0: i32) -> (i32, i32) {
    %c0_i32 = arith.constant 0 : i32
    %c0_i32_0 = arith.constant 0 : i32
    %c0_i32_1 = arith.constant 0 : i32
    return %c0_i32, %c0_i32_0 : i32, i32
  }
  func.func @transform_4(%arg0: i32) -> (i32, i32) {
    %c0_i32 = arith.constant 0 : i32
    %c0_i32_0 = arith.constant 0 : i32
    return %arg0, %c0_i32 : i32, i32
  }
  func.func @transform_5(%arg0: i32) -> (i32, i32) {
    %c0_i32 = arith.constant 0 : i32
    %c0_i32_0 = arith.constant 0 : i32
    %c0_i32_1 = arith.constant 0 : i32
    return %c0_i32, %c0_i32_0 : i32, i32
  }
}

module attributes {stable_mosaic.version = 14 : i64} {
  func.func @_bn_body(%arg0: memref<2048x64xf32, #tpu.memory_space<vmem>>, %arg1: memref<8x64xf32, #tpu.memory_space<vmem>>, %arg2: memref<1x64xf32, #tpu.memory_space<vmem>>, %arg3: memref<1x64xf32, #tpu.memory_space<vmem>>, %arg4: memref<2048x64xf32, #tpu.memory_space<vmem>>) attributes {dimension_semantics = [], scalar_prefetch = 0 : i64, scratch_operands = 0 : i64, tpu.core_type = #tpu.core_type<tc>} {
    %get3A = arith.constant 0 : index
    %get3A_0 = arith.constant 0 : index
    %get3A_1 = vector.load %arg1[%get3A, %get3A_0] : memref<8x64xf32, #tpu.memory_space<vmem>>, vector<1x64xf32>
    %get3A_2 = arith.constant 1 : index
    %get3A_3 = arith.constant 0 : index
    %get3A_4 = vector.load %arg1[%get3A_2, %get3A_3] : memref<8x64xf32, #tpu.memory_space<vmem>>, vector<1x64xf32>
    %sub3A = arith.subf %get3A_1, %get3A_4 : vector<1x64xf32>
    %div3A = arith.constant 4.096000e+04 : f32
    %div3A_5 = vector.broadcast %div3A : f32 to vector<1x64xf32>
    %div3A_6 = arith.divf %sub3A, %div3A_5 : vector<1x64xf32>
    %get3A_7 = arith.constant 4 : index
    %get3A_8 = arith.constant 0 : index
    %get3A_9 = vector.load %arg1[%get3A_7, %get3A_8] : memref<8x64xf32, #tpu.memory_space<vmem>>, vector<1x64xf32>
    %sub3A_10 = arith.subf %div3A_6, %get3A_9 : vector<1x64xf32>
    %get3A_11 = arith.constant 2 : index
    %get3A_12 = arith.constant 0 : index
    %get3A_13 = vector.load %arg1[%get3A_11, %get3A_12] : memref<8x64xf32, #tpu.memory_space<vmem>>, vector<1x64xf32>
    %get3A_14 = arith.constant 3 : index
    %get3A_15 = arith.constant 0 : index
    %get3A_16 = vector.load %arg1[%get3A_14, %get3A_15] : memref<8x64xf32, #tpu.memory_space<vmem>>, vector<1x64xf32>
    %sub3A_17 = arith.subf %get3A_13, %get3A_16 : vector<1x64xf32>
    %div3A_18 = arith.constant 4.096000e+04 : f32
    %div3A_19 = vector.broadcast %div3A_18 : f32 to vector<1x64xf32>
    %div3A_20 = arith.divf %sub3A_17, %div3A_19 : vector<1x64xf32>
    %mul3A = arith.mulf %sub3A_10, %sub3A_10 : vector<1x64xf32>
    %sub3A_21 = arith.subf %div3A_20, %mul3A : vector<1x64xf32>
    %add3A = arith.constant 9.99999974E-6 : f32
    %add3A_22 = vector.broadcast %add3A : f32 to vector<1x64xf32>
    %add3A_23 = arith.addf %sub3A_21, %add3A_22 : vector<1x64xf32>
    %sqrt3A = math.sqrt %add3A_23 : vector<1x64xf32>
    %get3A_24 = arith.constant 0 : index
    %get3A_25 = arith.constant 0 : index
    %get3A_26 = vector.load %arg2[%get3A_24, %get3A_25] : memref<1x64xf32, #tpu.memory_space<vmem>>, vector<1x64xf32>
    %get3A_27 = arith.constant 0 : index
    %get3A_28 = arith.constant 0 : index
    %get3A_29 = vector.load %arg0[%get3A_27, %get3A_28] : memref<2048x64xf32, #tpu.memory_space<vmem>>, vector<2048x64xf32>
    %sub3A_30 = vector.broadcast %div3A_6 : vector<1x64xf32> to vector<2048x64xf32>
    %sub3A_31 = arith.subf %get3A_29, %sub3A_30 : vector<2048x64xf32>
    %mul3A_32 = vector.broadcast %get3A_26 : vector<1x64xf32> to vector<2048x64xf32>
    %mul3A_33 = arith.mulf %mul3A_32, %sub3A_31 : vector<2048x64xf32>
    %div3A_34 = vector.broadcast %sqrt3A : vector<1x64xf32> to vector<2048x64xf32>
    %div3A_35 = arith.divf %mul3A_33, %div3A_34 : vector<2048x64xf32>
    %get3A_36 = arith.constant 0 : index
    %get3A_37 = arith.constant 0 : index
    %get3A_38 = vector.load %arg3[%get3A_36, %get3A_37] : memref<1x64xf32, #tpu.memory_space<vmem>>, vector<1x64xf32>
    %add3A_39 = vector.broadcast %get3A_38 : vector<1x64xf32> to vector<2048x64xf32>
    %add3A_40 = arith.addf %div3A_35, %add3A_39 : vector<2048x64xf32>
    %max3A = arith.constant 0.000000e+00 : f32
    %max3A_41 = vector.broadcast %max3A : f32 to vector<2048x64xf32>
    %max3A_42 = arith.maximumf %add3A_40, %max3A_41 : vector<2048x64xf32>
    %swap3A = arith.constant 0 : index
    %swap3A_43 = arith.constant 0 : index
    %swap3A_44 = vector.load %arg4[%swap3A, %swap3A_43] : memref<2048x64xf32, #tpu.memory_space<vmem>>, vector<2048x64xf32>
    tpu.vector_store %arg4[%swap3A, %swap3A_43], %max3A_42 {strides = array<i32>} : memref<2048x64xf32, #tpu.memory_space<vmem>>, vector<2048x64xf32>,
    return
  }
}

module attributes {stable_mosaic.version = 14 : i64} {
  func.func @_topk_body(%arg0: i32, %arg1: i32, %arg2: memref<1x256x64xf32, #tpu.memory_space<vmem>>, %arg3: memref<1x1024x64xf32, #tpu.memory_space<vmem>>, %arg4: memref<1x256x20xi32, #tpu.memory_space<vmem>>) attributes {dimension_semantics = [#tpu.dimension_semantics<arbitrary>, #tpu.dimension_semantics<arbitrary>], iteration_bounds = array<i64: 2, 4>, scalar_prefetch = 0 : i64, scratch_operands = 0 : i64, tpu.core_type = #tpu.core_type<tc>, window_params = [{transform_indices = @transform_0, window_bounds = array<i64: 1, 256, 64>}, {transform_indices = @transform_1, window_bounds = array<i64: 1, 1024, 64>}, {transform_indices = @transform_2, window_bounds = array<i64: 1, 256, 20>}]} {
    %get3A = arith.constant 0 : index
    %get3A_0 = arith.constant 0 : index
    %get3A_1 = arith.constant 0 : index
    %get3A_2 = vector.load %arg2[%get3A, %get3A_0, %get3A_1] : memref<1x256x64xf32, #tpu.memory_space<vmem>>, vector<1x256x64xf32>
    %get3A_3 = vector.shape_cast %get3A_2 : vector<1x256x64xf32> to vector<256x64xf32>
    %get3A_4 = arith.constant 0 : index
    %get3A_5 = arith.constant 0 : index
    %get3A_6 = arith.constant 0 : index
    %get3A_7 = vector.load %arg3[%get3A_4, %get3A_5, %get3A_6] : memref<1x1024x64xf32, #tpu.memory_space<vmem>>, vector<1x1024x64xf32>
    %get3A_8 = vector.shape_cast %get3A_7 : vector<1x1024x64xf32> to vector<1024x64xf32>
    %dot_general3A = arith.constant dense<0.000000e+00> : vector<256x1024xf32>
    %dot_general3A_9 = tpu.matmul %get3A_3, %get3A_8, %dot_general3A {dimension_numbers = #tpu.dot_dimension_numbers<[1], [1], [0], [0], [0, 0, 1, 0], [], []>, transpose_lhs_hint = false} : vector<256x64xf32>, vector<1024x64xf32>, vector<256x1024xf32> -> vector<256x1024xf32>
    %mul3A = arith.mulf %get3A_8, %get3A_8 : vector<1024x64xf32>
    %reduce_sum3A = arith.constant dense<0.000000e+00> : vector<1024xf32>
    %reduce_sum3A_10 = vector.multi_reduction <add>, %mul3A, %reduce_sum3A [1] : vector<1024x64xf32> to vector<1024xf32>
    %mul3A_11 = arith.mulf %get3A_3, %get3A_3 : vector<256x64xf32>
    %reduce_sum3A_12 = arith.constant dense<0.000000e+00> : vector<256xf32>
    %reduce_sum3A_13 = vector.multi_reduction <add>, %mul3A_11, %reduce_sum3A_12 [1] : vector<256x64xf32> to vector<256xf32>
    %broadcast_in_dim3A = vector.shape_cast %reduce_sum3A_13 : vector<256xf32> to vector<256x1xf32>
    %mul3A_14 = arith.constant 2.000000e+00 : f32
    %mul3A_15 = vector.broadcast %mul3A_14 : f32 to vector<256x1024xf32>
    %mul3A_16 = arith.mulf %mul3A_15, %dot_general3A_9 : vector<256x1024xf32>
    %sub3A = vector.broadcast %broadcast_in_dim3A : vector<256x1xf32> to vector<256x1024xf32>
    %sub3A_17 = arith.subf %sub3A, %mul3A_16 : vector<256x1024xf32>
    %broadcast_in_dim3A_18 = vector.shape_cast %reduce_sum3A_10 : vector<1024xf32> to vector<1x1024xf32>
    %add3A = vector.broadcast %broadcast_in_dim3A_18 : vector<1x1024xf32> to vector<256x1024xf32>
    %add3A_19 = arith.addf %sub3A_17, %add3A : vector<256x1024xf32>
    %iota3A = tpu.iota {dimensions = array<i32: 1>} : vector<256x1024xi32>
    %argmin3A = tpu.reduce_index %add3A_19 {axis = 1 : i32, kind = #tpu.reduction_kind<arg_min>} : vector<256x1024xf32> -> vector<256xi32>
    %broadcast_in_dim3A_20 = vector.shape_cast %argmin3A : vector<256xi32> to vector<256x1xi32>
    %eq3A = vector.broadcast %broadcast_in_dim3A_20 : vector<256x1xi32> to vector<256x1024xi32>
    %eq3A_21 = arith.cmpi eq, %iota3A, %eq3A : vector<256x1024xi32>
    %jit3A = arith.constant 0x7F800000 : f32
    %broadcast_in_dim3A_22 = vector.broadcast %jit3A : f32 to vector<256x1024xf32>
    %select_n3A = arith.select %eq3A_21, %broadcast_in_dim3A_22, %add3A_19 : vector<256x1024xi1>, vector<256x1024xf32>
    %argmin3A_23 = tpu.reduce_index %select_n3A {axis = 1 : i32, kind = #tpu.reduction_kind<arg_min>} : vector<256x1024xf32> -> vector<256xi32>
    %broadcast_in_dim3A_24 = vector.shape_cast %argmin3A_23 : vector<256xi32> to vector<256x1xi32>
    %eq3A_25 = vector.broadcast %broadcast_in_dim3A_24 : vector<256x1xi32> to vector<256x1024xi32>
    %eq3A_26 = arith.cmpi eq, %iota3A, %eq3A_25 : vector<256x1024xi32>
    %jit3A_27 = arith.constant 0x7F800000 : f32
    %broadcast_in_dim3A_28 = vector.broadcast %jit3A_27 : f32 to vector<256x1024xf32>
    %select_n3A_29 = arith.select %eq3A_26, %broadcast_in_dim3A_28, %select_n3A : vector<256x1024xi1>, vector<256x1024xf32>
    %argmin3A_30 = tpu.reduce_index %select_n3A_29 {axis = 1 : i32, kind = #tpu.reduction_kind<arg_min>} : vector<256x1024xf32> -> vector<256xi32>
    %broadcast_in_dim3A_31 = vector.shape_cast %argmin3A_30 : vector<256xi32> to vector<256x1xi32>
    %eq3A_32 = vector.broadcast %broadcast_in_dim3A_31 : vector<256x1xi32> to vector<256x1024xi32>
    %eq3A_33 = arith.cmpi eq, %iota3A, %eq3A_32 : vector<256x1024xi32>
    %jit3A_34 = arith.constant 0x7F800000 : f32
    %broadcast_in_dim3A_35 = vector.broadcast %jit3A_34 : f32 to vector<256x1024xf32>
    %select_n3A_36 = arith.select %eq3A_33, %broadcast_in_dim3A_35, %select_n3A_29 : vector<256x1024xi1>, vector<256x1024xf32>
    %argmin3A_37 = tpu.reduce_index %select_n3A_36 {axis = 1 : i32, kind = #tpu.reduction_kind<arg_min>} : vector<256x1024xf32> -> vector<256xi32>
    %broadcast_in_dim3A_38 = vector.shape_cast %argmin3A_37 : vector<256xi32> to vector<256x1xi32>
    %eq3A_39 = vector.broadcast %broadcast_in_dim3A_38 : vector<256x1xi32> to vector<256x1024xi32>
    %eq3A_40 = arith.cmpi eq, %iota3A, %eq3A_39 : vector<256x1024xi32>
    %jit3A_41 = arith.constant 0x7F800000 : f32
    %broadcast_in_dim3A_42 = vector.broadcast %jit3A_41 : f32 to vector<256x1024xf32>
    %select_n3A_43 = arith.select %eq3A_40, %broadcast_in_dim3A_42, %select_n3A_36 : vector<256x1024xi1>, vector<256x1024xf32>
    %argmin3A_44 = tpu.reduce_index %select_n3A_43 {axis = 1 : i32, kind = #tpu.reduction_kind<arg_min>} : vector<256x1024xf32> -> vector<256xi32>
    %broadcast_in_dim3A_45 = vector.shape_cast %argmin3A_44 : vector<256xi32> to vector<256x1xi32>
    %eq3A_46 = vector.broadcast %broadcast_in_dim3A_45 : vector<256x1xi32> to vector<256x1024xi32>
    %eq3A_47 = arith.cmpi eq, %iota3A, %eq3A_46 : vector<256x1024xi32>
    %jit3A_48 = arith.constant 0x7F800000 : f32
    %broadcast_in_dim3A_49 = vector.broadcast %jit3A_48 : f32 to vector<256x1024xf32>
    %select_n3A_50 = arith.select %eq3A_47, %broadcast_in_dim3A_49, %select_n3A_43 : vector<256x1024xi1>, vector<256x1024xf32>
    %argmin3A_51 = tpu.reduce_index %select_n3A_50 {axis = 1 : i32, kind = #tpu.reduction_kind<arg_min>} : vector<256x1024xf32> -> vector<256xi32>
    %broadcast_in_dim3A_52 = vector.shape_cast %argmin3A_51 : vector<256xi32> to vector<256x1xi32>
    %eq3A_53 = vector.broadcast %broadcast_in_dim3A_52 : vector<256x1xi32> to vector<256x1024xi32>
    %eq3A_54 = arith.cmpi eq, %iota3A, %eq3A_53 : vector<256x1024xi32>
    %jit3A_55 = arith.constant 0x7F800000 : f32
    %broadcast_in_dim3A_56 = vector.broadcast %jit3A_55 : f32 to vector<256x1024xf32>
    %select_n3A_57 = arith.select %eq3A_54, %broadcast_in_dim3A_56, %select_n3A_50 : vector<256x1024xi1>, vector<256x1024xf32>
    %argmin3A_58 = tpu.reduce_index %select_n3A_57 {axis = 1 : i32, kind = #tpu.reduction_kind<arg_min>} : vector<256x1024xf32> -> vector<256xi32>
    %broadcast_in_dim3A_59 = vector.shape_cast %argmin3A_58 : vector<256xi32> to vector<256x1xi32>
    %eq3A_60 = vector.broadcast %broadcast_in_dim3A_59 : vector<256x1xi32> to vector<256x1024xi32>
    %eq3A_61 = arith.cmpi eq, %iota3A, %eq3A_60 : vector<256x1024xi32>
    %jit3A_62 = arith.constant 0x7F800000 : f32
    %broadcast_in_dim3A_63 = vector.broadcast %jit3A_62 : f32 to vector<256x1024xf32>
    %select_n3A_64 = arith.select %eq3A_61, %broadcast_in_dim3A_63, %select_n3A_57 : vector<256x1024xi1>, vector<256x1024xf32>
    %argmin3A_65 = tpu.reduce_index %select_n3A_64 {axis = 1 : i32, kind = #tpu.reduction_kind<arg_min>} : vector<256x1024xf32> -> vector<256xi32>
    %broadcast_in_dim3A_66 = vector.shape_cast %argmin3A_65 : vector<256xi32> to vector<256x1xi32>
    %eq3A_67 = vector.broadcast %broadcast_in_dim3A_66 : vector<256x1xi32> to vector<256x1024xi32>
    %eq3A_68 = arith.cmpi eq, %iota3A, %eq3A_67 : vector<256x1024xi32>
    %jit3A_69 = arith.constant 0x7F800000 : f32
    %broadcast_in_dim3A_70 = vector.broadcast %jit3A_69 : f32 to vector<256x1024xf32>
    %select_n3A_71 = arith.select %eq3A_68, %broadcast_in_dim3A_70, %select_n3A_64 : vector<256x1024xi1>, vector<256x1024xf32>
    %argmin3A_72 = tpu.reduce_index %select_n3A_71 {axis = 1 : i32, kind = #tpu.reduction_kind<arg_min>} : vector<256x1024xf32> -> vector<256xi32>
    %broadcast_in_dim3A_73 = vector.shape_cast %argmin3A_72 : vector<256xi32> to vector<256x1xi32>
    %eq3A_74 = vector.broadcast %broadcast_in_dim3A_73 : vector<256x1xi32> to vector<256x1024xi32>
    %eq3A_75 = arith.cmpi eq, %iota3A, %eq3A_74 : vector<256x1024xi32>
    %jit3A_76 = arith.constant 0x7F800000 : f32
    %broadcast_in_dim3A_77 = vector.broadcast %jit3A_76 : f32 to vector<256x1024xf32>
    %select_n3A_78 = arith.select %eq3A_75, %broadcast_in_dim3A_77, %select_n3A_71 : vector<256x1024xi1>, vector<256x1024xf32>
    %argmin3A_79 = tpu.reduce_index %select_n3A_78 {axis = 1 : i32, kind = #tpu.reduction_kind<arg_min>} : vector<256x1024xf32> -> vector<256xi32>
    %broadcast_in_dim3A_80 = vector.shape_cast %argmin3A_79 : vector<256xi32> to vector<256x1xi32>
    %eq3A_81 = vector.broadcast %broadcast_in_dim3A_80 : vector<256x1xi32> to vector<256x1024xi32>
    %eq3A_82 = arith.cmpi eq, %iota3A, %eq3A_81 : vector<256x1024xi32>
    %jit3A_83 = arith.constant 0x7F800000 : f32
    %broadcast_in_dim3A_84 = vector.broadcast %jit3A_83 : f32 to vector<256x1024xf32>
    %select_n3A_85 = arith.select %eq3A_82, %broadcast_in_dim3A_84, %select_n3A_78 : vector<256x1024xi1>, vector<256x1024xf32>
    %argmin3A_86 = tpu.reduce_index %select_n3A_85 {axis = 1 : i32, kind = #tpu.reduction_kind<arg_min>} : vector<256x1024xf32> -> vector<256xi32>
    %broadcast_in_dim3A_87 = vector.shape_cast %argmin3A_86 : vector<256xi32> to vector<256x1xi32>
    %eq3A_88 = vector.broadcast %broadcast_in_dim3A_87 : vector<256x1xi32> to vector<256x1024xi32>
    %eq3A_89 = arith.cmpi eq, %iota3A, %eq3A_88 : vector<256x1024xi32>
    %jit3A_90 = arith.constant 0x7F800000 : f32
    %broadcast_in_dim3A_91 = vector.broadcast %jit3A_90 : f32 to vector<256x1024xf32>
    %select_n3A_92 = arith.select %eq3A_89, %broadcast_in_dim3A_91, %select_n3A_85 : vector<256x1024xi1>, vector<256x1024xf32>
    %argmin3A_93 = tpu.reduce_index %select_n3A_92 {axis = 1 : i32, kind = #tpu.reduction_kind<arg_min>} : vector<256x1024xf32> -> vector<256xi32>
    %broadcast_in_dim3A_94 = vector.shape_cast %argmin3A_93 : vector<256xi32> to vector<256x1xi32>
    %eq3A_95 = vector.broadcast %broadcast_in_dim3A_94 : vector<256x1xi32> to vector<256x1024xi32>
    %eq3A_96 = arith.cmpi eq, %iota3A, %eq3A_95 : vector<256x1024xi32>
    %jit3A_97 = arith.constant 0x7F800000 : f32
    %broadcast_in_dim3A_98 = vector.broadcast %jit3A_97 : f32 to vector<256x1024xf32>
    %select_n3A_99 = arith.select %eq3A_96, %broadcast_in_dim3A_98, %select_n3A_92 : vector<256x1024xi1>, vector<256x1024xf32>
    %argmin3A_100 = tpu.reduce_index %select_n3A_99 {axis = 1 : i32, kind = #tpu.reduction_kind<arg_min>} : vector<256x1024xf32> -> vector<256xi32>
    %broadcast_in_dim3A_101 = vector.shape_cast %argmin3A_100 : vector<256xi32> to vector<256x1xi32>
    %eq3A_102 = vector.broadcast %broadcast_in_dim3A_101 : vector<256x1xi32> to vector<256x1024xi32>
    %eq3A_103 = arith.cmpi eq, %iota3A, %eq3A_102 : vector<256x1024xi32>
    %jit3A_104 = arith.constant 0x7F800000 : f32
    %broadcast_in_dim3A_105 = vector.broadcast %jit3A_104 : f32 to vector<256x1024xf32>
    %select_n3A_106 = arith.select %eq3A_103, %broadcast_in_dim3A_105, %select_n3A_99 : vector<256x1024xi1>, vector<256x1024xf32>
    %argmin3A_107 = tpu.reduce_index %select_n3A_106 {axis = 1 : i32, kind = #tpu.reduction_kind<arg_min>} : vector<256x1024xf32> -> vector<256xi32>
    %broadcast_in_dim3A_108 = vector.shape_cast %argmin3A_107 : vector<256xi32> to vector<256x1xi32>
    %eq3A_109 = vector.broadcast %broadcast_in_dim3A_108 : vector<256x1xi32> to vector<256x1024xi32>
    %eq3A_110 = arith.cmpi eq, %iota3A, %eq3A_109 : vector<256x1024xi32>
    %jit3A_111 = arith.constant 0x7F800000 : f32
    %broadcast_in_dim3A_112 = vector.broadcast %jit3A_111 : f32 to vector<256x1024xf32>
    %select_n3A_113 = arith.select %eq3A_110, %broadcast_in_dim3A_112, %select_n3A_106 : vector<256x1024xi1>, vector<256x1024xf32>
    %argmin3A_114 = tpu.reduce_index %select_n3A_113 {axis = 1 : i32, kind = #tpu.reduction_kind<arg_min>} : vector<256x1024xf32> -> vector<256xi32>
    %broadcast_in_dim3A_115 = vector.shape_cast %argmin3A_114 : vector<256xi32> to vector<256x1xi32>
    %eq3A_116 = vector.broadcast %broadcast_in_dim3A_115 : vector<256x1xi32> to vector<256x1024xi32>
    %eq3A_117 = arith.cmpi eq, %iota3A, %eq3A_116 : vector<256x1024xi32>
    %jit3A_118 = arith.constant 0x7F800000 : f32
    %broadcast_in_dim3A_119 = vector.broadcast %jit3A_118 : f32 to vector<256x1024xf32>
    %select_n3A_120 = arith.select %eq3A_117, %broadcast_in_dim3A_119, %select_n3A_113 : vector<256x1024xi1>, vector<256x1024xf32>
    %argmin3A_121 = tpu.reduce_index %select_n3A_120 {axis = 1 : i32, kind = #tpu.reduction_kind<arg_min>} : vector<256x1024xf32> -> vector<256xi32>
    %broadcast_in_dim3A_122 = vector.shape_cast %argmin3A_121 : vector<256xi32> to vector<256x1xi32>
    %eq3A_123 = vector.broadcast %broadcast_in_dim3A_122 : vector<256x1xi32> to vector<256x1024xi32>
    %eq3A_124 = arith.cmpi eq, %iota3A, %eq3A_123 : vector<256x1024xi32>
    %jit3A_125 = arith.constant 0x7F800000 : f32
    %broadcast_in_dim3A_126 = vector.broadcast %jit3A_125 : f32 to vector<256x1024xf32>
    %select_n3A_127 = arith.select %eq3A_124, %broadcast_in_dim3A_126, %select_n3A_120 : vector<256x1024xi1>, vector<256x1024xf32>
    %argmin3A_128 = tpu.reduce_index %select_n3A_127 {axis = 1 : i32, kind = #tpu.reduction_kind<arg_min>} : vector<256x1024xf32> -> vector<256xi32>
    %broadcast_in_dim3A_129 = vector.shape_cast %argmin3A_128 : vector<256xi32> to vector<256x1xi32>
    %eq3A_130 = vector.broadcast %broadcast_in_dim3A_129 : vector<256x1xi32> to vector<256x1024xi32>
    %eq3A_131 = arith.cmpi eq, %iota3A, %eq3A_130 : vector<256x1024xi32>
    %jit3A_132 = arith.constant 0x7F800000 : f32
    %broadcast_in_dim3A_133 = vector.broadcast %jit3A_132 : f32 to vector<256x1024xf32>
    %select_n3A_134 = arith.select %eq3A_131, %broadcast_in_dim3A_133, %select_n3A_127 : vector<256x1024xi1>, vector<256x1024xf32>
    %argmin3A_135 = tpu.reduce_index %select_n3A_134 {axis = 1 : i32, kind = #tpu.reduction_kind<arg_min>} : vector<256x1024xf32> -> vector<256xi32>
    %broadcast_in_dim3A_136 = vector.shape_cast %argmin3A_135 : vector<256xi32> to vector<256x1xi32>
    %eq3A_137 = vector.broadcast %broadcast_in_dim3A_136 : vector<256x1xi32> to vector<256x1024xi32>
    %eq3A_138 = arith.cmpi eq, %iota3A, %eq3A_137 : vector<256x1024xi32>
    %jit3A_139 = arith.constant 0x7F800000 : f32
    %broadcast_in_dim3A_140 = vector.broadcast %jit3A_139 : f32 to vector<256x1024xf32>
    %select_n3A_141 = arith.select %eq3A_138, %broadcast_in_dim3A_140, %select_n3A_134 : vector<256x1024xi1>, vector<256x1024xf32>
    %argmin3A_142 = tpu.reduce_index %select_n3A_141 {axis = 1 : i32, kind = #tpu.reduction_kind<arg_min>} : vector<256x1024xf32> -> vector<256xi32>
    %broadcast_in_dim3A_143 = vector.shape_cast %argmin3A_142 : vector<256xi32> to vector<256x1xi32>
    %eq3A_144 = vector.broadcast %broadcast_in_dim3A_143 : vector<256x1xi32> to vector<256x1024xi32>
    %eq3A_145 = arith.cmpi eq, %iota3A, %eq3A_144 : vector<256x1024xi32>
    %jit3A_146 = arith.constant 0x7F800000 : f32
    %broadcast_in_dim3A_147 = vector.broadcast %jit3A_146 : f32 to vector<256x1024xf32>
    %select_n3A_148 = arith.select %eq3A_145, %broadcast_in_dim3A_147, %select_n3A_141 : vector<256x1024xi1>, vector<256x1024xf32>
    %argmin3A_149 = tpu.reduce_index %select_n3A_148 {axis = 1 : i32, kind = #tpu.reduction_kind<arg_min>} : vector<256x1024xf32> -> vector<256xi32>
    %broadcast_in_dim3A_150 = vector.shape_cast %argmin3A_149 : vector<256xi32> to vector<256x1xi32>
    %concatenate3A = tpu.concatenate %broadcast_in_dim3A_20, %broadcast_in_dim3A_24, %broadcast_in_dim3A_31, %broadcast_in_dim3A_38, %broadcast_in_dim3A_45, %broadcast_in_dim3A_52, %broadcast_in_dim3A_59, %broadcast_in_dim3A_66, %broadcast_in_dim3A_73, %broadcast_in_dim3A_80, %broadcast_in_dim3A_87, %broadcast_in_dim3A_94, %broadcast_in_dim3A_101, %broadcast_in_dim3A_108, %broadcast_in_dim3A_115, %broadcast_in_dim3A_122, %broadcast_in_dim3A_129, %broadcast_in_dim3A_136, %broadcast_in_dim3A_143, %broadcast_in_dim3A_150 in 1 : vector<256x1xi32>, vector<256x1xi32>, vector<256x1xi32>, vector<256x1xi32>, vector<256x1xi32>, vector<256x1xi32>, vector<256x1xi32>, vector<256x1xi32>, vector<256x1xi32>, vector<256x1xi32>, vector<256x1xi32>, vector<256x1xi32>, vector<256x1xi32>, vector<256x1xi32>, vector<256x1xi32>, vector<256x1xi32>, vector<256x1xi32>, vector<256x1xi32>, vector<256x1xi32>, vector<256x1xi32> -> vector<256x20xi32>
    %mul3A_151 = arith.constant 1024 : i32
    %mul3A_152 = arith.muli %arg0, %mul3A_151 : i32
    %add3A_153 = vector.broadcast %mul3A_152 : i32 to vector<256x20xi32>
    %add3A_154 = arith.addi %concatenate3A, %add3A_153 : vector<256x20xi32>
    %swap3A = arith.constant 0 : index
    %swap3A_155 = arith.constant 0 : index
    %swap3A_156 = arith.constant 0 : index
    %swap3A_157 = vector.load %arg4[%swap3A, %swap3A_155, %swap3A_156] : memref<1x256x20xi32, #tpu.memory_space<vmem>>, vector<1x256x20xi32>
    %swap3A_158 = vector.shape_cast %swap3A_157 : vector<1x256x20xi32> to vector<256x20xi32>
    %swap3A_159 = vector.shape_cast %add3A_154 : vector<256x20xi32> to vector<1x256x20xi32>
    tpu.vector_store %arg4[%swap3A, %swap3A_155, %swap3A_156], %swap3A_159 {strides = array<i32>} : memref<1x256x20xi32, #tpu.memory_space<vmem>>, vector<1x256x20xi32>,
    return
  }
  func.func @transform_0(%arg0: i32, %arg1: i32) -> (i32, i32, i32) {
    %c0_i32 = arith.constant 0 : i32
    %c0_i32_0 = arith.constant 0 : i32
    return %arg0, %arg1, %c0_i32 : i32, i32, i32
  }
  func.func @transform_1(%arg0: i32, %arg1: i32) -> (i32, i32, i32) {
    %c0_i32 = arith.constant 0 : i32
    %c0_i32_0 = arith.constant 0 : i32
    %c0_i32_1 = arith.constant 0 : i32
    return %arg0, %c0_i32, %c0_i32_0 : i32, i32, i32
  }
  func.func @transform_2(%arg0: i32, %arg1: i32) -> (i32, i32, i32) {
    %c0_i32 = arith.constant 0 : i32
    %c0_i32_0 = arith.constant 0 : i32
    return %arg0, %arg1, %c0_i32 : i32, i32, i32
  }
}

module attributes {stable_mosaic.version = 14 : i64} {
  func.func @_conv_body(%arg0: i32, %arg1: memref<2560x64xf32, #tpu.memory_space<vmem>>, %arg2: memref<128x64xf32, #tpu.memory_space<vmem>>, %arg3: memref<64x128xf32, #tpu.memory_space<vmem>>, %arg4: memref<1x64xf32, #tpu.memory_space<vmem>>, %arg5: memref<128x64xf32, #tpu.memory_space<vmem>>, %arg6: memref<8x64xf32, #tpu.memory_space<vmem>>) attributes {dimension_semantics = [#tpu.dimension_semantics<arbitrary>], iteration_bounds = array<i64: 16>, scalar_prefetch = 0 : i64, scratch_operands = 0 : i64, tpu.core_type = #tpu.core_type<tc>, window_params = [{transform_indices = @transform_0, window_bounds = array<i64: 2560, 64>}, {transform_indices = @transform_1, window_bounds = array<i64: 128, 64>}, {pipeline_mode = #tpu.pipeline_mode<synchronous>, transform_indices = @transform_2, window_bounds = array<i64: 64, 128>}, {pipeline_mode = #tpu.pipeline_mode<synchronous>, transform_indices = @transform_3, window_bounds = array<i64: 1, 64>}, {transform_indices = @transform_4, window_bounds = array<i64: 128, 64>}, {pipeline_mode = #tpu.pipeline_mode<synchronous>, transform_indices = @transform_5, window_bounds = array<i64: 8, 64>}]} {
    %get3A = arith.constant 0 : index
    %get3A_0 = arith.constant 0 : index
    %get3A_1 = vector.load %arg1[%get3A, %get3A_0] : memref<2560x64xf32, #tpu.memory_space<vmem>>, vector<2560x64xf32>
    %get3A_2 = arith.constant 0 : index
    %get3A_3 = arith.constant 0 : index
    %get3A_4 = vector.load %arg2[%get3A_2, %get3A_3] : memref<128x64xf32, #tpu.memory_space<vmem>>, vector<128x64xf32>
    %broadcast_in_dim3A = vector.shape_cast %get3A_4 : vector<128x64xf32> to vector<128x1x64xf32>
    %broadcast_in_dim3A_5 = vector.shape_cast %broadcast_in_dim3A : vector<128x1x64xf32> to vector<128x1x64xf32>
    %broadcast_in_dim3A_6 = vector.broadcast %broadcast_in_dim3A_5 : vector<128x1x64xf32> to vector<128x20x64xf32>
    %reshape3A = vector.shape_cast %broadcast_in_dim3A_6 : vector<128x20x64xf32> to vector<2560x64xf32>
    %sub3A = arith.subf %get3A_1, %reshape3A : vector<2560x64xf32>
    %concatenate3A = tpu.concatenate %sub3A, %reshape3A in 1 : vector<2560x64xf32>, vector<2560x64xf32> -> vector<2560x128xf32>
    %get3A_7 = arith.constant 0 : index
    %get3A_8 = arith.constant 0 : index
    %get3A_9 = vector.load %arg3[%get3A_7, %get3A_8] : memref<64x128xf32, #tpu.memory_space<vmem>>, vector<64x128xf32>
    %dot_general3A = arith.constant dense<0.000000e+00> : vector<2560x64xf32>
    %dot_general3A_10 = tpu.matmul %concatenate3A, %get3A_9, %dot_general3A {dimension_numbers = #tpu.dot_dimension_numbers<[1], [1], [0], [0], [0, 0, 1, 0], [], []>, transpose_lhs_hint = false} : vector<2560x128xf32>, vector<64x128xf32>, vector<2560x64xf32> -> vector<2560x64xf32>
    %get3A_11 = arith.constant 0 : index
    %get3A_12 = arith.constant 0 : index
    %get3A_13 = vector.load %arg4[%get3A_11, %get3A_12] : memref<1x64xf32, #tpu.memory_space<vmem>>, vector<1x64xf32>
    %add3A = vector.broadcast %get3A_13 : vector<1x64xf32> to vector<2560x64xf32>
    %add3A_14 = arith.addf %dot_general3A_10, %add3A : vector<2560x64xf32>
    %reshape3A_15 = vector.shape_cast %add3A_14 : vector<2560x64xf32> to vector<128x20x64xf32>
    %reduce_max3A = arith.constant dense<0xFF800000> : vector<128x64xf32>
    %reduce_max3A_16 = vector.multi_reduction <maximumf>, %reshape3A_15, %reduce_max3A [1] : vector<128x20x64xf32> to vector<128x64xf32>
    %swap3A = arith.constant 0 : index
    %swap3A_17 = arith.constant 0 : index
    %swap3A_18 = vector.load %arg5[%swap3A, %swap3A_17] : memref<128x64xf32, #tpu.memory_space<vmem>>, vector<128x64xf32>
    tpu.vector_store %arg5[%swap3A, %swap3A_17], %reduce_max3A_16 {strides = array<i32>} : memref<128x64xf32, #tpu.memory_space<vmem>>, vector<128x64xf32>,
    %reduce_sum3A = arith.constant dense<0.000000e+00> : vector<64xf32>
    %reduce_sum3A_19 = vector.multi_reduction <add>, %add3A_14, %reduce_sum3A [0] : vector<2560x64xf32> to vector<64xf32>
    %broadcast_in_dim3A_20 = vector.shape_cast %reduce_sum3A_19 : vector<64xf32> to vector<1x64xf32>
    %eq3A = arith.constant 0 : i32
    %eq3A_21 = arith.cmpi eq, %arg0, %eq3A : i32
    %convert_element_type3A = arith.extui %eq3A_21 : i1 to i32
    %cond3A = arith.constant 0 : i32
    %cond3A_22 = arith.cmpi ne, %convert_element_type3A, %cond3A : i32
    scf.if %cond3A_22 {
      %div3A = arith.constant 2.560000e+03 : f32
      %div3A_27 = vector.broadcast %div3A : f32 to vector<1x64xf32>
      %div3A_28 = arith.divf %broadcast_in_dim3A_20, %div3A_27 : vector<1x64xf32>
      %sub3A_29 = vector.broadcast %div3A_28 : vector<1x64xf32> to vector<2560x64xf32>
      %sub3A_30 = arith.subf %add3A_14, %sub3A_29 : vector<2560x64xf32>
      %swap3A_31 = arith.constant 0 : index
      %swap3A_32 = arith.constant 0 : index
      %swap3A_33 = vector.load %arg6[%swap3A_31, %swap3A_32] : memref<8x64xf32, #tpu.memory_space<vmem>>, vector<1x64xf32>
      tpu.vector_store %arg6[%swap3A_31, %swap3A_32], %broadcast_in_dim3A_20 {strides = array<i32>} : memref<8x64xf32, #tpu.memory_space<vmem>>, vector<1x64xf32>,
      %broadcast_in_dim3A_34 = arith.constant 0.000000e+00 : f32
      %broadcast_in_dim3A_35 = vector.broadcast %broadcast_in_dim3A_34 : f32 to vector<1x64xf32>
      %swap3A_36 = arith.constant 1 : index
      %swap3A_37 = arith.constant 0 : index
      %swap3A_38 = vector.load %arg6[%swap3A_36, %swap3A_37] : memref<8x64xf32, #tpu.memory_space<vmem>>, vector<1x64xf32>
      tpu.vector_store %arg6[%swap3A_36, %swap3A_37], %broadcast_in_dim3A_35 {strides = array<i32>} : memref<8x64xf32, #tpu.memory_space<vmem>>, vector<1x64xf32>,
      %mul3A = arith.mulf %sub3A_30, %sub3A_30 : vector<2560x64xf32>
      %reduce_sum3A_39 = arith.constant dense<0.000000e+00> : vector<64xf32>
      %reduce_sum3A_40 = vector.multi_reduction <add>, %mul3A, %reduce_sum3A_39 [0] : vector<2560x64xf32> to vector<64xf32>
      %broadcast_in_dim3A_41 = vector.shape_cast %reduce_sum3A_40 : vector<64xf32> to vector<1x64xf32>
      %swap3A_42 = arith.constant 2 : index
      %swap3A_43 = arith.constant 0 : index
      %swap3A_44 = vector.load %arg6[%swap3A_42, %swap3A_43] : memref<8x64xf32, #tpu.memory_space<vmem>>, vector<1x64xf32>
      tpu.vector_store %arg6[%swap3A_42, %swap3A_43], %broadcast_in_dim3A_41 {strides = array<i32>} : memref<8x64xf32, #tpu.memory_space<vmem>>, vector<1x64xf32>,
      %broadcast_in_dim3A_45 = arith.constant 0.000000e+00 : f32
      %broadcast_in_dim3A_46 = vector.broadcast %broadcast_in_dim3A_45 : f32 to vector<1x64xf32>
      %swap3A_47 = arith.constant 3 : index
      %swap3A_48 = arith.constant 0 : index
      %swap3A_49 = vector.load %arg6[%swap3A_47, %swap3A_48] : memref<8x64xf32, #tpu.memory_space<vmem>>, vector<1x64xf32>
      tpu.vector_store %arg6[%swap3A_47, %swap3A_48], %broadcast_in_dim3A_46 {strides = array<i32>} : memref<8x64xf32, #tpu.memory_space<vmem>>, vector<1x64xf32>,
      %swap3A_50 = arith.constant 4 : index
      %swap3A_51 = arith.constant 0 : index
      %swap3A_52 = vector.load %arg6[%swap3A_50, %swap3A_51] : memref<8x64xf32, #tpu.memory_space<vmem>>, vector<1x64xf32>
      tpu.vector_store %arg6[%swap3A_50, %swap3A_51], %div3A_28 {strides = array<i32>} : memref<8x64xf32, #tpu.memory_space<vmem>>, vector<1x64xf32>,
      %broadcast_in_dim3A_53 = arith.constant 0.000000e+00 : f32
      %broadcast_in_dim3A_54 = vector.broadcast %broadcast_in_dim3A_53 : f32 to vector<3x64xf32>
      %swap3A_55 = arith.constant 5 : index
      %swap3A_56 = arith.constant 0 : index
      %swap3A_57 = vector.load %arg6[%swap3A_55, %swap3A_56] : memref<8x64xf32, #tpu.memory_space<vmem>>, vector<3x64xf32>
      tpu.vector_store %arg6[%swap3A_55, %swap3A_56], %broadcast_in_dim3A_54 {strides = array<i32>} : memref<8x64xf32, #tpu.memory_space<vmem>>, vector<3x64xf32>,
    } else {
    }
    %gt3A = arith.constant 0 : i32
    %gt3A_23 = arith.cmpi sgt, %arg0, %gt3A : i32
    %convert_element_type3A_24 = arith.extui %gt3A_23 : i1 to i32
    %cond3A_25 = arith.constant 0 : i32
    %cond3A_26 = arith.cmpi ne, %convert_element_type3A_24, %cond3A_25 : i32
    scf.if %cond3A_26 {
      %get3A_27 = arith.constant 4 : index
      %get3A_28 = arith.constant 0 : index
      %get3A_29 = vector.load %arg6[%get3A_27, %get3A_28] : memref<8x64xf32, #tpu.memory_space<vmem>>, vector<1x64xf32>
      %sub3A_30 = vector.broadcast %get3A_29 : vector<1x64xf32> to vector<2560x64xf32>
      %sub3A_31 = arith.subf %add3A_14, %sub3A_30 : vector<2560x64xf32>
      %mul3A = arith.mulf %sub3A_31, %sub3A_31 : vector<2560x64xf32>
      %reduce_sum3A_32 = arith.constant dense<0.000000e+00> : vector<64xf32>
      %reduce_sum3A_33 = vector.multi_reduction <add>, %mul3A, %reduce_sum3A_32 [0] : vector<2560x64xf32> to vector<64xf32>
      %broadcast_in_dim3A_34 = vector.shape_cast %reduce_sum3A_33 : vector<64xf32> to vector<1x64xf32>
      %get3A_35 = arith.constant 1 : index
      %get3A_36 = arith.constant 0 : index
      %get3A_37 = vector.load %arg6[%get3A_35, %get3A_36] : memref<8x64xf32, #tpu.memory_space<vmem>>, vector<1x64xf32>
      %sub3A_38 = arith.subf %broadcast_in_dim3A_20, %get3A_37 : vector<1x64xf32>
      %get3A_39 = arith.constant 0 : index
      %get3A_40 = arith.constant 0 : index
      %get3A_41 = vector.load %arg6[%get3A_39, %get3A_40] : memref<8x64xf32, #tpu.memory_space<vmem>>, vector<1x64xf32>
      %add3A_42 = arith.addf %get3A_41, %sub3A_38 : vector<1x64xf32>
      %get3A_43 = arith.constant 0 : index
      %get3A_44 = arith.constant 0 : index
      %get3A_45 = vector.load %arg6[%get3A_43, %get3A_44] : memref<8x64xf32, #tpu.memory_space<vmem>>, vector<1x64xf32>
      %sub3A_46 = arith.subf %add3A_42, %get3A_45 : vector<1x64xf32>
      %sub3A_47 = arith.subf %sub3A_46, %sub3A_38 : vector<1x64xf32>
      %swap3A_48 = arith.constant 1 : index
      %swap3A_49 = arith.constant 0 : index
      %swap3A_50 = vector.load %arg6[%swap3A_48, %swap3A_49] : memref<8x64xf32, #tpu.memory_space<vmem>>, vector<1x64xf32>
      tpu.vector_store %arg6[%swap3A_48, %swap3A_49], %sub3A_47 {strides = array<i32>} : memref<8x64xf32, #tpu.memory_space<vmem>>, vector<1x64xf32>,
      %swap3A_51 = arith.constant 0 : index
      %swap3A_52 = arith.constant 0 : index
      %swap3A_53 = vector.load %arg6[%swap3A_51, %swap3A_52] : memref<8x64xf32, #tpu.memory_space<vmem>>, vector<1x64xf32>
      tpu.vector_store %arg6[%swap3A_51, %swap3A_52], %add3A_42 {strides = array<i32>} : memref<8x64xf32, #tpu.memory_space<vmem>>, vector<1x64xf32>,
      %get3A_54 = arith.constant 3 : index
      %get3A_55 = arith.constant 0 : index
      %get3A_56 = vector.load %arg6[%get3A_54, %get3A_55] : memref<8x64xf32, #tpu.memory_space<vmem>>, vector<1x64xf32>
      %sub3A_57 = arith.subf %broadcast_in_dim3A_34, %get3A_56 : vector<1x64xf32>
      %get3A_58 = arith.constant 2 : index
      %get3A_59 = arith.constant 0 : index
      %get3A_60 = vector.load %arg6[%get3A_58, %get3A_59] : memref<8x64xf32, #tpu.memory_space<vmem>>, vector<1x64xf32>
      %add3A_61 = arith.addf %get3A_60, %sub3A_57 : vector<1x64xf32>
      %get3A_62 = arith.constant 2 : index
      %get3A_63 = arith.constant 0 : index
      %get3A_64 = vector.load %arg6[%get3A_62, %get3A_63] : memref<8x64xf32, #tpu.memory_space<vmem>>, vector<1x64xf32>
      %sub3A_65 = arith.subf %add3A_61, %get3A_64 : vector<1x64xf32>
      %sub3A_66 = arith.subf %sub3A_65, %sub3A_57 : vector<1x64xf32>
      %swap3A_67 = arith.constant 3 : index
      %swap3A_68 = arith.constant 0 : index
      %swap3A_69 = vector.load %arg6[%swap3A_67, %swap3A_68] : memref<8x64xf32, #tpu.memory_space<vmem>>, vector<1x64xf32>
      tpu.vector_store %arg6[%swap3A_67, %swap3A_68], %sub3A_66 {strides = array<i32>} : memref<8x64xf32, #tpu.memory_space<vmem>>, vector<1x64xf32>,
      %swap3A_70 = arith.constant 2 : index
      %swap3A_71 = arith.constant 0 : index
      %swap3A_72 = vector.load %arg6[%swap3A_70, %swap3A_71] : memref<8x64xf32, #tpu.memory_space<vmem>>, vector<1x64xf32>
      tpu.vector_store %arg6[%swap3A_70, %swap3A_71], %add3A_61 {strides = array<i32>} : memref<8x64xf32, #tpu.memory_space<vmem>>, vector<1x64xf32>,
    } else {
    }
    return
  }
  func.func @transform_0(%arg0: i32) -> (i32, i32) {
    %c0_i32 = arith.constant 0 : i32
    %c0_i32_0 = arith.constant 0 : i32
    return %arg0, %c0_i32 : i32, i32
  }
  func.func @transform_1(%arg0: i32) -> (i32, i32) {
    %c0_i32 = arith.constant 0 : i32
    %c0_i32_0 = arith.constant 0 : i32
    return %arg0, %c0_i32 : i32, i32
  }
  func.func @transform_2(%arg0: i32) -> (i32, i32) {
    %c0_i32 = arith.constant 0 : i32
    %c0_i32_0 = arith.constant 0 : i32
    %c0_i32_1 = arith.constant 0 : i32
    return %c0_i32, %c0_i32_0 : i32, i32
  }
  func.func @transform_3(%arg0: i32) -> (i32, i32) {
    %c0_i32 = arith.constant 0 : i32
    %c0_i32_0 = arith.constant 0 : i32
    %c0_i32_1 = arith.constant 0 : i32
    return %c0_i32, %c0_i32_0 : i32, i32
  }
  func.func @transform_4(%arg0: i32) -> (i32, i32) {
    %c0_i32 = arith.constant 0 : i32
    %c0_i32_0 = arith.constant 0 : i32
    return %arg0, %c0_i32 : i32, i32
  }
  func.func @transform_5(%arg0: i32) -> (i32, i32) {
    %c0_i32 = arith.constant 0 : i32
    %c0_i32_0 = arith.constant 0 : i32
    %c0_i32_1 = arith.constant 0 : i32
    return %c0_i32, %c0_i32_0 : i32, i32
  }
}

module attributes {stable_mosaic.version = 14 : i64} {
  func.func @_conv_body(%arg0: i32, %arg1: memref<2560x64xf32, #tpu.memory_space<vmem>>, %arg2: memref<128x64xf32, #tpu.memory_space<vmem>>, %arg3: memref<128x128xf32, #tpu.memory_space<vmem>>, %arg4: memref<1x128xf32, #tpu.memory_space<vmem>>, %arg5: memref<128x128xf32, #tpu.memory_space<vmem>>, %arg6: memref<8x128xf32, #tpu.memory_space<vmem>>) attributes {dimension_semantics = [#tpu.dimension_semantics<arbitrary>], iteration_bounds = array<i64: 16>, scalar_prefetch = 0 : i64, scratch_operands = 0 : i64, tpu.core_type = #tpu.core_type<tc>, window_params = [{transform_indices = @transform_0, window_bounds = array<i64: 2560, 64>}, {transform_indices = @transform_1, window_bounds = array<i64: 128, 64>}, {pipeline_mode = #tpu.pipeline_mode<synchronous>, transform_indices = @transform_2, window_bounds = array<i64: 128, 128>}, {pipeline_mode = #tpu.pipeline_mode<synchronous>, transform_indices = @transform_3, window_bounds = array<i64: 1, 128>}, {transform_indices = @transform_4, window_bounds = array<i64: 128, 128>}, {pipeline_mode = #tpu.pipeline_mode<synchronous>, transform_indices = @transform_5, window_bounds = array<i64: 8, 128>}]} {
    %get3A = arith.constant 0 : index
    %get3A_0 = arith.constant 0 : index
    %get3A_1 = vector.load %arg1[%get3A, %get3A_0] : memref<2560x64xf32, #tpu.memory_space<vmem>>, vector<2560x64xf32>
    %get3A_2 = arith.constant 0 : index
    %get3A_3 = arith.constant 0 : index
    %get3A_4 = vector.load %arg2[%get3A_2, %get3A_3] : memref<128x64xf32, #tpu.memory_space<vmem>>, vector<128x64xf32>
    %broadcast_in_dim3A = vector.shape_cast %get3A_4 : vector<128x64xf32> to vector<128x1x64xf32>
    %broadcast_in_dim3A_5 = vector.shape_cast %broadcast_in_dim3A : vector<128x1x64xf32> to vector<128x1x64xf32>
    %broadcast_in_dim3A_6 = vector.broadcast %broadcast_in_dim3A_5 : vector<128x1x64xf32> to vector<128x20x64xf32>
    %reshape3A = vector.shape_cast %broadcast_in_dim3A_6 : vector<128x20x64xf32> to vector<2560x64xf32>
    %sub3A = arith.subf %get3A_1, %reshape3A : vector<2560x64xf32>
    %concatenate3A = tpu.concatenate %sub3A, %reshape3A in 1 : vector<2560x64xf32>, vector<2560x64xf32> -> vector<2560x128xf32>
    %get3A_7 = arith.constant 0 : index
    %get3A_8 = arith.constant 0 : index
    %get3A_9 = vector.load %arg3[%get3A_7, %get3A_8] : memref<128x128xf32, #tpu.memory_space<vmem>>, vector<128x128xf32>
    %dot_general3A = arith.constant dense<0.000000e+00> : vector<2560x128xf32>
    %dot_general3A_10 = tpu.matmul %concatenate3A, %get3A_9, %dot_general3A {dimension_numbers = #tpu.dot_dimension_numbers<[1], [1], [0], [0], [0, 0, 1, 0], [], []>, transpose_lhs_hint = false} : vector<2560x128xf32>, vector<128x128xf32>, vector<2560x128xf32> -> vector<2560x128xf32>
    %get3A_11 = arith.constant 0 : index
    %get3A_12 = arith.constant 0 : index
    %get3A_13 = vector.load %arg4[%get3A_11, %get3A_12] : memref<1x128xf32, #tpu.memory_space<vmem>>, vector<1x128xf32>
    %add3A = vector.broadcast %get3A_13 : vector<1x128xf32> to vector<2560x128xf32>
    %add3A_14 = arith.addf %dot_general3A_10, %add3A : vector<2560x128xf32>
    %reshape3A_15 = vector.shape_cast %add3A_14 : vector<2560x128xf32> to vector<128x20x128xf32>
    %reduce_max3A = arith.constant dense<0xFF800000> : vector<128x128xf32>
    %reduce_max3A_16 = vector.multi_reduction <maximumf>, %reshape3A_15, %reduce_max3A [1] : vector<128x20x128xf32> to vector<128x128xf32>
    %swap3A = arith.constant 0 : index
    %swap3A_17 = arith.constant 0 : index
    %swap3A_18 = vector.load %arg5[%swap3A, %swap3A_17] : memref<128x128xf32, #tpu.memory_space<vmem>>, vector<128x128xf32>
    tpu.vector_store %arg5[%swap3A, %swap3A_17], %reduce_max3A_16 {strides = array<i32>} : memref<128x128xf32, #tpu.memory_space<vmem>>, vector<128x128xf32>,
    %reduce_sum3A = arith.constant dense<0.000000e+00> : vector<128xf32>
    %reduce_sum3A_19 = vector.multi_reduction <add>, %add3A_14, %reduce_sum3A [0] : vector<2560x128xf32> to vector<128xf32>
    %broadcast_in_dim3A_20 = vector.shape_cast %reduce_sum3A_19 : vector<128xf32> to vector<1x128xf32>
    %eq3A = arith.constant 0 : i32
    %eq3A_21 = arith.cmpi eq, %arg0, %eq3A : i32
    %convert_element_type3A = arith.extui %eq3A_21 : i1 to i32
    %cond3A = arith.constant 0 : i32
    %cond3A_22 = arith.cmpi ne, %convert_element_type3A, %cond3A : i32
    scf.if %cond3A_22 {
      %div3A = arith.constant 2.560000e+03 : f32
      %div3A_27 = vector.broadcast %div3A : f32 to vector<1x128xf32>
      %div3A_28 = arith.divf %broadcast_in_dim3A_20, %div3A_27 : vector<1x128xf32>
      %sub3A_29 = vector.broadcast %div3A_28 : vector<1x128xf32> to vector<2560x128xf32>
      %sub3A_30 = arith.subf %add3A_14, %sub3A_29 : vector<2560x128xf32>
      %swap3A_31 = arith.constant 0 : index
      %swap3A_32 = arith.constant 0 : index
      %swap3A_33 = vector.load %arg6[%swap3A_31, %swap3A_32] : memref<8x128xf32, #tpu.memory_space<vmem>>, vector<1x128xf32>
      tpu.vector_store %arg6[%swap3A_31, %swap3A_32], %broadcast_in_dim3A_20 {strides = array<i32>} : memref<8x128xf32, #tpu.memory_space<vmem>>, vector<1x128xf32>,
      %broadcast_in_dim3A_34 = arith.constant 0.000000e+00 : f32
      %broadcast_in_dim3A_35 = vector.broadcast %broadcast_in_dim3A_34 : f32 to vector<1x128xf32>
      %swap3A_36 = arith.constant 1 : index
      %swap3A_37 = arith.constant 0 : index
      %swap3A_38 = vector.load %arg6[%swap3A_36, %swap3A_37] : memref<8x128xf32, #tpu.memory_space<vmem>>, vector<1x128xf32>
      tpu.vector_store %arg6[%swap3A_36, %swap3A_37], %broadcast_in_dim3A_35 {strides = array<i32>} : memref<8x128xf32, #tpu.memory_space<vmem>>, vector<1x128xf32>,
      %mul3A = arith.mulf %sub3A_30, %sub3A_30 : vector<2560x128xf32>
      %reduce_sum3A_39 = arith.constant dense<0.000000e+00> : vector<128xf32>
      %reduce_sum3A_40 = vector.multi_reduction <add>, %mul3A, %reduce_sum3A_39 [0] : vector<2560x128xf32> to vector<128xf32>
      %broadcast_in_dim3A_41 = vector.shape_cast %reduce_sum3A_40 : vector<128xf32> to vector<1x128xf32>
      %swap3A_42 = arith.constant 2 : index
      %swap3A_43 = arith.constant 0 : index
      %swap3A_44 = vector.load %arg6[%swap3A_42, %swap3A_43] : memref<8x128xf32, #tpu.memory_space<vmem>>, vector<1x128xf32>
      tpu.vector_store %arg6[%swap3A_42, %swap3A_43], %broadcast_in_dim3A_41 {strides = array<i32>} : memref<8x128xf32, #tpu.memory_space<vmem>>, vector<1x128xf32>,
      %broadcast_in_dim3A_45 = arith.constant 0.000000e+00 : f32
      %broadcast_in_dim3A_46 = vector.broadcast %broadcast_in_dim3A_45 : f32 to vector<1x128xf32>
      %swap3A_47 = arith.constant 3 : index
      %swap3A_48 = arith.constant 0 : index
      %swap3A_49 = vector.load %arg6[%swap3A_47, %swap3A_48] : memref<8x128xf32, #tpu.memory_space<vmem>>, vector<1x128xf32>
      tpu.vector_store %arg6[%swap3A_47, %swap3A_48], %broadcast_in_dim3A_46 {strides = array<i32>} : memref<8x128xf32, #tpu.memory_space<vmem>>, vector<1x128xf32>,
      %swap3A_50 = arith.constant 4 : index
      %swap3A_51 = arith.constant 0 : index
      %swap3A_52 = vector.load %arg6[%swap3A_50, %swap3A_51] : memref<8x128xf32, #tpu.memory_space<vmem>>, vector<1x128xf32>
      tpu.vector_store %arg6[%swap3A_50, %swap3A_51], %div3A_28 {strides = array<i32>} : memref<8x128xf32, #tpu.memory_space<vmem>>, vector<1x128xf32>,
      %broadcast_in_dim3A_53 = arith.constant 0.000000e+00 : f32
      %broadcast_in_dim3A_54 = vector.broadcast %broadcast_in_dim3A_53 : f32 to vector<3x128xf32>
      %swap3A_55 = arith.constant 5 : index
      %swap3A_56 = arith.constant 0 : index
      %swap3A_57 = vector.load %arg6[%swap3A_55, %swap3A_56] : memref<8x128xf32, #tpu.memory_space<vmem>>, vector<3x128xf32>
      tpu.vector_store %arg6[%swap3A_55, %swap3A_56], %broadcast_in_dim3A_54 {strides = array<i32>} : memref<8x128xf32, #tpu.memory_space<vmem>>, vector<3x128xf32>,
    } else {
    }
    %gt3A = arith.constant 0 : i32
    %gt3A_23 = arith.cmpi sgt, %arg0, %gt3A : i32
    %convert_element_type3A_24 = arith.extui %gt3A_23 : i1 to i32
    %cond3A_25 = arith.constant 0 : i32
    %cond3A_26 = arith.cmpi ne, %convert_element_type3A_24, %cond3A_25 : i32
    scf.if %cond3A_26 {
      %get3A_27 = arith.constant 4 : index
      %get3A_28 = arith.constant 0 : index
      %get3A_29 = vector.load %arg6[%get3A_27, %get3A_28] : memref<8x128xf32, #tpu.memory_space<vmem>>, vector<1x128xf32>
      %sub3A_30 = vector.broadcast %get3A_29 : vector<1x128xf32> to vector<2560x128xf32>
      %sub3A_31 = arith.subf %add3A_14, %sub3A_30 : vector<2560x128xf32>
      %mul3A = arith.mulf %sub3A_31, %sub3A_31 : vector<2560x128xf32>
      %reduce_sum3A_32 = arith.constant dense<0.000000e+00> : vector<128xf32>
      %reduce_sum3A_33 = vector.multi_reduction <add>, %mul3A, %reduce_sum3A_32 [0] : vector<2560x128xf32> to vector<128xf32>
      %broadcast_in_dim3A_34 = vector.shape_cast %reduce_sum3A_33 : vector<128xf32> to vector<1x128xf32>
      %get3A_35 = arith.constant 1 : index
      %get3A_36 = arith.constant 0 : index
      %get3A_37 = vector.load %arg6[%get3A_35, %get3A_36] : memref<8x128xf32, #tpu.memory_space<vmem>>, vector<1x128xf32>
      %sub3A_38 = arith.subf %broadcast_in_dim3A_20, %get3A_37 : vector<1x128xf32>
      %get3A_39 = arith.constant 0 : index
      %get3A_40 = arith.constant 0 : index
      %get3A_41 = vector.load %arg6[%get3A_39, %get3A_40] : memref<8x128xf32, #tpu.memory_space<vmem>>, vector<1x128xf32>
      %add3A_42 = arith.addf %get3A_41, %sub3A_38 : vector<1x128xf32>
      %get3A_43 = arith.constant 0 : index
      %get3A_44 = arith.constant 0 : index
      %get3A_45 = vector.load %arg6[%get3A_43, %get3A_44] : memref<8x128xf32, #tpu.memory_space<vmem>>, vector<1x128xf32>
      %sub3A_46 = arith.subf %add3A_42, %get3A_45 : vector<1x128xf32>
      %sub3A_47 = arith.subf %sub3A_46, %sub3A_38 : vector<1x128xf32>
      %swap3A_48 = arith.constant 1 : index
      %swap3A_49 = arith.constant 0 : index
      %swap3A_50 = vector.load %arg6[%swap3A_48, %swap3A_49] : memref<8x128xf32, #tpu.memory_space<vmem>>, vector<1x128xf32>
      tpu.vector_store %arg6[%swap3A_48, %swap3A_49], %sub3A_47 {strides = array<i32>} : memref<8x128xf32, #tpu.memory_space<vmem>>, vector<1x128xf32>,
      %swap3A_51 = arith.constant 0 : index
      %swap3A_52 = arith.constant 0 : index
      %swap3A_53 = vector.load %arg6[%swap3A_51, %swap3A_52] : memref<8x128xf32, #tpu.memory_space<vmem>>, vector<1x128xf32>
      tpu.vector_store %arg6[%swap3A_51, %swap3A_52], %add3A_42 {strides = array<i32>} : memref<8x128xf32, #tpu.memory_space<vmem>>, vector<1x128xf32>,
      %get3A_54 = arith.constant 3 : index
      %get3A_55 = arith.constant 0 : index
      %get3A_56 = vector.load %arg6[%get3A_54, %get3A_55] : memref<8x128xf32, #tpu.memory_space<vmem>>, vector<1x128xf32>
      %sub3A_57 = arith.subf %broadcast_in_dim3A_34, %get3A_56 : vector<1x128xf32>
      %get3A_58 = arith.constant 2 : index
      %get3A_59 = arith.constant 0 : index
      %get3A_60 = vector.load %arg6[%get3A_58, %get3A_59] : memref<8x128xf32, #tpu.memory_space<vmem>>, vector<1x128xf32>
      %add3A_61 = arith.addf %get3A_60, %sub3A_57 : vector<1x128xf32>
      %get3A_62 = arith.constant 2 : index
      %get3A_63 = arith.constant 0 : index
      %get3A_64 = vector.load %arg6[%get3A_62, %get3A_63] : memref<8x128xf32, #tpu.memory_space<vmem>>, vector<1x128xf32>
      %sub3A_65 = arith.subf %add3A_61, %get3A_64 : vector<1x128xf32>
      %sub3A_66 = arith.subf %sub3A_65, %sub3A_57 : vector<1x128xf32>
      %swap3A_67 = arith.constant 3 : index
      %swap3A_68 = arith.constant 0 : index
      %swap3A_69 = vector.load %arg6[%swap3A_67, %swap3A_68] : memref<8x128xf32, #tpu.memory_space<vmem>>, vector<1x128xf32>
      tpu.vector_store %arg6[%swap3A_67, %swap3A_68], %sub3A_66 {strides = array<i32>} : memref<8x128xf32, #tpu.memory_space<vmem>>, vector<1x128xf32>,
      %swap3A_70 = arith.constant 2 : index
      %swap3A_71 = arith.constant 0 : index
      %swap3A_72 = vector.load %arg6[%swap3A_70, %swap3A_71] : memref<8x128xf32, #tpu.memory_space<vmem>>, vector<1x128xf32>
      tpu.vector_store %arg6[%swap3A_70, %swap3A_71], %add3A_61 {strides = array<i32>} : memref<8x128xf32, #tpu.memory_space<vmem>>, vector<1x128xf32>,
    } else {
    }
    return
  }
  func.func @transform_0(%arg0: i32) -> (i32, i32) {
    %c0_i32 = arith.constant 0 : i32
    %c0_i32_0 = arith.constant 0 : i32
    return %arg0, %c0_i32 : i32, i32
  }
  func.func @transform_1(%arg0: i32) -> (i32, i32) {
    %c0_i32 = arith.constant 0 : i32
    %c0_i32_0 = arith.constant 0 : i32
    return %arg0, %c0_i32 : i32, i32
  }
  func.func @transform_2(%arg0: i32) -> (i32, i32) {
    %c0_i32 = arith.constant 0 : i32
    %c0_i32_0 = arith.constant 0 : i32
    %c0_i32_1 = arith.constant 0 : i32
    return %c0_i32, %c0_i32_0 : i32, i32
  }
  func.func @transform_3(%arg0: i32) -> (i32, i32) {
    %c0_i32 = arith.constant 0 : i32
    %c0_i32_0 = arith.constant 0 : i32
    %c0_i32_1 = arith.constant 0 : i32
    return %c0_i32, %c0_i32_0 : i32, i32
  }
  func.func @transform_4(%arg0: i32) -> (i32, i32) {
    %c0_i32 = arith.constant 0 : i32
    %c0_i32_0 = arith.constant 0 : i32
    return %arg0, %c0_i32 : i32, i32
  }
  func.func @transform_5(%arg0: i32) -> (i32, i32) {
    %c0_i32 = arith.constant 0 : i32
    %c0_i32_0 = arith.constant 0 : i32
    %c0_i32_1 = arith.constant 0 : i32
    return %c0_i32, %c0_i32_0 : i32, i32
  }
}

module attributes {stable_mosaic.version = 14 : i64} {
  func.func @_bn_body(%arg0: memref<2048x128xf32, #tpu.memory_space<vmem>>, %arg1: memref<8x128xf32, #tpu.memory_space<vmem>>, %arg2: memref<1x128xf32, #tpu.memory_space<vmem>>, %arg3: memref<1x128xf32, #tpu.memory_space<vmem>>, %arg4: memref<2048x128xf32, #tpu.memory_space<vmem>>) attributes {dimension_semantics = [], scalar_prefetch = 0 : i64, scratch_operands = 0 : i64, tpu.core_type = #tpu.core_type<tc>} {
    %get3A = arith.constant 0 : index
    %get3A_0 = arith.constant 0 : index
    %get3A_1 = vector.load %arg1[%get3A, %get3A_0] : memref<8x128xf32, #tpu.memory_space<vmem>>, vector<1x128xf32>
    %get3A_2 = arith.constant 1 : index
    %get3A_3 = arith.constant 0 : index
    %get3A_4 = vector.load %arg1[%get3A_2, %get3A_3] : memref<8x128xf32, #tpu.memory_space<vmem>>, vector<1x128xf32>
    %sub3A = arith.subf %get3A_1, %get3A_4 : vector<1x128xf32>
    %div3A = arith.constant 4.096000e+04 : f32
    %div3A_5 = vector.broadcast %div3A : f32 to vector<1x128xf32>
    %div3A_6 = arith.divf %sub3A, %div3A_5 : vector<1x128xf32>
    %get3A_7 = arith.constant 4 : index
    %get3A_8 = arith.constant 0 : index
    %get3A_9 = vector.load %arg1[%get3A_7, %get3A_8] : memref<8x128xf32, #tpu.memory_space<vmem>>, vector<1x128xf32>
    %sub3A_10 = arith.subf %div3A_6, %get3A_9 : vector<1x128xf32>
    %get3A_11 = arith.constant 2 : index
    %get3A_12 = arith.constant 0 : index
    %get3A_13 = vector.load %arg1[%get3A_11, %get3A_12] : memref<8x128xf32, #tpu.memory_space<vmem>>, vector<1x128xf32>
    %get3A_14 = arith.constant 3 : index
    %get3A_15 = arith.constant 0 : index
    %get3A_16 = vector.load %arg1[%get3A_14, %get3A_15] : memref<8x128xf32, #tpu.memory_space<vmem>>, vector<1x128xf32>
    %sub3A_17 = arith.subf %get3A_13, %get3A_16 : vector<1x128xf32>
    %div3A_18 = arith.constant 4.096000e+04 : f32
    %div3A_19 = vector.broadcast %div3A_18 : f32 to vector<1x128xf32>
    %div3A_20 = arith.divf %sub3A_17, %div3A_19 : vector<1x128xf32>
    %mul3A = arith.mulf %sub3A_10, %sub3A_10 : vector<1x128xf32>
    %sub3A_21 = arith.subf %div3A_20, %mul3A : vector<1x128xf32>
    %add3A = arith.constant 9.99999974E-6 : f32
    %add3A_22 = vector.broadcast %add3A : f32 to vector<1x128xf32>
    %add3A_23 = arith.addf %sub3A_21, %add3A_22 : vector<1x128xf32>
    %sqrt3A = math.sqrt %add3A_23 : vector<1x128xf32>
    %get3A_24 = arith.constant 0 : index
    %get3A_25 = arith.constant 0 : index
    %get3A_26 = vector.load %arg2[%get3A_24, %get3A_25] : memref<1x128xf32, #tpu.memory_space<vmem>>, vector<1x128xf32>
    %get3A_27 = arith.constant 0 : index
    %get3A_28 = arith.constant 0 : index
    %get3A_29 = vector.load %arg0[%get3A_27, %get3A_28] : memref<2048x128xf32, #tpu.memory_space<vmem>>, vector<2048x128xf32>
    %sub3A_30 = vector.broadcast %div3A_6 : vector<1x128xf32> to vector<2048x128xf32>
    %sub3A_31 = arith.subf %get3A_29, %sub3A_30 : vector<2048x128xf32>
    %mul3A_32 = vector.broadcast %get3A_26 : vector<1x128xf32> to vector<2048x128xf32>
    %mul3A_33 = arith.mulf %mul3A_32, %sub3A_31 : vector<2048x128xf32>
    %div3A_34 = vector.broadcast %sqrt3A : vector<1x128xf32> to vector<2048x128xf32>
    %div3A_35 = arith.divf %mul3A_33, %div3A_34 : vector<2048x128xf32>
    %get3A_36 = arith.constant 0 : index
    %get3A_37 = arith.constant 0 : index
    %get3A_38 = vector.load %arg3[%get3A_36, %get3A_37] : memref<1x128xf32, #tpu.memory_space<vmem>>, vector<1x128xf32>
    %add3A_39 = vector.broadcast %get3A_38 : vector<1x128xf32> to vector<2048x128xf32>
    %add3A_40 = arith.addf %div3A_35, %add3A_39 : vector<2048x128xf32>
    %max3A = arith.constant 0.000000e+00 : f32
    %max3A_41 = vector.broadcast %max3A : f32 to vector<2048x128xf32>
    %max3A_42 = arith.maximumf %add3A_40, %max3A_41 : vector<2048x128xf32>
    %swap3A = arith.constant 0 : index
    %swap3A_43 = arith.constant 0 : index
    %swap3A_44 = vector.load %arg4[%swap3A, %swap3A_43] : memref<2048x128xf32, #tpu.memory_space<vmem>>, vector<2048x128xf32>
    tpu.vector_store %arg4[%swap3A, %swap3A_43], %max3A_42 {strides = array<i32>} : memref<2048x128xf32, #tpu.memory_space<vmem>>, vector<2048x128xf32>,
    return
  }
}

module attributes {stable_mosaic.version = 14 : i64} {
  func.func @_topk_body(%arg0: i32, %arg1: i32, %arg2: memref<1x256x128xf32, #tpu.memory_space<vmem>>, %arg3: memref<1x1024x128xf32, #tpu.memory_space<vmem>>, %arg4: memref<1x256x20xi32, #tpu.memory_space<vmem>>) attributes {dimension_semantics = [#tpu.dimension_semantics<arbitrary>, #tpu.dimension_semantics<arbitrary>], iteration_bounds = array<i64: 2, 4>, scalar_prefetch = 0 : i64, scratch_operands = 0 : i64, tpu.core_type = #tpu.core_type<tc>, window_params = [{transform_indices = @transform_0, window_bounds = array<i64: 1, 256, 128>}, {transform_indices = @transform_1, window_bounds = array<i64: 1, 1024, 128>}, {transform_indices = @transform_2, window_bounds = array<i64: 1, 256, 20>}]} {
    %get3A = arith.constant 0 : index
    %get3A_0 = arith.constant 0 : index
    %get3A_1 = arith.constant 0 : index
    %get3A_2 = vector.load %arg2[%get3A, %get3A_0, %get3A_1] : memref<1x256x128xf32, #tpu.memory_space<vmem>>, vector<1x256x128xf32>
    %get3A_3 = vector.shape_cast %get3A_2 : vector<1x256x128xf32> to vector<256x128xf32>
    %get3A_4 = arith.constant 0 : index
    %get3A_5 = arith.constant 0 : index
    %get3A_6 = arith.constant 0 : index
    %get3A_7 = vector.load %arg3[%get3A_4, %get3A_5, %get3A_6] : memref<1x1024x128xf32, #tpu.memory_space<vmem>>, vector<1x1024x128xf32>
    %get3A_8 = vector.shape_cast %get3A_7 : vector<1x1024x128xf32> to vector<1024x128xf32>
    %dot_general3A = arith.constant dense<0.000000e+00> : vector<256x1024xf32>
    %dot_general3A_9 = tpu.matmul %get3A_3, %get3A_8, %dot_general3A {dimension_numbers = #tpu.dot_dimension_numbers<[1], [1], [0], [0], [0, 0, 1, 0], [], []>, transpose_lhs_hint = false} : vector<256x128xf32>, vector<1024x128xf32>, vector<256x1024xf32> -> vector<256x1024xf32>
    %mul3A = arith.mulf %get3A_8, %get3A_8 : vector<1024x128xf32>
    %reduce_sum3A = arith.constant dense<0.000000e+00> : vector<1024xf32>
    %reduce_sum3A_10 = vector.multi_reduction <add>, %mul3A, %reduce_sum3A [1] : vector<1024x128xf32> to vector<1024xf32>
    %mul3A_11 = arith.mulf %get3A_3, %get3A_3 : vector<256x128xf32>
    %reduce_sum3A_12 = arith.constant dense<0.000000e+00> : vector<256xf32>
    %reduce_sum3A_13 = vector.multi_reduction <add>, %mul3A_11, %reduce_sum3A_12 [1] : vector<256x128xf32> to vector<256xf32>
    %broadcast_in_dim3A = vector.shape_cast %reduce_sum3A_13 : vector<256xf32> to vector<256x1xf32>
    %mul3A_14 = arith.constant 2.000000e+00 : f32
    %mul3A_15 = vector.broadcast %mul3A_14 : f32 to vector<256x1024xf32>
    %mul3A_16 = arith.mulf %mul3A_15, %dot_general3A_9 : vector<256x1024xf32>
    %sub3A = vector.broadcast %broadcast_in_dim3A : vector<256x1xf32> to vector<256x1024xf32>
    %sub3A_17 = arith.subf %sub3A, %mul3A_16 : vector<256x1024xf32>
    %broadcast_in_dim3A_18 = vector.shape_cast %reduce_sum3A_10 : vector<1024xf32> to vector<1x1024xf32>
    %add3A = vector.broadcast %broadcast_in_dim3A_18 : vector<1x1024xf32> to vector<256x1024xf32>
    %add3A_19 = arith.addf %sub3A_17, %add3A : vector<256x1024xf32>
    %iota3A = tpu.iota {dimensions = array<i32: 1>} : vector<256x1024xi32>
    %argmin3A = tpu.reduce_index %add3A_19 {axis = 1 : i32, kind = #tpu.reduction_kind<arg_min>} : vector<256x1024xf32> -> vector<256xi32>
    %broadcast_in_dim3A_20 = vector.shape_cast %argmin3A : vector<256xi32> to vector<256x1xi32>
    %eq3A = vector.broadcast %broadcast_in_dim3A_20 : vector<256x1xi32> to vector<256x1024xi32>
    %eq3A_21 = arith.cmpi eq, %iota3A, %eq3A : vector<256x1024xi32>
    %jit3A = arith.constant 0x7F800000 : f32
    %broadcast_in_dim3A_22 = vector.broadcast %jit3A : f32 to vector<256x1024xf32>
    %select_n3A = arith.select %eq3A_21, %broadcast_in_dim3A_22, %add3A_19 : vector<256x1024xi1>, vector<256x1024xf32>
    %argmin3A_23 = tpu.reduce_index %select_n3A {axis = 1 : i32, kind = #tpu.reduction_kind<arg_min>} : vector<256x1024xf32> -> vector<256xi32>
    %broadcast_in_dim3A_24 = vector.shape_cast %argmin3A_23 : vector<256xi32> to vector<256x1xi32>
    %eq3A_25 = vector.broadcast %broadcast_in_dim3A_24 : vector<256x1xi32> to vector<256x1024xi32>
    %eq3A_26 = arith.cmpi eq, %iota3A, %eq3A_25 : vector<256x1024xi32>
    %jit3A_27 = arith.constant 0x7F800000 : f32
    %broadcast_in_dim3A_28 = vector.broadcast %jit3A_27 : f32 to vector<256x1024xf32>
    %select_n3A_29 = arith.select %eq3A_26, %broadcast_in_dim3A_28, %select_n3A : vector<256x1024xi1>, vector<256x1024xf32>
    %argmin3A_30 = tpu.reduce_index %select_n3A_29 {axis = 1 : i32, kind = #tpu.reduction_kind<arg_min>} : vector<256x1024xf32> -> vector<256xi32>
    %broadcast_in_dim3A_31 = vector.shape_cast %argmin3A_30 : vector<256xi32> to vector<256x1xi32>
    %eq3A_32 = vector.broadcast %broadcast_in_dim3A_31 : vector<256x1xi32> to vector<256x1024xi32>
    %eq3A_33 = arith.cmpi eq, %iota3A, %eq3A_32 : vector<256x1024xi32>
    %jit3A_34 = arith.constant 0x7F800000 : f32
    %broadcast_in_dim3A_35 = vector.broadcast %jit3A_34 : f32 to vector<256x1024xf32>
    %select_n3A_36 = arith.select %eq3A_33, %broadcast_in_dim3A_35, %select_n3A_29 : vector<256x1024xi1>, vector<256x1024xf32>
    %argmin3A_37 = tpu.reduce_index %select_n3A_36 {axis = 1 : i32, kind = #tpu.reduction_kind<arg_min>} : vector<256x1024xf32> -> vector<256xi32>
    %broadcast_in_dim3A_38 = vector.shape_cast %argmin3A_37 : vector<256xi32> to vector<256x1xi32>
    %eq3A_39 = vector.broadcast %broadcast_in_dim3A_38 : vector<256x1xi32> to vector<256x1024xi32>
    %eq3A_40 = arith.cmpi eq, %iota3A, %eq3A_39 : vector<256x1024xi32>
    %jit3A_41 = arith.constant 0x7F800000 : f32
    %broadcast_in_dim3A_42 = vector.broadcast %jit3A_41 : f32 to vector<256x1024xf32>
    %select_n3A_43 = arith.select %eq3A_40, %broadcast_in_dim3A_42, %select_n3A_36 : vector<256x1024xi1>, vector<256x1024xf32>
    %argmin3A_44 = tpu.reduce_index %select_n3A_43 {axis = 1 : i32, kind = #tpu.reduction_kind<arg_min>} : vector<256x1024xf32> -> vector<256xi32>
    %broadcast_in_dim3A_45 = vector.shape_cast %argmin3A_44 : vector<256xi32> to vector<256x1xi32>
    %eq3A_46 = vector.broadcast %broadcast_in_dim3A_45 : vector<256x1xi32> to vector<256x1024xi32>
    %eq3A_47 = arith.cmpi eq, %iota3A, %eq3A_46 : vector<256x1024xi32>
    %jit3A_48 = arith.constant 0x7F800000 : f32
    %broadcast_in_dim3A_49 = vector.broadcast %jit3A_48 : f32 to vector<256x1024xf32>
    %select_n3A_50 = arith.select %eq3A_47, %broadcast_in_dim3A_49, %select_n3A_43 : vector<256x1024xi1>, vector<256x1024xf32>
    %argmin3A_51 = tpu.reduce_index %select_n3A_50 {axis = 1 : i32, kind = #tpu.reduction_kind<arg_min>} : vector<256x1024xf32> -> vector<256xi32>
    %broadcast_in_dim3A_52 = vector.shape_cast %argmin3A_51 : vector<256xi32> to vector<256x1xi32>
    %eq3A_53 = vector.broadcast %broadcast_in_dim3A_52 : vector<256x1xi32> to vector<256x1024xi32>
    %eq3A_54 = arith.cmpi eq, %iota3A, %eq3A_53 : vector<256x1024xi32>
    %jit3A_55 = arith.constant 0x7F800000 : f32
    %broadcast_in_dim3A_56 = vector.broadcast %jit3A_55 : f32 to vector<256x1024xf32>
    %select_n3A_57 = arith.select %eq3A_54, %broadcast_in_dim3A_56, %select_n3A_50 : vector<256x1024xi1>, vector<256x1024xf32>
    %argmin3A_58 = tpu.reduce_index %select_n3A_57 {axis = 1 : i32, kind = #tpu.reduction_kind<arg_min>} : vector<256x1024xf32> -> vector<256xi32>
    %broadcast_in_dim3A_59 = vector.shape_cast %argmin3A_58 : vector<256xi32> to vector<256x1xi32>
    %eq3A_60 = vector.broadcast %broadcast_in_dim3A_59 : vector<256x1xi32> to vector<256x1024xi32>
    %eq3A_61 = arith.cmpi eq, %iota3A, %eq3A_60 : vector<256x1024xi32>
    %jit3A_62 = arith.constant 0x7F800000 : f32
    %broadcast_in_dim3A_63 = vector.broadcast %jit3A_62 : f32 to vector<256x1024xf32>
    %select_n3A_64 = arith.select %eq3A_61, %broadcast_in_dim3A_63, %select_n3A_57 : vector<256x1024xi1>, vector<256x1024xf32>
    %argmin3A_65 = tpu.reduce_index %select_n3A_64 {axis = 1 : i32, kind = #tpu.reduction_kind<arg_min>} : vector<256x1024xf32> -> vector<256xi32>
    %broadcast_in_dim3A_66 = vector.shape_cast %argmin3A_65 : vector<256xi32> to vector<256x1xi32>
    %eq3A_67 = vector.broadcast %broadcast_in_dim3A_66 : vector<256x1xi32> to vector<256x1024xi32>
    %eq3A_68 = arith.cmpi eq, %iota3A, %eq3A_67 : vector<256x1024xi32>
    %jit3A_69 = arith.constant 0x7F800000 : f32
    %broadcast_in_dim3A_70 = vector.broadcast %jit3A_69 : f32 to vector<256x1024xf32>
    %select_n3A_71 = arith.select %eq3A_68, %broadcast_in_dim3A_70, %select_n3A_64 : vector<256x1024xi1>, vector<256x1024xf32>
    %argmin3A_72 = tpu.reduce_index %select_n3A_71 {axis = 1 : i32, kind = #tpu.reduction_kind<arg_min>} : vector<256x1024xf32> -> vector<256xi32>
    %broadcast_in_dim3A_73 = vector.shape_cast %argmin3A_72 : vector<256xi32> to vector<256x1xi32>
    %eq3A_74 = vector.broadcast %broadcast_in_dim3A_73 : vector<256x1xi32> to vector<256x1024xi32>
    %eq3A_75 = arith.cmpi eq, %iota3A, %eq3A_74 : vector<256x1024xi32>
    %jit3A_76 = arith.constant 0x7F800000 : f32
    %broadcast_in_dim3A_77 = vector.broadcast %jit3A_76 : f32 to vector<256x1024xf32>
    %select_n3A_78 = arith.select %eq3A_75, %broadcast_in_dim3A_77, %select_n3A_71 : vector<256x1024xi1>, vector<256x1024xf32>
    %argmin3A_79 = tpu.reduce_index %select_n3A_78 {axis = 1 : i32, kind = #tpu.reduction_kind<arg_min>} : vector<256x1024xf32> -> vector<256xi32>
    %broadcast_in_dim3A_80 = vector.shape_cast %argmin3A_79 : vector<256xi32> to vector<256x1xi32>
    %eq3A_81 = vector.broadcast %broadcast_in_dim3A_80 : vector<256x1xi32> to vector<256x1024xi32>
    %eq3A_82 = arith.cmpi eq, %iota3A, %eq3A_81 : vector<256x1024xi32>
    %jit3A_83 = arith.constant 0x7F800000 : f32
    %broadcast_in_dim3A_84 = vector.broadcast %jit3A_83 : f32 to vector<256x1024xf32>
    %select_n3A_85 = arith.select %eq3A_82, %broadcast_in_dim3A_84, %select_n3A_78 : vector<256x1024xi1>, vector<256x1024xf32>
    %argmin3A_86 = tpu.reduce_index %select_n3A_85 {axis = 1 : i32, kind = #tpu.reduction_kind<arg_min>} : vector<256x1024xf32> -> vector<256xi32>
    %broadcast_in_dim3A_87 = vector.shape_cast %argmin3A_86 : vector<256xi32> to vector<256x1xi32>
    %eq3A_88 = vector.broadcast %broadcast_in_dim3A_87 : vector<256x1xi32> to vector<256x1024xi32>
    %eq3A_89 = arith.cmpi eq, %iota3A, %eq3A_88 : vector<256x1024xi32>
    %jit3A_90 = arith.constant 0x7F800000 : f32
    %broadcast_in_dim3A_91 = vector.broadcast %jit3A_90 : f32 to vector<256x1024xf32>
    %select_n3A_92 = arith.select %eq3A_89, %broadcast_in_dim3A_91, %select_n3A_85 : vector<256x1024xi1>, vector<256x1024xf32>
    %argmin3A_93 = tpu.reduce_index %select_n3A_92 {axis = 1 : i32, kind = #tpu.reduction_kind<arg_min>} : vector<256x1024xf32> -> vector<256xi32>
    %broadcast_in_dim3A_94 = vector.shape_cast %argmin3A_93 : vector<256xi32> to vector<256x1xi32>
    %eq3A_95 = vector.broadcast %broadcast_in_dim3A_94 : vector<256x1xi32> to vector<256x1024xi32>
    %eq3A_96 = arith.cmpi eq, %iota3A, %eq3A_95 : vector<256x1024xi32>
    %jit3A_97 = arith.constant 0x7F800000 : f32
    %broadcast_in_dim3A_98 = vector.broadcast %jit3A_97 : f32 to vector<256x1024xf32>
    %select_n3A_99 = arith.select %eq3A_96, %broadcast_in_dim3A_98, %select_n3A_92 : vector<256x1024xi1>, vector<256x1024xf32>
    %argmin3A_100 = tpu.reduce_index %select_n3A_99 {axis = 1 : i32, kind = #tpu.reduction_kind<arg_min>} : vector<256x1024xf32> -> vector<256xi32>
    %broadcast_in_dim3A_101 = vector.shape_cast %argmin3A_100 : vector<256xi32> to vector<256x1xi32>
    %eq3A_102 = vector.broadcast %broadcast_in_dim3A_101 : vector<256x1xi32> to vector<256x1024xi32>
    %eq3A_103 = arith.cmpi eq, %iota3A, %eq3A_102 : vector<256x1024xi32>
    %jit3A_104 = arith.constant 0x7F800000 : f32
    %broadcast_in_dim3A_105 = vector.broadcast %jit3A_104 : f32 to vector<256x1024xf32>
    %select_n3A_106 = arith.select %eq3A_103, %broadcast_in_dim3A_105, %select_n3A_99 : vector<256x1024xi1>, vector<256x1024xf32>
    %argmin3A_107 = tpu.reduce_index %select_n3A_106 {axis = 1 : i32, kind = #tpu.reduction_kind<arg_min>} : vector<256x1024xf32> -> vector<256xi32>
    %broadcast_in_dim3A_108 = vector.shape_cast %argmin3A_107 : vector<256xi32> to vector<256x1xi32>
    %eq3A_109 = vector.broadcast %broadcast_in_dim3A_108 : vector<256x1xi32> to vector<256x1024xi32>
    %eq3A_110 = arith.cmpi eq, %iota3A, %eq3A_109 : vector<256x1024xi32>
    %jit3A_111 = arith.constant 0x7F800000 : f32
    %broadcast_in_dim3A_112 = vector.broadcast %jit3A_111 : f32 to vector<256x1024xf32>
    %select_n3A_113 = arith.select %eq3A_110, %broadcast_in_dim3A_112, %select_n3A_106 : vector<256x1024xi1>, vector<256x1024xf32>
    %argmin3A_114 = tpu.reduce_index %select_n3A_113 {axis = 1 : i32, kind = #tpu.reduction_kind<arg_min>} : vector<256x1024xf32> -> vector<256xi32>
    %broadcast_in_dim3A_115 = vector.shape_cast %argmin3A_114 : vector<256xi32> to vector<256x1xi32>
    %eq3A_116 = vector.broadcast %broadcast_in_dim3A_115 : vector<256x1xi32> to vector<256x1024xi32>
    %eq3A_117 = arith.cmpi eq, %iota3A, %eq3A_116 : vector<256x1024xi32>
    %jit3A_118 = arith.constant 0x7F800000 : f32
    %broadcast_in_dim3A_119 = vector.broadcast %jit3A_118 : f32 to vector<256x1024xf32>
    %select_n3A_120 = arith.select %eq3A_117, %broadcast_in_dim3A_119, %select_n3A_113 : vector<256x1024xi1>, vector<256x1024xf32>
    %argmin3A_121 = tpu.reduce_index %select_n3A_120 {axis = 1 : i32, kind = #tpu.reduction_kind<arg_min>} : vector<256x1024xf32> -> vector<256xi32>
    %broadcast_in_dim3A_122 = vector.shape_cast %argmin3A_121 : vector<256xi32> to vector<256x1xi32>
    %eq3A_123 = vector.broadcast %broadcast_in_dim3A_122 : vector<256x1xi32> to vector<256x1024xi32>
    %eq3A_124 = arith.cmpi eq, %iota3A, %eq3A_123 : vector<256x1024xi32>
    %jit3A_125 = arith.constant 0x7F800000 : f32
    %broadcast_in_dim3A_126 = vector.broadcast %jit3A_125 : f32 to vector<256x1024xf32>
    %select_n3A_127 = arith.select %eq3A_124, %broadcast_in_dim3A_126, %select_n3A_120 : vector<256x1024xi1>, vector<256x1024xf32>
    %argmin3A_128 = tpu.reduce_index %select_n3A_127 {axis = 1 : i32, kind = #tpu.reduction_kind<arg_min>} : vector<256x1024xf32> -> vector<256xi32>
    %broadcast_in_dim3A_129 = vector.shape_cast %argmin3A_128 : vector<256xi32> to vector<256x1xi32>
    %eq3A_130 = vector.broadcast %broadcast_in_dim3A_129 : vector<256x1xi32> to vector<256x1024xi32>
    %eq3A_131 = arith.cmpi eq, %iota3A, %eq3A_130 : vector<256x1024xi32>
    %jit3A_132 = arith.constant 0x7F800000 : f32
    %broadcast_in_dim3A_133 = vector.broadcast %jit3A_132 : f32 to vector<256x1024xf32>
    %select_n3A_134 = arith.select %eq3A_131, %broadcast_in_dim3A_133, %select_n3A_127 : vector<256x1024xi1>, vector<256x1024xf32>
    %argmin3A_135 = tpu.reduce_index %select_n3A_134 {axis = 1 : i32, kind = #tpu.reduction_kind<arg_min>} : vector<256x1024xf32> -> vector<256xi32>
    %broadcast_in_dim3A_136 = vector.shape_cast %argmin3A_135 : vector<256xi32> to vector<256x1xi32>
    %eq3A_137 = vector.broadcast %broadcast_in_dim3A_136 : vector<256x1xi32> to vector<256x1024xi32>
    %eq3A_138 = arith.cmpi eq, %iota3A, %eq3A_137 : vector<256x1024xi32>
    %jit3A_139 = arith.constant 0x7F800000 : f32
    %broadcast_in_dim3A_140 = vector.broadcast %jit3A_139 : f32 to vector<256x1024xf32>
    %select_n3A_141 = arith.select %eq3A_138, %broadcast_in_dim3A_140, %select_n3A_134 : vector<256x1024xi1>, vector<256x1024xf32>
    %argmin3A_142 = tpu.reduce_index %select_n3A_141 {axis = 1 : i32, kind = #tpu.reduction_kind<arg_min>} : vector<256x1024xf32> -> vector<256xi32>
    %broadcast_in_dim3A_143 = vector.shape_cast %argmin3A_142 : vector<256xi32> to vector<256x1xi32>
    %eq3A_144 = vector.broadcast %broadcast_in_dim3A_143 : vector<256x1xi32> to vector<256x1024xi32>
    %eq3A_145 = arith.cmpi eq, %iota3A, %eq3A_144 : vector<256x1024xi32>
    %jit3A_146 = arith.constant 0x7F800000 : f32
    %broadcast_in_dim3A_147 = vector.broadcast %jit3A_146 : f32 to vector<256x1024xf32>
    %select_n3A_148 = arith.select %eq3A_145, %broadcast_in_dim3A_147, %select_n3A_141 : vector<256x1024xi1>, vector<256x1024xf32>
    %argmin3A_149 = tpu.reduce_index %select_n3A_148 {axis = 1 : i32, kind = #tpu.reduction_kind<arg_min>} : vector<256x1024xf32> -> vector<256xi32>
    %broadcast_in_dim3A_150 = vector.shape_cast %argmin3A_149 : vector<256xi32> to vector<256x1xi32>
    %concatenate3A = tpu.concatenate %broadcast_in_dim3A_20, %broadcast_in_dim3A_24, %broadcast_in_dim3A_31, %broadcast_in_dim3A_38, %broadcast_in_dim3A_45, %broadcast_in_dim3A_52, %broadcast_in_dim3A_59, %broadcast_in_dim3A_66, %broadcast_in_dim3A_73, %broadcast_in_dim3A_80, %broadcast_in_dim3A_87, %broadcast_in_dim3A_94, %broadcast_in_dim3A_101, %broadcast_in_dim3A_108, %broadcast_in_dim3A_115, %broadcast_in_dim3A_122, %broadcast_in_dim3A_129, %broadcast_in_dim3A_136, %broadcast_in_dim3A_143, %broadcast_in_dim3A_150 in 1 : vector<256x1xi32>, vector<256x1xi32>, vector<256x1xi32>, vector<256x1xi32>, vector<256x1xi32>, vector<256x1xi32>, vector<256x1xi32>, vector<256x1xi32>, vector<256x1xi32>, vector<256x1xi32>, vector<256x1xi32>, vector<256x1xi32>, vector<256x1xi32>, vector<256x1xi32>, vector<256x1xi32>, vector<256x1xi32>, vector<256x1xi32>, vector<256x1xi32>, vector<256x1xi32>, vector<256x1xi32> -> vector<256x20xi32>
    %mul3A_151 = arith.constant 1024 : i32
    %mul3A_152 = arith.muli %arg0, %mul3A_151 : i32
    %add3A_153 = vector.broadcast %mul3A_152 : i32 to vector<256x20xi32>
    %add3A_154 = arith.addi %concatenate3A, %add3A_153 : vector<256x20xi32>
    %swap3A = arith.constant 0 : index
    %swap3A_155 = arith.constant 0 : index
    %swap3A_156 = arith.constant 0 : index
    %swap3A_157 = vector.load %arg4[%swap3A, %swap3A_155, %swap3A_156] : memref<1x256x20xi32, #tpu.memory_space<vmem>>, vector<1x256x20xi32>
    %swap3A_158 = vector.shape_cast %swap3A_157 : vector<1x256x20xi32> to vector<256x20xi32>
    %swap3A_159 = vector.shape_cast %add3A_154 : vector<256x20xi32> to vector<1x256x20xi32>
    tpu.vector_store %arg4[%swap3A, %swap3A_155, %swap3A_156], %swap3A_159 {strides = array<i32>} : memref<1x256x20xi32, #tpu.memory_space<vmem>>, vector<1x256x20xi32>,
    return
  }
  func.func @transform_0(%arg0: i32, %arg1: i32) -> (i32, i32, i32) {
    %c0_i32 = arith.constant 0 : i32
    %c0_i32_0 = arith.constant 0 : i32
    return %arg0, %arg1, %c0_i32 : i32, i32, i32
  }
  func.func @transform_1(%arg0: i32, %arg1: i32) -> (i32, i32, i32) {
    %c0_i32 = arith.constant 0 : i32
    %c0_i32_0 = arith.constant 0 : i32
    %c0_i32_1 = arith.constant 0 : i32
    return %arg0, %c0_i32, %c0_i32_0 : i32, i32, i32
  }
  func.func @transform_2(%arg0: i32, %arg1: i32) -> (i32, i32, i32) {
    %c0_i32 = arith.constant 0 : i32
    %c0_i32_0 = arith.constant 0 : i32
    return %arg0, %arg1, %c0_i32 : i32, i32, i32
  }
}

module attributes {stable_mosaic.version = 14 : i64} {
  func.func @_conv_body(%arg0: i32, %arg1: memref<2560x128xf32, #tpu.memory_space<vmem>>, %arg2: memref<128x128xf32, #tpu.memory_space<vmem>>, %arg3: memref<256x256xf32, #tpu.memory_space<vmem>>, %arg4: memref<1x256xf32, #tpu.memory_space<vmem>>, %arg5: memref<128x256xf32, #tpu.memory_space<vmem>>, %arg6: memref<8x256xf32, #tpu.memory_space<vmem>>) attributes {dimension_semantics = [#tpu.dimension_semantics<arbitrary>], iteration_bounds = array<i64: 16>, scalar_prefetch = 0 : i64, scratch_operands = 0 : i64, tpu.core_type = #tpu.core_type<tc>, window_params = [{transform_indices = @transform_0, window_bounds = array<i64: 2560, 128>}, {transform_indices = @transform_1, window_bounds = array<i64: 128, 128>}, {pipeline_mode = #tpu.pipeline_mode<synchronous>, transform_indices = @transform_2, window_bounds = array<i64: 256, 256>}, {pipeline_mode = #tpu.pipeline_mode<synchronous>, transform_indices = @transform_3, window_bounds = array<i64: 1, 256>}, {transform_indices = @transform_4, window_bounds = array<i64: 128, 256>}, {pipeline_mode = #tpu.pipeline_mode<synchronous>, transform_indices = @transform_5, window_bounds = array<i64: 8, 256>}]} {
    %get3A = arith.constant 0 : index
    %get3A_0 = arith.constant 0 : index
    %get3A_1 = vector.load %arg1[%get3A, %get3A_0] : memref<2560x128xf32, #tpu.memory_space<vmem>>, vector<2560x128xf32>
    %get3A_2 = arith.constant 0 : index
    %get3A_3 = arith.constant 0 : index
    %get3A_4 = vector.load %arg2[%get3A_2, %get3A_3] : memref<128x128xf32, #tpu.memory_space<vmem>>, vector<128x128xf32>
    %broadcast_in_dim3A = vector.shape_cast %get3A_4 : vector<128x128xf32> to vector<128x1x128xf32>
    %broadcast_in_dim3A_5 = vector.shape_cast %broadcast_in_dim3A : vector<128x1x128xf32> to vector<128x1x128xf32>
    %broadcast_in_dim3A_6 = vector.broadcast %broadcast_in_dim3A_5 : vector<128x1x128xf32> to vector<128x20x128xf32>
    %reshape3A = vector.shape_cast %broadcast_in_dim3A_6 : vector<128x20x128xf32> to vector<2560x128xf32>
    %sub3A = arith.subf %get3A_1, %reshape3A : vector<2560x128xf32>
    %concatenate3A = tpu.concatenate %sub3A, %reshape3A in 1 : vector<2560x128xf32>, vector<2560x128xf32> -> vector<2560x256xf32>
    %get3A_7 = arith.constant 0 : index
    %get3A_8 = arith.constant 0 : index
    %get3A_9 = vector.load %arg3[%get3A_7, %get3A_8] : memref<256x256xf32, #tpu.memory_space<vmem>>, vector<256x256xf32>
    %dot_general3A = arith.constant dense<0.000000e+00> : vector<2560x256xf32>
    %dot_general3A_10 = tpu.matmul %concatenate3A, %get3A_9, %dot_general3A {dimension_numbers = #tpu.dot_dimension_numbers<[1], [1], [0], [0], [0, 0, 1, 0], [], []>, transpose_lhs_hint = false} : vector<2560x256xf32>, vector<256x256xf32>, vector<2560x256xf32> -> vector<2560x256xf32>
    %get3A_11 = arith.constant 0 : index
    %get3A_12 = arith.constant 0 : index
    %get3A_13 = vector.load %arg4[%get3A_11, %get3A_12] : memref<1x256xf32, #tpu.memory_space<vmem>>, vector<1x256xf32>
    %add3A = vector.broadcast %get3A_13 : vector<1x256xf32> to vector<2560x256xf32>
    %add3A_14 = arith.addf %dot_general3A_10, %add3A : vector<2560x256xf32>
    %reshape3A_15 = vector.shape_cast %add3A_14 : vector<2560x256xf32> to vector<128x20x256xf32>
    %reduce_max3A = arith.constant dense<0xFF800000> : vector<128x256xf32>
    %reduce_max3A_16 = vector.multi_reduction <maximumf>, %reshape3A_15, %reduce_max3A [1] : vector<128x20x256xf32> to vector<128x256xf32>
    %swap3A = arith.constant 0 : index
    %swap3A_17 = arith.constant 0 : index
    %swap3A_18 = vector.load %arg5[%swap3A, %swap3A_17] : memref<128x256xf32, #tpu.memory_space<vmem>>, vector<128x256xf32>
    tpu.vector_store %arg5[%swap3A, %swap3A_17], %reduce_max3A_16 {strides = array<i32>} : memref<128x256xf32, #tpu.memory_space<vmem>>, vector<128x256xf32>,
    %reduce_sum3A = arith.constant dense<0.000000e+00> : vector<256xf32>
    %reduce_sum3A_19 = vector.multi_reduction <add>, %add3A_14, %reduce_sum3A [0] : vector<2560x256xf32> to vector<256xf32>
    %broadcast_in_dim3A_20 = vector.shape_cast %reduce_sum3A_19 : vector<256xf32> to vector<1x256xf32>
    %eq3A = arith.constant 0 : i32
    %eq3A_21 = arith.cmpi eq, %arg0, %eq3A : i32
    %convert_element_type3A = arith.extui %eq3A_21 : i1 to i32
    %cond3A = arith.constant 0 : i32
    %cond3A_22 = arith.cmpi ne, %convert_element_type3A, %cond3A : i32
    scf.if %cond3A_22 {
      %div3A = arith.constant 2.560000e+03 : f32
      %div3A_27 = vector.broadcast %div3A : f32 to vector<1x256xf32>
      %div3A_28 = arith.divf %broadcast_in_dim3A_20, %div3A_27 : vector<1x256xf32>
      %sub3A_29 = vector.broadcast %div3A_28 : vector<1x256xf32> to vector<2560x256xf32>
      %sub3A_30 = arith.subf %add3A_14, %sub3A_29 : vector<2560x256xf32>
      %swap3A_31 = arith.constant 0 : index
      %swap3A_32 = arith.constant 0 : index
      %swap3A_33 = vector.load %arg6[%swap3A_31, %swap3A_32] : memref<8x256xf32, #tpu.memory_space<vmem>>, vector<1x256xf32>
      tpu.vector_store %arg6[%swap3A_31, %swap3A_32], %broadcast_in_dim3A_20 {strides = array<i32>} : memref<8x256xf32, #tpu.memory_space<vmem>>, vector<1x256xf32>,
      %broadcast_in_dim3A_34 = arith.constant 0.000000e+00 : f32
      %broadcast_in_dim3A_35 = vector.broadcast %broadcast_in_dim3A_34 : f32 to vector<1x256xf32>
      %swap3A_36 = arith.constant 1 : index
      %swap3A_37 = arith.constant 0 : index
      %swap3A_38 = vector.load %arg6[%swap3A_36, %swap3A_37] : memref<8x256xf32, #tpu.memory_space<vmem>>, vector<1x256xf32>
      tpu.vector_store %arg6[%swap3A_36, %swap3A_37], %broadcast_in_dim3A_35 {strides = array<i32>} : memref<8x256xf32, #tpu.memory_space<vmem>>, vector<1x256xf32>,
      %mul3A = arith.mulf %sub3A_30, %sub3A_30 : vector<2560x256xf32>
      %reduce_sum3A_39 = arith.constant dense<0.000000e+00> : vector<256xf32>
      %reduce_sum3A_40 = vector.multi_reduction <add>, %mul3A, %reduce_sum3A_39 [0] : vector<2560x256xf32> to vector<256xf32>
      %broadcast_in_dim3A_41 = vector.shape_cast %reduce_sum3A_40 : vector<256xf32> to vector<1x256xf32>
      %swap3A_42 = arith.constant 2 : index
      %swap3A_43 = arith.constant 0 : index
      %swap3A_44 = vector.load %arg6[%swap3A_42, %swap3A_43] : memref<8x256xf32, #tpu.memory_space<vmem>>, vector<1x256xf32>
      tpu.vector_store %arg6[%swap3A_42, %swap3A_43], %broadcast_in_dim3A_41 {strides = array<i32>} : memref<8x256xf32, #tpu.memory_space<vmem>>, vector<1x256xf32>,
      %broadcast_in_dim3A_45 = arith.constant 0.000000e+00 : f32
      %broadcast_in_dim3A_46 = vector.broadcast %broadcast_in_dim3A_45 : f32 to vector<1x256xf32>
      %swap3A_47 = arith.constant 3 : index
      %swap3A_48 = arith.constant 0 : index
      %swap3A_49 = vector.load %arg6[%swap3A_47, %swap3A_48] : memref<8x256xf32, #tpu.memory_space<vmem>>, vector<1x256xf32>
      tpu.vector_store %arg6[%swap3A_47, %swap3A_48], %broadcast_in_dim3A_46 {strides = array<i32>} : memref<8x256xf32, #tpu.memory_space<vmem>>, vector<1x256xf32>,
      %swap3A_50 = arith.constant 4 : index
      %swap3A_51 = arith.constant 0 : index
      %swap3A_52 = vector.load %arg6[%swap3A_50, %swap3A_51] : memref<8x256xf32, #tpu.memory_space<vmem>>, vector<1x256xf32>
      tpu.vector_store %arg6[%swap3A_50, %swap3A_51], %div3A_28 {strides = array<i32>} : memref<8x256xf32, #tpu.memory_space<vmem>>, vector<1x256xf32>,
      %broadcast_in_dim3A_53 = arith.constant 0.000000e+00 : f32
      %broadcast_in_dim3A_54 = vector.broadcast %broadcast_in_dim3A_53 : f32 to vector<3x256xf32>
      %swap3A_55 = arith.constant 5 : index
      %swap3A_56 = arith.constant 0 : index
      %swap3A_57 = vector.load %arg6[%swap3A_55, %swap3A_56] : memref<8x256xf32, #tpu.memory_space<vmem>>, vector<3x256xf32>
      tpu.vector_store %arg6[%swap3A_55, %swap3A_56], %broadcast_in_dim3A_54 {strides = array<i32>} : memref<8x256xf32, #tpu.memory_space<vmem>>, vector<3x256xf32>,
    } else {
    }
    %gt3A = arith.constant 0 : i32
    %gt3A_23 = arith.cmpi sgt, %arg0, %gt3A : i32
    %convert_element_type3A_24 = arith.extui %gt3A_23 : i1 to i32
    %cond3A_25 = arith.constant 0 : i32
    %cond3A_26 = arith.cmpi ne, %convert_element_type3A_24, %cond3A_25 : i32
    scf.if %cond3A_26 {
      %get3A_27 = arith.constant 4 : index
      %get3A_28 = arith.constant 0 : index
      %get3A_29 = vector.load %arg6[%get3A_27, %get3A_28] : memref<8x256xf32, #tpu.memory_space<vmem>>, vector<1x256xf32>
      %sub3A_30 = vector.broadcast %get3A_29 : vector<1x256xf32> to vector<2560x256xf32>
      %sub3A_31 = arith.subf %add3A_14, %sub3A_30 : vector<2560x256xf32>
      %mul3A = arith.mulf %sub3A_31, %sub3A_31 : vector<2560x256xf32>
      %reduce_sum3A_32 = arith.constant dense<0.000000e+00> : vector<256xf32>
      %reduce_sum3A_33 = vector.multi_reduction <add>, %mul3A, %reduce_sum3A_32 [0] : vector<2560x256xf32> to vector<256xf32>
      %broadcast_in_dim3A_34 = vector.shape_cast %reduce_sum3A_33 : vector<256xf32> to vector<1x256xf32>
      %get3A_35 = arith.constant 1 : index
      %get3A_36 = arith.constant 0 : index
      %get3A_37 = vector.load %arg6[%get3A_35, %get3A_36] : memref<8x256xf32, #tpu.memory_space<vmem>>, vector<1x256xf32>
      %sub3A_38 = arith.subf %broadcast_in_dim3A_20, %get3A_37 : vector<1x256xf32>
      %get3A_39 = arith.constant 0 : index
      %get3A_40 = arith.constant 0 : index
      %get3A_41 = vector.load %arg6[%get3A_39, %get3A_40] : memref<8x256xf32, #tpu.memory_space<vmem>>, vector<1x256xf32>
      %add3A_42 = arith.addf %get3A_41, %sub3A_38 : vector<1x256xf32>
      %get3A_43 = arith.constant 0 : index
      %get3A_44 = arith.constant 0 : index
      %get3A_45 = vector.load %arg6[%get3A_43, %get3A_44] : memref<8x256xf32, #tpu.memory_space<vmem>>, vector<1x256xf32>
      %sub3A_46 = arith.subf %add3A_42, %get3A_45 : vector<1x256xf32>
      %sub3A_47 = arith.subf %sub3A_46, %sub3A_38 : vector<1x256xf32>
      %swap3A_48 = arith.constant 1 : index
      %swap3A_49 = arith.constant 0 : index
      %swap3A_50 = vector.load %arg6[%swap3A_48, %swap3A_49] : memref<8x256xf32, #tpu.memory_space<vmem>>, vector<1x256xf32>
      tpu.vector_store %arg6[%swap3A_48, %swap3A_49], %sub3A_47 {strides = array<i32>} : memref<8x256xf32, #tpu.memory_space<vmem>>, vector<1x256xf32>,
      %swap3A_51 = arith.constant 0 : index
      %swap3A_52 = arith.constant 0 : index
      %swap3A_53 = vector.load %arg6[%swap3A_51, %swap3A_52] : memref<8x256xf32, #tpu.memory_space<vmem>>, vector<1x256xf32>
      tpu.vector_store %arg6[%swap3A_51, %swap3A_52], %add3A_42 {strides = array<i32>} : memref<8x256xf32, #tpu.memory_space<vmem>>, vector<1x256xf32>,
      %get3A_54 = arith.constant 3 : index
      %get3A_55 = arith.constant 0 : index
      %get3A_56 = vector.load %arg6[%get3A_54, %get3A_55] : memref<8x256xf32, #tpu.memory_space<vmem>>, vector<1x256xf32>
      %sub3A_57 = arith.subf %broadcast_in_dim3A_34, %get3A_56 : vector<1x256xf32>
      %get3A_58 = arith.constant 2 : index
      %get3A_59 = arith.constant 0 : index
      %get3A_60 = vector.load %arg6[%get3A_58, %get3A_59] : memref<8x256xf32, #tpu.memory_space<vmem>>, vector<1x256xf32>
      %add3A_61 = arith.addf %get3A_60, %sub3A_57 : vector<1x256xf32>
      %get3A_62 = arith.constant 2 : index
      %get3A_63 = arith.constant 0 : index
      %get3A_64 = vector.load %arg6[%get3A_62, %get3A_63] : memref<8x256xf32, #tpu.memory_space<vmem>>, vector<1x256xf32>
      %sub3A_65 = arith.subf %add3A_61, %get3A_64 : vector<1x256xf32>
      %sub3A_66 = arith.subf %sub3A_65, %sub3A_57 : vector<1x256xf32>
      %swap3A_67 = arith.constant 3 : index
      %swap3A_68 = arith.constant 0 : index
      %swap3A_69 = vector.load %arg6[%swap3A_67, %swap3A_68] : memref<8x256xf32, #tpu.memory_space<vmem>>, vector<1x256xf32>
      tpu.vector_store %arg6[%swap3A_67, %swap3A_68], %sub3A_66 {strides = array<i32>} : memref<8x256xf32, #tpu.memory_space<vmem>>, vector<1x256xf32>,
      %swap3A_70 = arith.constant 2 : index
      %swap3A_71 = arith.constant 0 : index
      %swap3A_72 = vector.load %arg6[%swap3A_70, %swap3A_71] : memref<8x256xf32, #tpu.memory_space<vmem>>, vector<1x256xf32>
      tpu.vector_store %arg6[%swap3A_70, %swap3A_71], %add3A_61 {strides = array<i32>} : memref<8x256xf32, #tpu.memory_space<vmem>>, vector<1x256xf32>,
    } else {
    }
    return
  }
  func.func @transform_0(%arg0: i32) -> (i32, i32) {
    %c0_i32 = arith.constant 0 : i32
    %c0_i32_0 = arith.constant 0 : i32
    return %arg0, %c0_i32 : i32, i32
  }
  func.func @transform_1(%arg0: i32) -> (i32, i32) {
    %c0_i32 = arith.constant 0 : i32
    %c0_i32_0 = arith.constant 0 : i32
    return %arg0, %c0_i32 : i32, i32
  }
  func.func @transform_2(%arg0: i32) -> (i32, i32) {
    %c0_i32 = arith.constant 0 : i32
    %c0_i32_0 = arith.constant 0 : i32
    %c0_i32_1 = arith.constant 0 : i32
    return %c0_i32, %c0_i32_0 : i32, i32
  }
  func.func @transform_3(%arg0: i32) -> (i32, i32) {
    %c0_i32 = arith.constant 0 : i32
    %c0_i32_0 = arith.constant 0 : i32
    %c0_i32_1 = arith.constant 0 : i32
    return %c0_i32, %c0_i32_0 : i32, i32
  }
  func.func @transform_4(%arg0: i32) -> (i32, i32) {
    %c0_i32 = arith.constant 0 : i32
    %c0_i32_0 = arith.constant 0 : i32
    return %arg0, %c0_i32 : i32, i32
  }
  func.func @transform_5(%arg0: i32) -> (i32, i32) {
    %c0_i32 = arith.constant 0 : i32
    %c0_i32_0 = arith.constant 0 : i32
    %c0_i32_1 = arith.constant 0 : i32
    return %c0_i32, %c0_i32_0 : i32, i32
  }
}

module attributes {stable_mosaic.version = 14 : i64} {
  func.func @_bn_body(%arg0: memref<2048x256xf32, #tpu.memory_space<vmem>>, %arg1: memref<8x256xf32, #tpu.memory_space<vmem>>, %arg2: memref<1x256xf32, #tpu.memory_space<vmem>>, %arg3: memref<1x256xf32, #tpu.memory_space<vmem>>, %arg4: memref<2048x256xf32, #tpu.memory_space<vmem>>) attributes {dimension_semantics = [], scalar_prefetch = 0 : i64, scratch_operands = 0 : i64, tpu.core_type = #tpu.core_type<tc>} {
    %get3A = arith.constant 0 : index
    %get3A_0 = arith.constant 0 : index
    %get3A_1 = vector.load %arg1[%get3A, %get3A_0] : memref<8x256xf32, #tpu.memory_space<vmem>>, vector<1x256xf32>
    %get3A_2 = arith.constant 1 : index
    %get3A_3 = arith.constant 0 : index
    %get3A_4 = vector.load %arg1[%get3A_2, %get3A_3] : memref<8x256xf32, #tpu.memory_space<vmem>>, vector<1x256xf32>
    %sub3A = arith.subf %get3A_1, %get3A_4 : vector<1x256xf32>
    %div3A = arith.constant 4.096000e+04 : f32
    %div3A_5 = vector.broadcast %div3A : f32 to vector<1x256xf32>
    %div3A_6 = arith.divf %sub3A, %div3A_5 : vector<1x256xf32>
    %get3A_7 = arith.constant 4 : index
    %get3A_8 = arith.constant 0 : index
    %get3A_9 = vector.load %arg1[%get3A_7, %get3A_8] : memref<8x256xf32, #tpu.memory_space<vmem>>, vector<1x256xf32>
    %sub3A_10 = arith.subf %div3A_6, %get3A_9 : vector<1x256xf32>
    %get3A_11 = arith.constant 2 : index
    %get3A_12 = arith.constant 0 : index
    %get3A_13 = vector.load %arg1[%get3A_11, %get3A_12] : memref<8x256xf32, #tpu.memory_space<vmem>>, vector<1x256xf32>
    %get3A_14 = arith.constant 3 : index
    %get3A_15 = arith.constant 0 : index
    %get3A_16 = vector.load %arg1[%get3A_14, %get3A_15] : memref<8x256xf32, #tpu.memory_space<vmem>>, vector<1x256xf32>
    %sub3A_17 = arith.subf %get3A_13, %get3A_16 : vector<1x256xf32>
    %div3A_18 = arith.constant 4.096000e+04 : f32
    %div3A_19 = vector.broadcast %div3A_18 : f32 to vector<1x256xf32>
    %div3A_20 = arith.divf %sub3A_17, %div3A_19 : vector<1x256xf32>
    %mul3A = arith.mulf %sub3A_10, %sub3A_10 : vector<1x256xf32>
    %sub3A_21 = arith.subf %div3A_20, %mul3A : vector<1x256xf32>
    %add3A = arith.constant 9.99999974E-6 : f32
    %add3A_22 = vector.broadcast %add3A : f32 to vector<1x256xf32>
    %add3A_23 = arith.addf %sub3A_21, %add3A_22 : vector<1x256xf32>
    %sqrt3A = math.sqrt %add3A_23 : vector<1x256xf32>
    %get3A_24 = arith.constant 0 : index
    %get3A_25 = arith.constant 0 : index
    %get3A_26 = vector.load %arg2[%get3A_24, %get3A_25] : memref<1x256xf32, #tpu.memory_space<vmem>>, vector<1x256xf32>
    %get3A_27 = arith.constant 0 : index
    %get3A_28 = arith.constant 0 : index
    %get3A_29 = vector.load %arg0[%get3A_27, %get3A_28] : memref<2048x256xf32, #tpu.memory_space<vmem>>, vector<2048x256xf32>
    %sub3A_30 = vector.broadcast %div3A_6 : vector<1x256xf32> to vector<2048x256xf32>
    %sub3A_31 = arith.subf %get3A_29, %sub3A_30 : vector<2048x256xf32>
    %mul3A_32 = vector.broadcast %get3A_26 : vector<1x256xf32> to vector<2048x256xf32>
    %mul3A_33 = arith.mulf %mul3A_32, %sub3A_31 : vector<2048x256xf32>
    %div3A_34 = vector.broadcast %sqrt3A : vector<1x256xf32> to vector<2048x256xf32>
    %div3A_35 = arith.divf %mul3A_33, %div3A_34 : vector<2048x256xf32>
    %get3A_36 = arith.constant 0 : index
    %get3A_37 = arith.constant 0 : index
    %get3A_38 = vector.load %arg3[%get3A_36, %get3A_37] : memref<1x256xf32, #tpu.memory_space<vmem>>, vector<1x256xf32>
    %add3A_39 = vector.broadcast %get3A_38 : vector<1x256xf32> to vector<2048x256xf32>
    %add3A_40 = arith.addf %div3A_35, %add3A_39 : vector<2048x256xf32>
    %max3A = arith.constant 0.000000e+00 : f32
    %max3A_41 = vector.broadcast %max3A : f32 to vector<2048x256xf32>
    %max3A_42 = arith.maximumf %add3A_40, %max3A_41 : vector<2048x256xf32>
    %swap3A = arith.constant 0 : index
    %swap3A_43 = arith.constant 0 : index
    %swap3A_44 = vector.load %arg4[%swap3A, %swap3A_43] : memref<2048x256xf32, #tpu.memory_space<vmem>>, vector<2048x256xf32>
    tpu.vector_store %arg4[%swap3A, %swap3A_43], %max3A_42 {strides = array<i32>} : memref<2048x256xf32, #tpu.memory_space<vmem>>, vector<2048x256xf32>,
    return
  }
}

module attributes {stable_mosaic.version = 14 : i64} {
  func.func @_final_body(%arg0: memref<2048x64xf32, #tpu.memory_space<vmem>>, %arg1: memref<2048x64xf32, #tpu.memory_space<vmem>>, %arg2: memref<2048x128xf32, #tpu.memory_space<vmem>>, %arg3: memref<2048x256xf32, #tpu.memory_space<vmem>>, %arg4: memref<512x512xf32, #tpu.memory_space<vmem>>, %arg5: memref<512x1xf32, #tpu.memory_space<vmem>>, %arg6: memref<512x1xf32, #tpu.memory_space<vmem>>, %arg7: memref<512x1xf32, #tpu.memory_space<vmem>>, %arg8: memref<2x512x1024xf32, #tpu.memory_space<vmem>>) attributes {dimension_semantics = [], scalar_prefetch = 0 : i64, scratch_operands = 0 : i64, tpu.core_type = #tpu.core_type<tc>} {
    %get3A = arith.constant 0 : index
    %get3A_0 = arith.constant 0 : index
    %get3A_1 = vector.load %arg0[%get3A, %get3A_0] : memref<2048x64xf32, #tpu.memory_space<vmem>>, vector<2048x64xf32>
    %get3A_2 = arith.constant 0 : index
    %get3A_3 = arith.constant 0 : index
    %get3A_4 = vector.load %arg1[%get3A_2, %get3A_3] : memref<2048x64xf32, #tpu.memory_space<vmem>>, vector<2048x64xf32>
    %get3A_5 = arith.constant 0 : index
    %get3A_6 = arith.constant 0 : index
    %get3A_7 = vector.load %arg2[%get3A_5, %get3A_6] : memref<2048x128xf32, #tpu.memory_space<vmem>>, vector<2048x128xf32>
    %get3A_8 = arith.constant 0 : index
    %get3A_9 = arith.constant 0 : index
    %get3A_10 = vector.load %arg3[%get3A_8, %get3A_9] : memref<2048x256xf32, #tpu.memory_space<vmem>>, vector<2048x256xf32>
    %concatenate3A = tpu.concatenate %get3A_1, %get3A_4, %get3A_7, %get3A_10 in 1 : vector<2048x64xf32>, vector<2048x64xf32>, vector<2048x128xf32>, vector<2048x256xf32> -> vector<2048x512xf32>
    %slice3A = vector.extract_strided_slice %concatenate3A {offsets = [0, 0], sizes = [1024, 512], strides = [1, 1]} : vector<2048x512xf32> to vector<1024x512xf32>
    %get3A_11 = arith.constant 0 : index
    %get3A_12 = arith.constant 0 : index
    %get3A_13 = vector.load %arg4[%get3A_11, %get3A_12] : memref<512x512xf32, #tpu.memory_space<vmem>>, vector<512x512xf32>
    %dot_general3A = arith.constant dense<0.000000e+00> : vector<512x1024xf32>
    %dot_general3A_14 = tpu.matmul %get3A_13, %slice3A, %dot_general3A {dimension_numbers = #tpu.dot_dimension_numbers<[1], [1], [0], [0], [0, 0, 1, 0], [], []>, transpose_lhs_hint = false} : vector<512x512xf32>, vector<1024x512xf32>, vector<512x1024xf32> -> vector<512x1024xf32>
    %get3A_15 = arith.constant 0 : index
    %get3A_16 = arith.constant 0 : index
    %get3A_17 = vector.load %arg5[%get3A_15, %get3A_16] : memref<512x1xf32, #tpu.memory_space<vmem>>, vector<512x1xf32>
    %add3A = vector.broadcast %get3A_17 : vector<512x1xf32> to vector<512x1024xf32>
    %add3A_18 = arith.addf %dot_general3A_14, %add3A : vector<512x1024xf32>
    %slice3A_19 = vector.extract_strided_slice %concatenate3A {offsets = [1024, 0], sizes = [1024, 512], strides = [1, 1]} : vector<2048x512xf32> to vector<1024x512xf32>
    %get3A_20 = arith.constant 0 : index
    %get3A_21 = arith.constant 0 : index
    %get3A_22 = vector.load %arg4[%get3A_20, %get3A_21] : memref<512x512xf32, #tpu.memory_space<vmem>>, vector<512x512xf32>
    %dot_general3A_23 = arith.constant dense<0.000000e+00> : vector<512x1024xf32>
    %dot_general3A_24 = tpu.matmul %get3A_22, %slice3A_19, %dot_general3A_23 {dimension_numbers = #tpu.dot_dimension_numbers<[1], [1], [0], [0], [0, 0, 1, 0], [], []>, transpose_lhs_hint = false} : vector<512x512xf32>, vector<1024x512xf32>, vector<512x1024xf32> -> vector<512x1024xf32>
    %get3A_25 = arith.constant 0 : index
    %get3A_26 = arith.constant 0 : index
    %get3A_27 = vector.load %arg5[%get3A_25, %get3A_26] : memref<512x1xf32, #tpu.memory_space<vmem>>, vector<512x1xf32>
    %add3A_28 = vector.broadcast %get3A_27 : vector<512x1xf32> to vector<512x1024xf32>
    %add3A_29 = arith.addf %dot_general3A_24, %add3A_28 : vector<512x1024xf32>
    %reduce_sum3A = arith.constant dense<0.000000e+00> : vector<512xf32>
    %reduce_sum3A_30 = vector.multi_reduction <add>, %add3A_18, %reduce_sum3A [1] : vector<512x1024xf32> to vector<512xf32>
    %broadcast_in_dim3A = vector.shape_cast %reduce_sum3A_30 : vector<512xf32> to vector<512x1xf32>
    %reduce_sum3A_31 = arith.constant dense<0.000000e+00> : vector<512xf32>
    %reduce_sum3A_32 = vector.multi_reduction <add>, %add3A_29, %reduce_sum3A_31 [1] : vector<512x1024xf32> to vector<512xf32>
    %broadcast_in_dim3A_33 = vector.shape_cast %reduce_sum3A_32 : vector<512xf32> to vector<512x1xf32>
    %add3A_34 = arith.addf %broadcast_in_dim3A, %broadcast_in_dim3A_33 : vector<512x1xf32>
    %mul3A = arith.mulf %add3A_18, %add3A_18 : vector<512x1024xf32>
    %reduce_sum3A_35 = arith.constant dense<0.000000e+00> : vector<512xf32>
    %reduce_sum3A_36 = vector.multi_reduction <add>, %mul3A, %reduce_sum3A_35 [1] : vector<512x1024xf32> to vector<512xf32>
    %broadcast_in_dim3A_37 = vector.shape_cast %reduce_sum3A_36 : vector<512xf32> to vector<512x1xf32>
    %mul3A_38 = arith.mulf %add3A_29, %add3A_29 : vector<512x1024xf32>
    %reduce_sum3A_39 = arith.constant dense<0.000000e+00> : vector<512xf32>
    %reduce_sum3A_40 = vector.multi_reduction <add>, %mul3A_38, %reduce_sum3A_39 [1] : vector<512x1024xf32> to vector<512xf32>
    %broadcast_in_dim3A_41 = vector.shape_cast %reduce_sum3A_40 : vector<512xf32> to vector<512x1xf32>
    %add3A_42 = arith.addf %broadcast_in_dim3A_37, %broadcast_in_dim3A_41 : vector<512x1xf32>
    %div3A = arith.constant 2.048000e+03 : f32
    %div3A_43 = vector.broadcast %div3A : f32 to vector<512x1xf32>
    %div3A_44 = arith.divf %add3A_34, %div3A_43 : vector<512x1xf32>
    %div3A_45 = arith.constant 2.048000e+03 : f32
    %div3A_46 = vector.broadcast %div3A_45 : f32 to vector<512x1xf32>
    %div3A_47 = arith.divf %add3A_42, %div3A_46 : vector<512x1xf32>
    %mul3A_48 = arith.mulf %div3A_44, %div3A_44 : vector<512x1xf32>
    %sub3A = arith.subf %div3A_47, %mul3A_48 : vector<512x1xf32>
    %add3A_49 = arith.constant 9.99999974E-6 : f32
    %add3A_50 = vector.broadcast %add3A_49 : f32 to vector<512x1xf32>
    %add3A_51 = arith.addf %sub3A, %add3A_50 : vector<512x1xf32>
    %sqrt3A = math.sqrt %add3A_51 : vector<512x1xf32>
    %get3A_52 = arith.constant 0 : index
    %get3A_53 = arith.constant 0 : index
    %get3A_54 = vector.load %arg6[%get3A_52, %get3A_53] : memref<512x1xf32, #tpu.memory_space<vmem>>, vector<512x1xf32>
    %sub3A_55 = vector.broadcast %div3A_44 : vector<512x1xf32> to vector<512x1024xf32>
    %sub3A_56 = arith.subf %add3A_18, %sub3A_55 : vector<512x1024xf32>
    %mul3A_57 = vector.broadcast %get3A_54 : vector<512x1xf32> to vector<512x1024xf32>
    %mul3A_58 = arith.mulf %mul3A_57, %sub3A_56 : vector<512x1024xf32>
    %div3A_59 = vector.broadcast %sqrt3A : vector<512x1xf32> to vector<512x1024xf32>
    %div3A_60 = arith.divf %mul3A_58, %div3A_59 : vector<512x1024xf32>
    %get3A_61 = arith.constant 0 : index
    %get3A_62 = arith.constant 0 : index
    %get3A_63 = vector.load %arg7[%get3A_61, %get3A_62] : memref<512x1xf32, #tpu.memory_space<vmem>>, vector<512x1xf32>
    %add3A_64 = vector.broadcast %get3A_63 : vector<512x1xf32> to vector<512x1024xf32>
    %add3A_65 = arith.addf %div3A_60, %add3A_64 : vector<512x1024xf32>
    %max3A = arith.constant 0.000000e+00 : f32
    %max3A_66 = vector.broadcast %max3A : f32 to vector<512x1024xf32>
    %max3A_67 = arith.maximumf %add3A_65, %max3A_66 : vector<512x1024xf32>
    %swap3A = arith.constant 0 : index
    %swap3A_68 = arith.constant 0 : index
    %swap3A_69 = arith.constant 0 : index
    %swap3A_70 = vector.load %arg8[%swap3A, %swap3A_68, %swap3A_69] : memref<2x512x1024xf32, #tpu.memory_space<vmem>>, vector<1x512x1024xf32>
    %swap3A_71 = vector.shape_cast %swap3A_70 : vector<1x512x1024xf32> to vector<512x1024xf32>
    %swap3A_72 = vector.shape_cast %max3A_67 : vector<512x1024xf32> to vector<1x512x1024xf32>
    tpu.vector_store %arg8[%swap3A, %swap3A_68, %swap3A_69], %swap3A_72 {strides = array<i32>} : memref<2x512x1024xf32, #tpu.memory_space<vmem>>, vector<1x512x1024xf32>,
    %get3A_73 = arith.constant 0 : index
    %get3A_74 = arith.constant 0 : index
    %get3A_75 = vector.load %arg6[%get3A_73, %get3A_74] : memref<512x1xf32, #tpu.memory_space<vmem>>, vector<512x1xf32>
    %sub3A_76 = vector.broadcast %div3A_44 : vector<512x1xf32> to vector<512x1024xf32>
    %sub3A_77 = arith.subf %add3A_29, %sub3A_76 : vector<512x1024xf32>
    %mul3A_78 = vector.broadcast %get3A_75 : vector<512x1xf32> to vector<512x1024xf32>
    %mul3A_79 = arith.mulf %mul3A_78, %sub3A_77 : vector<512x1024xf32>
    %div3A_80 = vector.broadcast %sqrt3A : vector<512x1xf32> to vector<512x1024xf32>
    %div3A_81 = arith.divf %mul3A_79, %div3A_80 : vector<512x1024xf32>
    %get3A_82 = arith.constant 0 : index
    %get3A_83 = arith.constant 0 : index
    %get3A_84 = vector.load %arg7[%get3A_82, %get3A_83] : memref<512x1xf32, #tpu.memory_space<vmem>>, vector<512x1xf32>
    %add3A_85 = vector.broadcast %get3A_84 : vector<512x1xf32> to vector<512x1024xf32>
    %add3A_86 = arith.addf %div3A_81, %add3A_85 : vector<512x1024xf32>
    %max3A_87 = arith.constant 0.000000e+00 : f32
    %max3A_88 = vector.broadcast %max3A_87 : f32 to vector<512x1024xf32>
    %max3A_89 = arith.maximumf %add3A_86, %max3A_88 : vector<512x1024xf32>
    %swap3A_90 = arith.constant 1 : index
    %swap3A_91 = arith.constant 0 : index
    %swap3A_92 = arith.constant 0 : index
    %swap3A_93 = vector.load %arg8[%swap3A_90, %swap3A_91, %swap3A_92] : memref<2x512x1024xf32, #tpu.memory_space<vmem>>, vector<1x512x1024xf32>
    %swap3A_94 = vector.shape_cast %swap3A_93 : vector<1x512x1024xf32> to vector<512x1024xf32>
    %swap3A_95 = vector.shape_cast %max3A_89 : vector<512x1024xf32> to vector<1x512x1024xf32>
    tpu.vector_store %arg8[%swap3A_90, %swap3A_91, %swap3A_92], %swap3A_95 {strides = array<i32>} : memref<2x512x1024xf32, #tpu.memory_space<vmem>>, vector<1x512x1024xf32>,
    return
  }
}

</mosaic_0001>

<sc_bundles>
// kernel: kernel.19.cloned.1.call-start
scs
__scs_entry_jumppad:
0x0: {  	(pc) =	sbr.rel $0x88, $3  }
0x1: {  	(tag) =	ssettag $0x0;
	lr =	simm.s32 $0x1  }
0x2: {  	[smem:$0x3F8C] =	sst lr;
	_ =	strace $0xD0000000  }
0x3: {  	_ = 	snop  }
0x4: {  	_ = 	snop  }
0x5: {  	_ = 	snop  }
0x6: {  	_ = 	snop  }
0x7: {  	_ = 	snop  }
__scs_overlays_trampoline_lowered:
0x8: {  	[smem:$0x3F9B] =	sst s0  }
0x9: {  	[smem:$0x3F9C] =	sst s1  }
0xa: {  	[smem:$0x3F9D] =	sst s2  }
0xb: {  	[smem:$0x3F9E] =	sst s3  }
0xc: {  	[smem:$0x3F9F] =	sst s4  }
0xd: {  	[smem:$0x3FA0] =	sst s5  }
0xe: {  	[smem:$0x3FA1] =	sst s6  }
0xf: {  	[smem:$0x3FA2] =	sst s7  }
0x10: {  	[smem:$0x3FA3] =	sst s8  }
0x11: {  	[smem:$0x3FA4] =	sst s9;
	s0 =	simm.s32 @!p0 $0x0  }
0x12: {  	s1 =	sld [smem:$0x3F8A];
	s0 =	simm.s32 @p0 $0x1  }
0x13: {  	[smem:$0x3FA5] =	sst s0;
	s0 =	simm.s32 @!p1 $0x0  }
0x14: {  	s2 =	sld [smem:$0x3F89];
	s0 =	simm.s32 @p1 $0x1  }
0x15: {  	[smem:$0x3FA6] =	sst s0;
	s0 =	simm.s32 @!p2 $0x0  }
0x16: {  	s3 =	sld [smem:$0x3FDB];
	s0 =	simm.s32 @p2 $0x1  }
0x17: {  	s4 =	simm.s32 $0x1BF5;
	[smem:$0x3FA8] =	sst s0  }
0x18: {  	s0 =	sld [smem:$0x3F8B];
	_ =	swait.ge [sflag:s4], $0x0  }
0x19: {  	s7 =	sld [smem:$0x3F8C]  }
0x1a: {  	s8 =	sadd.s32 $0xFFFFE003, lr  }
0x1b: {  	s9 =	sadd.s32 $0xFFFFFEF7, lr;
	s5 =	simm.s32 $0xFFFFFFFF;
	p2 =	slt.u32 s8, $0xFFFFF086  }
0x1c: {  	p1 =	slt.u32 s9, $0xF7A;
	s5 =	simm.s32 @!p2 $0x0  }
0x1d: {  	s5 =	simm.s32 @p1 $0x1;
	p0 =	seq.s32 s7, s2  }
0x1e: {  	s7 =	smul.u32 @!p0 $0xF7A, s2;
	p2 =	seq.s32 @!p0 s5, $0x0  }
0x1f: {  	s9 =	smul.u32 $0xF7A, s1;
	s8 =	simm.s32 @!p0 $0x1BF5;
	p2 =	por !p2, p0  }
0x20: {  	[sflag:s8] =	ssyncset.s32 @!p0 $0xFFFFF086;
	s6 =	sadd.s32 @!p0 s3, s7;
	s7 =	simm.s32 @!p0 $0x108  }
0x21: {  	s3 =	sadd.s32 s3, s9;
	s6 =	sadd.s32 @!p0 $0x88, s6;
	s7 =	simm.s32 @p2 $0x1082  }
0x22: {  	[simem:s7], [sflag:s8] =	dma.local @!p0 [hbm:s6], $0xF7A  }
0x23: {  	s9 =	sor.u32 $0xD0000000, s2;
	s6 =	simm.s32 $0x108;
	_ =	swait.ge @!p0 [sflag:s8], $0x0  }
0x24: {  	s3 =	sadd.s32 $0x88, s3;
	s6 =	simm.s32 @!p1 $0x1082;
	[sflag:s4] =	ssyncset.s32 $0xFFFFF086  }
0x25: {  	[simem:s6], [sflag:s4] =	dma.local [hbm:s3], $0xF7A  }
0x26: {  	[smem:$0x3F8C] =	sst s1;
	(tag) =	ssettag s2;
	_ =	strace s9  }
0x27: {  	s1 =	sld [smem:$0x3F9C]  }
0x28: {  	s2 =	sld [smem:$0x3F9D]  }
0x29: {  	s4 =	sld [smem:$0x3F9F]  }
0x2a: {  	p0 =	seq.s32 s5, $0x0;
	s5 =	sld [smem:$0x3FA0]  }
0x2b: {  	s6 =	sld [smem:$0x3FA1]  }
0x2c: {  	s7 =	sld [smem:$0x3FA2]  }
0x2d: {  	s3 =	simm.s32 $0x108;
	s8 =	sld [smem:$0x3FA3]  }
0x2e: {  	s3 =	simm.s32 @!p0 $0x1082;
	s9 =	sld [smem:$0x3FA4]  }
0x2f: {  	lr =	sadd.s32 s0, s3;
	s0 =	sld [smem:$0x3F9B]  }
0x30: {  	s3 =	sld [smem:$0x3F9E]  }
0x31: {  	[smem:$0x3FA7] =	sst s10  }
0x32: {  	s10 =	sld [smem:$0x3FA5];
	_ =	sdelay $0x3  }
0x33: {  	p0 =	seq.s32 s10, $0x1;
	s10 =	sld [smem:$0x3FA7];
	_ =	sdelay $0x3  }
0x34: {  	[smem:$0x3FA7] =	sst s10  }
0x35: {  	s10 =	sld [smem:$0x3FA6];
	_ =	sdelay $0x3  }
0x36: {  	p1 =	seq.s32 s10, $0x1;
	s10 =	sld [smem:$0x3FA7];
	_ =	sdelay $0x3  }
0x37: {  	[smem:$0x3FA7] =	sst s10  }
0x38: {  	s10 =	sld [smem:$0x3FA8]  }
0x39: {  	_ = 	snop;
	(pc) =	sbr.ind lr, $3  }
0x3a: {  	_ = 	snop  }
0x3b: {  	_ = 	snop  }
0x3c: {  	p2 =	seq.s32 s10, $0x1;
	s10 =	sld [smem:$0x3FA7]  }
0x3d: {  	_ =	shalt  }
0x3e: {  	_ =	shalt  }
0x3f: {  	_ =	shalt  }
0x40: {  	_ =	shalt  }
0x41: {  	_ =	shalt  }
0x42: {  	_ =	shalt  }
0x43: {  	_ =	shalt  }
0x44: {  	_ =	shalt  }
0x45: {  	_ =	shalt  }
0x46: {  	_ =	shalt  }
0x47: {  	_ =	shalt  }
0x48: {  	_ =	shalt  }
0x49: {  	_ =	shalt  }
0x4a: {  	_ =	shalt  }
0x4b: {  	_ =	shalt  }
0x4c: {  	_ =	shalt  }
0x4d: {  	_ =	shalt  }
0x4e: {  	_ =	shalt  }
0x4f: {  	_ =	shalt  }
0x50: {  	_ =	shalt  }
0x51: {  	_ =	shalt  }
0x52: {  	_ =	shalt  }
0x53: {  	_ =	shalt  }
0x54: {  	_ =	shalt  }
0x55: {  	_ =	shalt  }
0x56: {  	_ =	shalt  }
0x57: {  	_ =	shalt  }
0x58: {  	_ =	shalt  }
0x59: {  	_ =	shalt  }
0x5a: {  	_ =	shalt  }
0x5b: {  	_ =	shalt  }
0x5c: {  	_ =	shalt  }
0x5d: {  	_ =	shalt  }
0x5e: {  	_ =	shalt  }
0x5f: {  	_ =	shalt  }
0x60: {  	_ =	shalt  }
0x61: {  	_ =	shalt  }
0x62: {  	_ =	shalt  }
0x63: {  	_ =	shalt  }
0x64: {  	_ =	shalt  }
0x65: {  	_ =	shalt  }
0x66: {  	_ =	shalt  }
0x67: {  	_ =	shalt  }
0x68: {  	_ =	shalt  }
0x69: {  	_ =	shalt  }
0x6a: {  	_ =	shalt  }
0x6b: {  	_ =	shalt  }
0x6c: {  	_ =	shalt  }
0x6d: {  	_ =	shalt  }
0x6e: {  	_ =	shalt  }
0x6f: {  	_ =	shalt  }
0x70: {  	_ =	shalt  }
0x71: {  	_ =	shalt  }
0x72: {  	_ =	shalt  }
0x73: {  	_ =	shalt  }
0x74: {  	_ =	shalt  }
0x75: {  	_ =	shalt  }
0x76: {  	_ =	shalt  }
0x77: {  	_ =	shalt  }
0x78: {  	_ =	shalt  }
0x79: {  	_ =	shalt  }
0x7a: {  	_ =	shalt  }
0x7b: {  	_ =	shalt  }
0x7c: {  	_ =	shalt  }
0x7d: {  	_ =	shalt  }
0x7e: {  	_ =	shalt  }
0x7f: {  	_ =	shalt  }
0x80: {  	_ =	shalt  }
0x81: {  	_ =	shalt  }
0x82: {  	_ =	shalt  }
0x83: {  	_ =	shalt  }
0x84: {  	_ =	shalt  }
0x85: {  	_ =	shalt  }
0x86: {  	_ =	shalt  }
0x87: {  	_ =	shalt  }
.Lfunc_end0:
.L_simem_size_0:
called_computation_lowered:
.L_overlay_start_0:
0x88: {  	s2 =	sld [smem:$0x3FD9]  }
0x89: {  	s3 =	sld [smem:$0x3FFE];
	_ =	sdelay $0x1  }
0x8a: {  	s1 =	srdreg.scid  }
0x8b: {  	s0 =	sand.u32 $0x1, s1  }
0x8c: {  	s17 =	sshll.u32 s0, $0xA;
	s2 =	sadd.s32 s3, s2  }
0x8d: {  	s2 =	sadd.s32 s2, s17  }
0x8e: {  	[smem:$0x3FB3] =	sst s2  }
0x8f: {  	_ = 	snop  }
0x90: {  	s2 =	sld [smem:$0x3FD0];
	(tm) =	ssettm $0x1  }
0x91: {  	s18 =	sld [smem:$0x3FFB];
	_ =	sdelay $0x3  }
0x92: {  	_ =	strace s18  }
0x93: {  	s3 =	sld [smem:$0x3FFC];
	_ =	sdelay $0x3  }
0x94: {  	_ =	strace s3  }
0x95: {  	s3 =	sld [smem:$0x3FFD];
	_ =	sdelay $0x3  }
0x96: {  	_ =	strace s3  }
0x97: {  	_ =	strace $0x8FFFFFFF  }
0x98: {  	s19 =	sld [smem:$0x3FDB];
	_ =	sdelay $0x1  }
0x99: {  	s4 =	simm.s32 $_scs_section_size  }
0x9a: {  	s5 =	simm.s32 $_size__tile_overlayer_lowered;
	s6 =	simm.s32 $_tile_overlayer_lowered  }
0x9b: {  	s22 =	simm.s32 $0x1BFF;
	s21 =	sshll.u32 s6, $0x1;
	s3 =	sadd.s32 s4, s19  }
0x9c: {  	s7 =	simm.s32 $0x0;
	s20 =	sshll.u32 s5, $0x1;
	s5 =	sadd.s32 s21, s3  }
0x9d: {  	[timem:s7], [sflag:s22] =	dma.local [hbm:s5], s20  }
0x9e: {  	_ =	swait.ge [sflag:s22], s20  }
0x9f: {  	s4 =	ssub.s32 $0x0, s20;
	[sflag:s22] =	ssyncset.done $0x0  }
0xa0: {  	[sflag:s22] =	ssyncadd.s32 s4;
	_ =	sdelay $0x1  }
0xa1: {  	s23 =	simm.s32 $0x1B8B  }
0xa2: {  	_ =	swait.ge [sflag:s23], $0x1  }
0xa3: {  	[sflag:s23] =	ssyncset.done $0x0  }
0xa4: {  	s25 =	simm.s32 $0x1B8E;
	s24 =	sld [smem:$0x3FFE];
	[sflag:s23] =	ssyncadd.s32 $0xFFFFFFFF  }
0xa5: {  	s26 =	simm.s32 $execute0_lowered;
	[smem:$0x3FD2] =	sst s25  }
0xa6: {  	s5 =	sshll.u32 s26, $0x1;
	_ =	strace $0x80000046;
	[dreg:$0x1] =	wrdreg $0xFFFFFFFF  }
0xa7: {  	s28 =	simm.s32 $_size_execute0_lowered;
	s3 =	sadd.s32 s3, s5;
	[dreg:$0x0] =	wrdreg $0x0  }
0xa8: {  	s5 =	sshll.u32 s28, $0x1;
	[dreg:$0x2] =	wrdreg s3  }
0xa9: {  	[dreg:$0x3] =	wrdreg s5  }
0xaa: {  	[dreg:$0x4] =	wrdreg $0xC0  }
0xab: {  	_ =	task [dreg:s7], $0x5FFFF  }
0xac: {  	[dreg:$0x1] =	wrdreg $0xFFFFFFFF  }
0xad: {  	[dreg:$0x0] =	wrdreg $0x60  }
0xae: {  	[dreg:$0x2] =	wrdreg s24  }
0xaf: {  	[dreg:$0x3] =	wrdreg s2  }
0xb0: {  	[dreg:$0x4] =	wrdreg $0x9  }
0xb1: {  	_ =	task.clear_ibuf [dreg:s7], $0x5FFFF;
	_ =	strace $0x90000046  }
0xb2: {  	s29 =	simm.s32 $0x9;
	_ =	strace $0x80000048  }
0xb3: {  	_ =	swait.ge [sflag:s29], $0x1  }
0xb4: {  	[sflag:s29] =	ssyncadd.s32 $0xFFFFFFFF  }
0xb5: {  	_ =	strace $0x90000048  }
0xb6: {  	_ =	sfence  }
0xb7: {  	s30 =	sld [smem:$0x0];
	_ =	sdelay $0x2  }
0xb8: {  	s31 =	sshll.u32 s1, $0xD;
	s1 =	sshrl.u32 s1, $0x2  }
0xb9: {  	s3 =	sand.u32 $0x4000, s31;
	s1 =	sadd.s32 s1, s30  }
0xba: {  	s0 =	sor.u32 s3, s0;
	s1 =	sshll.u32 s1, $0x11  }
0xbb: {  	s0 =	sor.u32 s1, s0  }
0xbc: {  	s0 =	sadd.s32 $0x8F2B, s0  }
0xbd: {  	[sflag:s0] =	ssyncadd.remote.s32 $0x1  }
0xbe: {  	_ =	sfence.sel $0xFFFF  }
0xbf: {  	[dreg:$0x0] =	wrdreg $0xFFFFFFFF;
	(pc) =	sbr.abs _section_cstart, $3  }
0xc0: {  	[dreg:$0x1] =	wrdreg $0xFFFFFFFF  }
0xc1: {  	_ =	task.clear_ibuf [dreg:s7], $0x2FFFF;
	_ =	strace $0x9FFFFFFF  }
0xc2: {  	(tm) =	ssettm $0x7FFFFFFF  }
0xc3: {  	_ =	shalt  }
tec
execute0_lowered:
.L_overlay_start_1:
0x0: {  	(tag) =	ssettag $0x1  }
0x1: {  	s4 =	rddreg [dreg:$0x0]  }
0x2: {  	s5 =	rddreg [dreg:$0x1]  }
0x3: {  	s0 =	rddreg [dreg:$0x2];
	s3 =	srdreg.scid  }
0x4: {  	s1 =	stileid.u32;
	s2 =	simm.s32 $0x0;
	s10 =	simm.s32 $0x100  }
0x5: {  	s11 =	simm.s32 $0x500;
	s12 =	simm.s32 $0x1;
	s13 =	simm.s32 $0x2  }
0x6: {  	s14 =	simm.s32 $0x3;
	s15 =	simm.s32 $0x4;
	s16 =	simm.s32 $0x0  }
0x7: {  	s3 =	sand.u32 $0x1, s3;
	s6 =	smul.u32 $0xA00, s1;
	[smem:$0x7FF] =	sst s2  }
0x8: {  	s29 =	sadd.s32 $0x4E00, s4;
	s7 =	ssub.s32 $0x2, s3;
	s8 =	smul.u32 $0x500, s3  }
0x9: {  	_ =	strace $0x80000047;
	s3 =	sadd.s32 $0x4600, s4;
	s9 =	sshrl.u32 s7, $0x1  }
0xa: {  	s7 =	ssub.s32 s7, s9;
	s6 =	sadd.s32 s8, s6;
	s8 =	simm.s32 $0x5  }
0xb: {  	s9 =	simm.s32 $0x80;
	s4 =	smax.u32 s7, $0x1;
	s30 =	sor.u32 $0x80, s6  }
0xc: {  	s5 =	sadd.s32 s5, s6;
	s31 =	sshrl.u32 s6, $0x3;
	s7 =	sshrl.u32 s30, $0x3  }
0xd: {  	s5 =	sadd.s32 $0x80, s5;
	s6 =	sadd.s32 s7, s29;
	s7 =	sadd.s32 s31, s29  }
.LBB2_1:
0xe: {  	s17 =	sadd.s32 $0x0, s7  }
0xf: {  	[tilespmem:s2], [sflag:$0x5] =	stream.linear.gather [hbm4b:s17+s2], $0x80, $0x38;
	[tilespmem:$0x900] =	vst v63  }
0x10: {  	_ =	swait.ge [sflag:s8], $0x80  }
0x11: {  	[sflag:s8] =	ssyncset.done $0x0  }
0x12: {  	[sflag:s8] =	ssyncadd.s32 $0xFFFFFF80  }
0x13: {  	[tilespmem:s10], [sflag:$0x1] =	stream.indirect.gather [hbm4b:s3+s9], $0x8, s2, s9, $0xb8;
	[tilespmem:$0x900] =	vst v63  }
0x14: {  	s30 =	sadd.s32 $0x0, s6  }
0x15: {  	[tilespmem:s9], [sflag:$0x5] =	stream.linear.gather [hbm4b:s30+s2], $0x80, $0x38;
	[tilespmem:$0x900] =	vst v63  }
0x16: {  	_ =	swait.ge [sflag:s8], $0x80  }
0x17: {  	[sflag:s8] =	ssyncset.done $0x0  }
0x18: {  	[sflag:s8] =	ssyncadd.s32 $0xFFFFFF80  }
0x19: {  	[tilespmem:s11], [sflag:$0x2] =	stream.indirect.gather [hbm4b:s3+s9], $0x8, s9, s9, $0xb8;
	[tilespmem:$0x900] =	vst v63  }
0x1a: {  	_ =	swait.ge [sflag:s12], $0x400  }
0x1b: {  	[sflag:s12] =	ssyncset.done $0x0  }
0x1c: {  	s31 =	sadd.s32 $0xFFFFFF80, s5;
	[sflag:s12] =	ssyncadd.s32 $0xFFFFFC00  }
0x1d: {  	[hbm4b:s31+s2] =	stream.linear.scatter [tilespmem:s10], [sflag:$0x3], $0x400, $0x38;
	[tilespmem:$0x900] =	vst v63  }
0x1e: {  	_ =	swait.ge [sflag:s13], $0x400  }
0x1f: {  	[sflag:s13] =	ssyncset.done $0x0  }
0x20: {  	[sflag:s13] =	ssyncadd.s32 $0xFFFFFC00  }
0x21: {  	[hbm4b:s5+s2] =	stream.linear.scatter [tilespmem:s11], [sflag:$0x4], $0x400, $0x38;
	[tilespmem:$0x900] =	vst v63  }
0x22: {  	_ =	swait.ge [sflag:s14], $0x400  }
0x23: {  	[sflag:s14] =	ssyncset.done $0x0  }
0x24: {  	[sflag:s14] =	ssyncadd.s32 $0xFFFFFC00  }
0x25: {  	s18 =	simm.s32 $0x20;
	_ =	swait.ge [sflag:s15], $0x400  }
0x26: {  	s19 =	simm.s32 $0x40;
	s17 =	sadd.s32 $0x100, s5;
	[sflag:s15] =	ssyncset.done $0x0  }
.LBB2_2:
0x27: {  	s20 =	sadd.s32 s18, s7  }
0x28: {  	[sflag:s15] =	ssyncadd.s32 $0xFFFFFC00;
	s21 =	smov.u32 s19;
	s22 =	sadd.s32 $0x20, s19  }
0x29: {  	[tilespmem:s2], [sflag:$0x5] =	stream.linear.gather [hbm4b:s20+s2], $0x80, $0x38;
	[tilespmem:$0x900] =	vst v63  }
0x2a: {  	p0 =	sne.s32 s19, $0x80;
	_ =	swait.ge [sflag:s8], $0x80  }
0x2b: {  	[sflag:s8] =	ssyncset.done $0x0  }
0x2c: {  	[sflag:s8] =	ssyncadd.s32 $0xFFFFFF80  }
0x2d: {  	[tilespmem:s10], [sflag:$0x1] =	stream.indirect.gather [hbm4b:s3+s9], $0x8, s2, s9, $0xb8;
	[tilespmem:$0x900] =	vst v63  }
0x2e: {  	s19 =	sadd.s32 s18, s6;
	s18 =	smov.u32 s21  }
0x2f: {  	[tilespmem:s9], [sflag:$0x5] =	stream.linear.gather [hbm4b:s19+s2], $0x80, $0x38;
	[tilespmem:$0x900] =	vst v63  }
0x30: {  	_ =	swait.ge [sflag:s8], $0x80  }
0x31: {  	[sflag:s8] =	ssyncset.done $0x0  }
0x32: {  	[sflag:s8] =	ssyncadd.s32 $0xFFFFFF80  }
0x33: {  	[tilespmem:s11], [sflag:$0x2] =	stream.indirect.gather [hbm4b:s3+s9], $0x8, s9, s9, $0xb8;
	[tilespmem:$0x900] =	vst v63  }
0x34: {  	_ =	swait.ge [sflag:s12], $0x400  }
0x35: {  	[sflag:s12] =	ssyncset.done $0x0  }
0x36: {  	s19 =	sadd.s32 $0xFFFFFF80, s17;
	[sflag:s12] =	ssyncadd.s32 $0xFFFFFC00  }
0x37: {  	[hbm4b:s19+s2] =	stream.linear.scatter [tilespmem:s10], [sflag:$0x3], $0x400, $0x38;
	[tilespmem:$0x900] =	vst v63  }
0x38: {  	_ =	swait.ge [sflag:s13], $0x400  }
0x39: {  	[sflag:s13] =	ssyncset.done $0x0  }
0x3a: {  	[sflag:s13] =	ssyncadd.s32 $0xFFFFFC00  }
0x3b: {  	[hbm4b:s17+s2] =	stream.linear.scatter [tilespmem:s11], [sflag:$0x4], $0x400, $0x38;
	[tilespmem:$0x900] =	vst v63  }
.Ltmp0:
0x3c: {  	_ =	swait.ge [sflag:s14], $0x400;
	(pc) =	sbr.rel @p0 .LBB2_2-.Ltmp0, $4  }
0x3d: {  	[sflag:s14] =	ssyncset.done $0x0  }
0x3e: {  	[sflag:s14] =	ssyncadd.s32 $0xFFFFFC00  }
0x3f: {  	_ =	swait.ge [sflag:s15], $0x400  }
0x40: {  	s19 =	smov.u32 s22;
	s17 =	sadd.s32 $0x100, s17;
	[sflag:s15] =	ssyncset.done $0x0  }
0x41: {  	s19 =	sadd.s32 s18, s7;
	[sflag:s15] =	ssyncadd.s32 $0xFFFFFC00  }
0x42: {  	[tilespmem:s2], [sflag:$0x5] =	stream.linear.gather [hbm4b:s19+s2], $0x80, $0x38;
	[tilespmem:$0x900] =	vst v63  }
0x43: {  	_ =	swait.ge [sflag:s8], $0x80  }
0x44: {  	[sflag:s8] =	ssyncset.done $0x0  }
0x45: {  	[sflag:s8] =	ssyncadd.s32 $0xFFFFFF80  }
0x46: {  	[tilespmem:s10], [sflag:$0x1] =	stream.indirect.gather [hbm4b:s3+s9], $0x8, s2, s9, $0xb8;
	[tilespmem:$0x900] =	vst v63  }
0x47: {  	s30 =	sadd.s32 s18, s6  }
0x48: {  	[tilespmem:s9], [sflag:$0x5] =	stream.linear.gather [hbm4b:s30+s2], $0x80, $0x38;
	[tilespmem:$0x900] =	vst v63  }
0x49: {  	_ =	swait.ge [sflag:s8], $0x80  }
0x4a: {  	[sflag:s8] =	ssyncset.done $0x0  }
0x4b: {  	[sflag:s8] =	ssyncadd.s32 $0xFFFFFF80  }
0x4c: {  	[tilespmem:s11], [sflag:$0x2] =	stream.indirect.gather [hbm4b:s3+s9], $0x8, s9, s9, $0xb8;
	[tilespmem:$0x900] =	vst v63  }
0x4d: {  	_ =	swait.ge [sflag:s12], $0x400  }
0x4e: {  	[sflag:s12] =	ssyncset.done $0x0  }
0x4f: {  	s31 =	sadd.s32 $0xFFFFFF80, s17;
	[sflag:s12] =	ssyncadd.s32 $0xFFFFFC00  }
0x50: {  	[hbm4b:s31+s2] =	stream.linear.scatter [tilespmem:s10], [sflag:$0x3], $0x400, $0x38;
	[tilespmem:$0x900] =	vst v63  }
0x51: {  	_ =	swait.ge [sflag:s13], $0x400  }
0x52: {  	[sflag:s13] =	ssyncset.done $0x0  }
0x53: {  	s16 =	sadd.s32 $0x1, s16;
	[sflag:s13] =	ssyncadd.s32 $0xFFFFFC00  }
0x54: {  	[hbm4b:s17+s2] =	stream.linear.scatter [tilespmem:s11], [sflag:$0x4], $0x400, $0x38;
	[tilespmem:$0x900] =	vst v63  }
0x55: {  	p0 =	sne.s32 s16, s4;
	_ =	swait.ge [sflag:s14], $0x400  }
.Ltmp1:
0x56: {  	[sflag:s14] =	ssyncset.done $0x0;
	(pc) =	sbr.rel @p0 .LBB2_1-.Ltmp1, $4  }
0x57: {  	[sflag:s14] =	ssyncadd.s32 $0xFFFFFC00  }
0x58: {  	_ =	swait.ge [sflag:s15], $0x400  }
0x59: {  	[sflag:s15] =	ssyncset.done $0x0  }
0x5a: {  	[sflag:s15] =	ssyncadd.s32 $0xFFFFFC00  }
0x5b: {  	_ =	sfence.sel $0x180000  }
0x5c: {  	[bflag:$0x0] =	sbarrier.arrive $0xFFFF  }
0x5d: {  	p0 =	sne.s32 s1, $0x0;
	_ =	strace $0x90000047  }
0x5e: {  	s0 =	sadd.s32 @!p0 $0x100000, s0;
	[bflag:$0x2] =	sbarrier.arrive $0xFFFF  }
0x5f: {  	[sflag:s0] =	ssyncadd.tile.s32 @!p0 $0x1;
	_ =	shalt  }
.Lfunc_end2:
_tile_overlayer_lowered:
.L_overlay_start_2:
0x60: {  	(tag) =	ssettag $0x2  }
0x61: {  	s0 =	rddreg [dreg:$0x0];
	s2 =	stileid.u32  }
0x62: {  	s1 =	rddreg [dreg:$0x1];
	p0 =	sne.s32 s2, $0x0  }
0x63: {  	s3 =	rddreg [dreg:$0x2];
	[bflag:$0x3] =	sbarrier.arrive $0xFFFF;
	s2 =	simm.s32 @!p0 $0x1C05  }
0x64: {  	[timem:s3], [sflag:s2] =	dma.local @!p0 [hbm:s0], s1  }
0x65: {  	s0 =	simm.s32 @!p0 $0x5  }
0x66: {  	_ =	swait.ge @!p0 [sflag:s0], s1  }
0x67: {  	s1 =	ssub.s32 @!p0 $0x0, s1;
	[sflag:s0] =	ssyncset.done @!p0 $0x0  }
0x68: {  	[sflag:s0] =	ssyncadd.s32 @!p0 s1  }
0x69: {  	[bflag:$0x3] =	sbarrier.arrive $0xFFFF  }
0x6a: {  	_ =	shalt  }

// kernel: kernel.22.cloned.1.call-start
scs
__scs_entry_jumppad:
0x0: {  	(pc) =	sbr.rel $0x88, $3  }
0x1: {  	(tag) =	ssettag $0x0;
	lr =	simm.s32 $0x1  }
0x2: {  	[smem:$0x3F8C] =	sst lr;
	_ =	strace $0xD0000000  }
0x3: {  	_ = 	snop  }
0x4: {  	_ = 	snop  }
0x5: {  	_ = 	snop  }
0x6: {  	_ = 	snop  }
0x7: {  	_ = 	snop  }
__scs_overlays_trampoline_lowered:
0x8: {  	[smem:$0x3F9B] =	sst s0  }
0x9: {  	[smem:$0x3F9C] =	sst s1  }
0xa: {  	[smem:$0x3F9D] =	sst s2  }
0xb: {  	[smem:$0x3F9E] =	sst s3  }
0xc: {  	[smem:$0x3F9F] =	sst s4  }
0xd: {  	[smem:$0x3FA0] =	sst s5  }
0xe: {  	[smem:$0x3FA1] =	sst s6  }
0xf: {  	[smem:$0x3FA2] =	sst s7  }
0x10: {  	[smem:$0x3FA3] =	sst s8  }
0x11: {  	[smem:$0x3FA4] =	sst s9;
	s0 =	simm.s32 @!p0 $0x0  }
0x12: {  	s1 =	sld [smem:$0x3F8A];
	s0 =	simm.s32 @p0 $0x1  }
0x13: {  	[smem:$0x3FA5] =	sst s0;
	s0 =	simm.s32 @!p1 $0x0  }
0x14: {  	s2 =	sld [smem:$0x3F89];
	s0 =	simm.s32 @p1 $0x1  }
0x15: {  	[smem:$0x3FA6] =	sst s0;
	s0 =	simm.s32 @!p2 $0x0  }
0x16: {  	s3 =	sld [smem:$0x3FDB];
	s0 =	simm.s32 @p2 $0x1  }
0x17: {  	s4 =	simm.s32 $0x1BF5;
	[smem:$0x3FA8] =	sst s0  }
0x18: {  	s0 =	sld [smem:$0x3F8B];
	_ =	swait.ge [sflag:s4], $0x0  }
0x19: {  	s7 =	sld [smem:$0x3F8C]  }
0x1a: {  	s8 =	sadd.s32 $0xFFFFE003, lr  }
0x1b: {  	s9 =	sadd.s32 $0xFFFFFEF7, lr;
	s5 =	simm.s32 $0xFFFFFFFF;
	p2 =	slt.u32 s8, $0xFFFFF086  }
0x1c: {  	p1 =	slt.u32 s9, $0xF7A;
	s5 =	simm.s32 @!p2 $0x0  }
0x1d: {  	s5 =	simm.s32 @p1 $0x1;
	p0 =	seq.s32 s7, s2  }
0x1e: {  	s7 =	smul.u32 @!p0 $0xF7A, s2;
	p2 =	seq.s32 @!p0 s5, $0x0  }
0x1f: {  	s9 =	smul.u32 $0xF7A, s1;
	s8 =	simm.s32 @!p0 $0x1BF5;
	p2 =	por !p2, p0  }
0x20: {  	[sflag:s8] =	ssyncset.s32 @!p0 $0xFFFFF086;
	s6 =	sadd.s32 @!p0 s3, s7;
	s7 =	simm.s32 @!p0 $0x108  }
0x21: {  	s3 =	sadd.s32 s3, s9;
	s6 =	sadd.s32 @!p0 $0x88, s6;
	s7 =	simm.s32 @p2 $0x1082  }
0x22: {  	[simem:s7], [sflag:s8] =	dma.local @!p0 [hbm:s6], $0xF7A  }
0x23: {  	s9 =	sor.u32 $0xD0000000, s2;
	s6 =	simm.s32 $0x108;
	_ =	swait.ge @!p0 [sflag:s8], $0x0  }
0x24: {  	s3 =	sadd.s32 $0x88, s3;
	s6 =	simm.s32 @!p1 $0x1082;
	[sflag:s4] =	ssyncset.s32 $0xFFFFF086  }
0x25: {  	[simem:s6], [sflag:s4] =	dma.local [hbm:s3], $0xF7A  }
0x26: {  	[smem:$0x3F8C] =	sst s1;
	(tag) =	ssettag s2;
	_ =	strace s9  }
0x27: {  	s1 =	sld [smem:$0x3F9C]  }
0x28: {  	s2 =	sld [smem:$0x3F9D]  }
0x29: {  	s4 =	sld [smem:$0x3F9F]  }
0x2a: {  	p0 =	seq.s32 s5, $0x0;
	s5 =	sld [smem:$0x3FA0]  }
0x2b: {  	s6 =	sld [smem:$0x3FA1]  }
0x2c: {  	s7 =	sld [smem:$0x3FA2]  }
0x2d: {  	s3 =	simm.s32 $0x108;
	s8 =	sld [smem:$0x3FA3]  }
0x2e: {  	s3 =	simm.s32 @!p0 $0x1082;
	s9 =	sld [smem:$0x3FA4]  }
0x2f: {  	lr =	sadd.s32 s0, s3;
	s0 =	sld [smem:$0x3F9B]  }
0x30: {  	s3 =	sld [smem:$0x3F9E]  }
0x31: {  	[smem:$0x3FA7] =	sst s10  }
0x32: {  	s10 =	sld [smem:$0x3FA5];
	_ =	sdelay $0x3  }
0x33: {  	p0 =	seq.s32 s10, $0x1;
	s10 =	sld [smem:$0x3FA7];
	_ =	sdelay $0x3  }
0x34: {  	[smem:$0x3FA7] =	sst s10  }
0x35: {  	s10 =	sld [smem:$0x3FA6];
	_ =	sdelay $0x3  }
0x36: {  	p1 =	seq.s32 s10, $0x1;
	s10 =	sld [smem:$0x3FA7];
	_ =	sdelay $0x3  }
0x37: {  	[smem:$0x3FA7] =	sst s10  }
0x38: {  	s10 =	sld [smem:$0x3FA8]  }
0x39: {  	_ = 	snop;
	(pc) =	sbr.ind lr, $3  }
0x3a: {  	_ = 	snop  }
0x3b: {  	_ = 	snop  }
0x3c: {  	p2 =	seq.s32 s10, $0x1;
	s10 =	sld [smem:$0x3FA7]  }
0x3d: {  	_ =	shalt  }
0x3e: {  	_ =	shalt  }
0x3f: {  	_ =	shalt  }
0x40: {  	_ =	shalt  }
0x41: {  	_ =	shalt  }
0x42: {  	_ =	shalt  }
0x43: {  	_ =	shalt  }
0x44: {  	_ =	shalt  }
0x45: {  	_ =	shalt  }
0x46: {  	_ =	shalt  }
0x47: {  	_ =	shalt  }
0x48: {  	_ =	shalt  }
0x49: {  	_ =	shalt  }
0x4a: {  	_ =	shalt  }
0x4b: {  	_ =	shalt  }
0x4c: {  	_ =	shalt  }
0x4d: {  	_ =	shalt  }
0x4e: {  	_ =	shalt  }
0x4f: {  	_ =	shalt  }
0x50: {  	_ =	shalt  }
0x51: {  	_ =	shalt  }
0x52: {  	_ =	shalt  }
0x53: {  	_ =	shalt  }
0x54: {  	_ =	shalt  }
0x55: {  	_ =	shalt  }
0x56: {  	_ =	shalt  }
0x57: {  	_ =	shalt  }
0x58: {  	_ =	shalt  }
0x59: {  	_ =	shalt  }
0x5a: {  	_ =	shalt  }
0x5b: {  	_ =	shalt  }
0x5c: {  	_ =	shalt  }
0x5d: {  	_ =	shalt  }
0x5e: {  	_ =	shalt  }
0x5f: {  	_ =	shalt  }
0x60: {  	_ =	shalt  }
0x61: {  	_ =	shalt  }
0x62: {  	_ =	shalt  }
0x63: {  	_ =	shalt  }
0x64: {  	_ =	shalt  }
0x65: {  	_ =	shalt  }
0x66: {  	_ =	shalt  }
0x67: {  	_ =	shalt  }
0x68: {  	_ =	shalt  }
0x69: {  	_ =	shalt  }
0x6a: {  	_ =	shalt  }
0x6b: {  	_ =	shalt  }
0x6c: {  	_ =	shalt  }
0x6d: {  	_ =	shalt  }
0x6e: {  	_ =	shalt  }
0x6f: {  	_ =	shalt  }
0x70: {  	_ =	shalt  }
0x71: {  	_ =	shalt  }
0x72: {  	_ =	shalt  }
0x73: {  	_ =	shalt  }
0x74: {  	_ =	shalt  }
0x75: {  	_ =	shalt  }
0x76: {  	_ =	shalt  }
0x77: {  	_ =	shalt  }
0x78: {  	_ =	shalt  }
0x79: {  	_ =	shalt  }
0x7a: {  	_ =	shalt  }
0x7b: {  	_ =	shalt  }
0x7c: {  	_ =	shalt  }
0x7d: {  	_ =	shalt  }
0x7e: {  	_ =	shalt  }
0x7f: {  	_ =	shalt  }
0x80: {  	_ =	shalt  }
0x81: {  	_ =	shalt  }
0x82: {  	_ =	shalt  }
0x83: {  	_ =	shalt  }
0x84: {  	_ =	shalt  }
0x85: {  	_ =	shalt  }
0x86: {  	_ =	shalt  }
0x87: {  	_ =	shalt  }
.Lfunc_end0:
.L_simem_size_0:
called_computation.1_lowered:
.L_overlay_start_0:
0x88: {  	s2 =	sld [smem:$0x3FD9]  }
0x89: {  	s3 =	sld [smem:$0x3FFE];
	_ =	sdelay $0x1  }
0x8a: {  	s1 =	srdreg.scid  }
0x8b: {  	s0 =	sand.u32 $0x1, s1  }
0x8c: {  	s17 =	sshll.u32 s0, $0xA;
	s2 =	sadd.s32 s3, s2  }
0x8d: {  	s2 =	sadd.s32 s2, s17  }
0x8e: {  	[smem:$0x3FB3] =	sst s2  }
0x8f: {  	_ = 	snop  }
0x90: {  	s2 =	sld [smem:$0x3FD0];
	(tm) =	ssettm $0x1  }
0x91: {  	s18 =	sld [smem:$0x3FFB];
	_ =	sdelay $0x3  }
0x92: {  	_ =	strace s18  }
0x93: {  	s3 =	sld [smem:$0x3FFC];
	_ =	sdelay $0x3  }
0x94: {  	_ =	strace s3  }
0x95: {  	s3 =	sld [smem:$0x3FFD];
	_ =	sdelay $0x3  }
0x96: {  	_ =	strace s3  }
0x97: {  	_ =	strace $0x8FFFFFFF  }
0x98: {  	s19 =	sld [smem:$0x3FDB];
	_ =	sdelay $0x1  }
0x99: {  	s4 =	simm.s32 $_scs_section_size  }
0x9a: {  	s5 =	simm.s32 $_size__tile_overlayer_lowered;
	s6 =	simm.s32 $_tile_overlayer_lowered  }
0x9b: {  	s22 =	simm.s32 $0x1BFF;
	s21 =	sshll.u32 s6, $0x1;
	s3 =	sadd.s32 s4, s19  }
0x9c: {  	s7 =	simm.s32 $0x0;
	s20 =	sshll.u32 s5, $0x1;
	s5 =	sadd.s32 s21, s3  }
0x9d: {  	[timem:s7], [sflag:s22] =	dma.local [hbm:s5], s20  }
0x9e: {  	_ =	swait.ge [sflag:s22], s20  }
0x9f: {  	s4 =	ssub.s32 $0x0, s20;
	[sflag:s22] =	ssyncset.done $0x0  }
0xa0: {  	[sflag:s22] =	ssyncadd.s32 s4;
	_ =	sdelay $0x1  }
0xa1: {  	s23 =	simm.s32 $0x1B8B  }
0xa2: {  	_ =	swait.ge [sflag:s23], $0x1  }
0xa3: {  	[sflag:s23] =	ssyncset.done $0x0  }
0xa4: {  	s25 =	simm.s32 $0x1B8E;
	s24 =	sld [smem:$0x3FFE];
	[sflag:s23] =	ssyncadd.s32 $0xFFFFFFFF  }
0xa5: {  	s26 =	simm.s32 $execute0_lowered;
	[smem:$0x3FD2] =	sst s25  }
0xa6: {  	s5 =	sshll.u32 s26, $0x1;
	_ =	strace $0x80000049;
	[dreg:$0x1] =	wrdreg $0xFFFFFFFF  }
0xa7: {  	s28 =	simm.s32 $_size_execute0_lowered;
	s3 =	sadd.s32 s3, s5;
	[dreg:$0x0] =	wrdreg $0x0  }
0xa8: {  	s5 =	sshll.u32 s28, $0x1;
	[dreg:$0x2] =	wrdreg s3  }
0xa9: {  	[dreg:$0x3] =	wrdreg s5  }
0xaa: {  	[dreg:$0x4] =	wrdreg $0xC0  }
0xab: {  	_ =	task [dreg:s7], $0x5FFFF  }
0xac: {  	[dreg:$0x1] =	wrdreg $0xFFFFFFFF  }
0xad: {  	[dreg:$0x0] =	wrdreg $0x60  }
0xae: {  	[dreg:$0x2] =	wrdreg s2  }
0xaf: {  	[dreg:$0x3] =	wrdreg s24  }
0xb0: {  	[dreg:$0x4] =	wrdreg $0x9  }
0xb1: {  	_ =	task.clear_ibuf [dreg:s7], $0x5FFFF;
	_ =	strace $0x90000049  }
0xb2: {  	s29 =	simm.s32 $0x9;
	_ =	strace $0x8000004B  }
0xb3: {  	_ =	swait.ge [sflag:s29], $0x1  }
0xb4: {  	[sflag:s29] =	ssyncadd.s32 $0xFFFFFFFF  }
0xb5: {  	_ =	strace $0x9000004B  }
0xb6: {  	_ =	sfence  }
0xb7: {  	s30 =	sld [smem:$0x0];
	_ =	sdelay $0x2  }
0xb8: {  	s31 =	sshll.u32 s1, $0xD;
	s1 =	sshrl.u32 s1, $0x2  }
0xb9: {  	s3 =	sand.u32 $0x4000, s31;
	s1 =	sadd.s32 s1, s30  }
0xba: {  	s0 =	sor.u32 s3, s0;
	s1 =	sshll.u32 s1, $0x11  }
0xbb: {  	s0 =	sor.u32 s1, s0  }
0xbc: {  	s0 =	sadd.s32 $0x8F2B, s0  }
0xbd: {  	[sflag:s0] =	ssyncadd.remote.s32 $0x1  }
0xbe: {  	_ =	sfence.sel $0xFFFF  }
0xbf: {  	[dreg:$0x0] =	wrdreg $0xFFFFFFFF;
	(pc) =	sbr.abs _section_cstart, $3  }
0xc0: {  	[dreg:$0x1] =	wrdreg $0xFFFFFFFF  }
0xc1: {  	_ =	task.clear_ibuf [dreg:s7], $0x2FFFF;
	_ =	strace $0x9FFFFFFF  }
0xc2: {  	(tm) =	ssettm $0x7FFFFFFF  }
0xc3: {  	_ =	shalt  }
tec
execute0_lowered:
.L_overlay_start_1:
0x0: {  	(tag) =	ssettag $0x1  }
0x1: {  	s2 =	rddreg [dreg:$0x0]  }
0x2: {  	s4 =	rddreg [dreg:$0x1]  }
0x3: {  	s0 =	rddreg [dreg:$0x2]  }
0x4: {  	s5 =	srdreg.scid;
	s1 =	stileid.u32  }
0x5: {  	s3 =	simm.s32 $0x0;
	s13 =	simm.s32 $0x1;
	s14 =	simm.s32 $0x2  }
0x6: {  	s15 =	simm.s32 $0x3;
	s16 =	simm.s32 $0x4;
	s17 =	simm.s32 $0x0  }
0x7: {  	s6 =	sand.u32 $0x1, s5;
	s25 =	smul.u32 $0xA00, s1;
	[smem:$0x7FF] =	sst s3  }
0x8: {  	s8 =	sadd.s32 $0x4600, s4;
	s10 =	sadd.s32 $0x5A00, s4;
	s7 =	smul.u32 $0x500, s6  }
0x9: {  	s29 =	smul.u32 $0x5000, s1;
	_ =	strace $0x8000004A;
	s9 =	ssub.s32 $0x2, s6  }
0xa: {  	s12 =	smul.u32 $0x2800, s6;
	s26 =	sshrl.u32 s9, $0x1;
	s7 =	sadd.s32 s7, s25  }
0xb: {  	s4 =	ssub.s32 s9, s26;
	s9 =	sadd.s32 s29, s10;
	s11 =	sor.u32 $0x80, s7  }
0xc: {  	s4 =	smax.u32 s4, $0x1;
	s31 =	sshrl.u32 s7, $0x3;
	s7 =	sadd.s32 s12, s9  }
0xd: {  	s9 =	simm.s32 $0x5;
	s12 =	simm.s32 $0x2100;
	s28 =	sshll.u32 s11, $0x3  }
0xe: {  	s30 =	sshrl.u32 s11, $0x3;
	s11 =	simm.s32 $0x100;
	s5 =	sadd.s32 s28, s10  }
0xf: {  	s6 =	sadd.s32 s30, s8;
	s8 =	sadd.s32 s31, s8;
	s10 =	simm.s32 $0x80  }
.LBB2_1:
0x10: {  	s18 =	sadd.s32 $0x0, s8  }
0x11: {  	[tilespmem:s3], [sflag:$0x5] =	stream.linear.gather [hbm4b:s18+s3], $0x80, $0x38;
	[tilespmem:$0x4100] =	vst v63  }
0x12: {  	_ =	swait.ge [sflag:s9], $0x80  }
0x13: {  	[sflag:s9] =	ssyncset.done $0x0  }
0x14: {  	[sflag:s9] =	ssyncadd.s32 $0xFFFFFF80  }
0x15: {  	[tilespmem:s11], [sflag:$0x1] =	stream.indirect.gather [hbm4b:s2+s10], $0x40, s3, s10, $0xb8;
	[tilespmem:$0x4100] =	vst v63  }
0x16: {  	s31 =	sadd.s32 $0x0, s6  }
0x17: {  	[tilespmem:s10], [sflag:$0x5] =	stream.linear.gather [hbm4b:s31+s3], $0x80, $0x38;
	[tilespmem:$0x4100] =	vst v63  }
0x18: {  	_ =	swait.ge [sflag:s9], $0x80  }
0x19: {  	[sflag:s9] =	ssyncset.done $0x0  }
0x1a: {  	[sflag:s9] =	ssyncadd.s32 $0xFFFFFF80  }
0x1b: {  	[tilespmem:s12], [sflag:$0x2] =	stream.indirect.gather [hbm4b:s2+s10], $0x40, s10, s10, $0xb8;
	[tilespmem:$0x4100] =	vst v63  }
0x1c: {  	_ =	swait.ge [sflag:s13], $0x2000  }
0x1d: {  	[sflag:s13] =	ssyncset.done $0x0  }
0x1e: {  	[sflag:s13] =	ssyncadd.s32 $0xFFFFE000  }
0x1f: {  	[hbm4b:s7+s3] =	stream.linear.scatter [tilespmem:s11], [sflag:$0x3], $0x2000, $0x38;
	[tilespmem:$0x4100] =	vst v63  }
0x20: {  	_ =	swait.ge [sflag:s14], $0x2000  }
0x21: {  	[sflag:s14] =	ssyncset.done $0x0  }
0x22: {  	[sflag:s14] =	ssyncadd.s32 $0xFFFFE000  }
0x23: {  	[hbm4b:s5+s3] =	stream.linear.scatter [tilespmem:s12], [sflag:$0x4], $0x2000, $0x38;
	[tilespmem:$0x4100] =	vst v63  }
0x24: {  	_ =	swait.ge [sflag:s15], $0x2000  }
0x25: {  	[sflag:s15] =	ssyncset.done $0x0  }
0x26: {  	[sflag:s15] =	ssyncadd.s32 $0xFFFFE000  }
0x27: {  	s20 =	simm.s32 $0x20;
	s21 =	simm.s32 $0x40;
	_ =	swait.ge [sflag:s16], $0x2000  }
0x28: {  	s19 =	sadd.s32 $0x800, s7;
	s18 =	sadd.s32 $0x800, s5;
	[sflag:s16] =	ssyncset.done $0x0  }
.LBB2_2:
0x29: {  	s22 =	sadd.s32 s20, s8  }
0x2a: {  	[sflag:s16] =	ssyncadd.s32 $0xFFFFE000;
	s23 =	smov.u32 s21;
	s24 =	sadd.s32 $0x20, s21  }
0x2b: {  	[tilespmem:s3], [sflag:$0x5] =	stream.linear.gather [hbm4b:s22+s3], $0x80, $0x38;
	[tilespmem:$0x4100] =	vst v63  }
0x2c: {  	p0 =	sne.s32 s21, $0x80;
	_ =	swait.ge [sflag:s9], $0x80  }
0x2d: {  	[sflag:s9] =	ssyncset.done $0x0  }
0x2e: {  	[sflag:s9] =	ssyncadd.s32 $0xFFFFFF80  }
0x2f: {  	[tilespmem:s11], [sflag:$0x1] =	stream.indirect.gather [hbm4b:s2+s10], $0x40, s3, s10, $0xb8;
	[tilespmem:$0x4100] =	vst v63  }
0x30: {  	s21 =	sadd.s32 s20, s6;
	s20 =	smov.u32 s23  }
0x31: {  	[tilespmem:s10], [sflag:$0x5] =	stream.linear.gather [hbm4b:s21+s3], $0x80, $0x38;
	[tilespmem:$0x4100] =	vst v63  }
0x32: {  	_ =	swait.ge [sflag:s9], $0x80  }
0x33: {  	[sflag:s9] =	ssyncset.done $0x0  }
0x34: {  	[sflag:s9] =	ssyncadd.s32 $0xFFFFFF80  }
0x35: {  	[tilespmem:s12], [sflag:$0x2] =	stream.indirect.gather [hbm4b:s2+s10], $0x40, s10, s10, $0xb8;
	[tilespmem:$0x4100] =	vst v63  }
0x36: {  	_ =	swait.ge [sflag:s13], $0x2000  }
0x37: {  	[sflag:s13] =	ssyncset.done $0x0  }
0x38: {  	[sflag:s13] =	ssyncadd.s32 $0xFFFFE000  }
0x39: {  	[hbm4b:s19+s3] =	stream.linear.scatter [tilespmem:s11], [sflag:$0x3], $0x2000, $0x38;
	[tilespmem:$0x4100] =	vst v63  }
0x3a: {  	_ =	swait.ge [sflag:s14], $0x2000  }
0x3b: {  	[sflag:s14] =	ssyncset.done $0x0  }
0x3c: {  	[sflag:s14] =	ssyncadd.s32 $0xFFFFE000  }
0x3d: {  	[hbm4b:s18+s3] =	stream.linear.scatter [tilespmem:s12], [sflag:$0x4], $0x2000, $0x38;
	[tilespmem:$0x4100] =	vst v63  }
.Ltmp0:
0x3e: {  	_ =	swait.ge [sflag:s15], $0x2000;
	(pc) =	sbr.rel @p0 .LBB2_2-.Ltmp0, $4  }
0x3f: {  	[sflag:s15] =	ssyncset.done $0x0  }
0x40: {  	[sflag:s15] =	ssyncadd.s32 $0xFFFFE000  }
0x41: {  	s21 =	smov.u32 s24;
	_ =	swait.ge [sflag:s16], $0x2000  }
0x42: {  	s19 =	sadd.s32 $0x800, s19;
	s18 =	sadd.s32 $0x800, s18;
	[sflag:s16] =	ssyncset.done $0x0  }
0x43: {  	s21 =	sadd.s32 s20, s8;
	[sflag:s16] =	ssyncadd.s32 $0xFFFFE000  }
0x44: {  	[tilespmem:s3], [sflag:$0x5] =	stream.linear.gather [hbm4b:s21+s3], $0x80, $0x38;
	[tilespmem:$0x4100] =	vst v63  }
0x45: {  	_ =	swait.ge [sflag:s9], $0x80  }
0x46: {  	[sflag:s9] =	ssyncset.done $0x0  }
0x47: {  	[sflag:s9] =	ssyncadd.s32 $0xFFFFFF80  }
0x48: {  	[tilespmem:s11], [sflag:$0x1] =	stream.indirect.gather [hbm4b:s2+s10], $0x40, s3, s10, $0xb8;
	[tilespmem:$0x4100] =	vst v63  }
0x49: {  	s31 =	sadd.s32 s20, s6  }
0x4a: {  	[tilespmem:s10], [sflag:$0x5] =	stream.linear.gather [hbm4b:s31+s3], $0x80, $0x38;
	[tilespmem:$0x4100] =	vst v63  }
0x4b: {  	_ =	swait.ge [sflag:s9], $0x80  }
0x4c: {  	[sflag:s9] =	ssyncset.done $0x0  }
0x4d: {  	[sflag:s9] =	ssyncadd.s32 $0xFFFFFF80  }
0x4e: {  	[tilespmem:s12], [sflag:$0x2] =	stream.indirect.gather [hbm4b:s2+s10], $0x40, s10, s10, $0xb8;
	[tilespmem:$0x4100] =	vst v63  }
0x4f: {  	_ =	swait.ge [sflag:s13], $0x2000  }
0x50: {  	[sflag:s13] =	ssyncset.done $0x0  }
0x51: {  	[sflag:s13] =	ssyncadd.s32 $0xFFFFE000  }
0x52: {  	[hbm4b:s19+s3] =	stream.linear.scatter [tilespmem:s11], [sflag:$0x3], $0x2000, $0x38;
	[tilespmem:$0x4100] =	vst v63  }
0x53: {  	_ =	swait.ge [sflag:s14], $0x2000  }
0x54: {  	[sflag:s14] =	ssyncset.done $0x0  }
0x55: {  	s17 =	sadd.s32 $0x1, s17;
	[sflag:s14] =	ssyncadd.s32 $0xFFFFE000  }
0x56: {  	[hbm4b:s18+s3] =	stream.linear.scatter [tilespmem:s12], [sflag:$0x4], $0x2000, $0x38;
	[tilespmem:$0x4100] =	vst v63  }
0x57: {  	p0 =	sne.s32 s17, s4;
	_ =	swait.ge [sflag:s15], $0x2000  }
.Ltmp1:
0x58: {  	[sflag:s15] =	ssyncset.done $0x0;
	(pc) =	sbr.rel @p0 .LBB2_1-.Ltmp1, $4  }
0x59: {  	[sflag:s15] =	ssyncadd.s32 $0xFFFFE000  }
0x5a: {  	_ =	swait.ge [sflag:s16], $0x2000  }
0x5b: {  	[sflag:s16] =	ssyncset.done $0x0  }
0x5c: {  	[sflag:s16] =	ssyncadd.s32 $0xFFFFE000  }
0x5d: {  	_ =	sfence.sel $0x180000  }
0x5e: {  	[bflag:$0x0] =	sbarrier.arrive $0xFFFF  }
0x5f: {  	p0 =	sne.s32 s1, $0x0;
	_ =	strace $0x9000004A  }
0x60: {  	s0 =	sadd.s32 @!p0 $0x100000, s0;
	[bflag:$0x2] =	sbarrier.arrive $0xFFFF  }
0x61: {  	[sflag:s0] =	ssyncadd.tile.s32 @!p0 $0x1;
	_ =	shalt  }
.Lfunc_end2:
_tile_overlayer_lowered:
.L_overlay_start_2:
0x62: {  	(tag) =	ssettag $0x2  }
0x63: {  	s0 =	rddreg [dreg:$0x0];
	s2 =	stileid.u32  }
0x64: {  	s1 =	rddreg [dreg:$0x1];
	p0 =	sne.s32 s2, $0x0  }
0x65: {  	s3 =	rddreg [dreg:$0x2];
	[bflag:$0x3] =	sbarrier.arrive $0xFFFF;
	s2 =	simm.s32 @!p0 $0x1C05  }
0x66: {  	[timem:s3], [sflag:s2] =	dma.local @!p0 [hbm:s0], s1  }
0x67: {  	s0 =	simm.s32 @!p0 $0x5  }
0x68: {  	_ =	swait.ge @!p0 [sflag:s0], s1  }
0x69: {  	s1 =	ssub.s32 @!p0 $0x0, s1;
	[sflag:s0] =	ssyncset.done @!p0 $0x0  }
0x6a: {  	[sflag:s0] =	ssyncadd.s32 @!p0 s1  }
0x6b: {  	[bflag:$0x3] =	sbarrier.arrive $0xFFFF  }
0x6c: {  	_ =	shalt  }

// kernel: kernel.25.cloned.1.call-start
scs
__scs_entry_jumppad:
0x0: {  	(pc) =	sbr.rel $0x88, $3  }
0x1: {  	(tag) =	ssettag $0x0;
	lr =	simm.s32 $0x1  }
0x2: {  	[smem:$0x3F8C] =	sst lr;
	_ =	strace $0xD0000000  }
0x3: {  	_ = 	snop  }
0x4: {  	_ = 	snop  }
0x5: {  	_ = 	snop  }
0x6: {  	_ = 	snop  }
0x7: {  	_ = 	snop  }
__scs_overlays_trampoline_lowered:
0x8: {  	[smem:$0x3F9B] =	sst s0  }
0x9: {  	[smem:$0x3F9C] =	sst s1  }
0xa: {  	[smem:$0x3F9D] =	sst s2  }
0xb: {  	[smem:$0x3F9E] =	sst s3  }
0xc: {  	[smem:$0x3F9F] =	sst s4  }
0xd: {  	[smem:$0x3FA0] =	sst s5  }
0xe: {  	[smem:$0x3FA1] =	sst s6  }
0xf: {  	[smem:$0x3FA2] =	sst s7  }
0x10: {  	[smem:$0x3FA3] =	sst s8  }
0x11: {  	[smem:$0x3FA4] =	sst s9;
	s0 =	simm.s32 @!p0 $0x0  }
0x12: {  	s1 =	sld [smem:$0x3F8A];
	s0 =	simm.s32 @p0 $0x1  }
0x13: {  	[smem:$0x3FA5] =	sst s0;
	s0 =	simm.s32 @!p1 $0x0  }
0x14: {  	s2 =	sld [smem:$0x3F89];
	s0 =	simm.s32 @p1 $0x1  }
0x15: {  	[smem:$0x3FA6] =	sst s0;
	s0 =	simm.s32 @!p2 $0x0  }
0x16: {  	s3 =	sld [smem:$0x3FDB];
	s0 =	simm.s32 @p2 $0x1  }
0x17: {  	s4 =	simm.s32 $0x1BF5;
	[smem:$0x3FA8] =	sst s0  }
0x18: {  	s0 =	sld [smem:$0x3F8B];
	_ =	swait.ge [sflag:s4], $0x0  }
0x19: {  	s7 =	sld [smem:$0x3F8C]  }
0x1a: {  	s8 =	sadd.s32 $0xFFFFE003, lr  }
0x1b: {  	s9 =	sadd.s32 $0xFFFFFEF7, lr;
	s5 =	simm.s32 $0xFFFFFFFF;
	p2 =	slt.u32 s8, $0xFFFFF086  }
0x1c: {  	p1 =	slt.u32 s9, $0xF7A;
	s5 =	simm.s32 @!p2 $0x0  }
0x1d: {  	s5 =	simm.s32 @p1 $0x1;
	p0 =	seq.s32 s7, s2  }
0x1e: {  	s7 =	smul.u32 @!p0 $0xF7A, s2;
	p2 =	seq.s32 @!p0 s5, $0x0  }
0x1f: {  	s9 =	smul.u32 $0xF7A, s1;
	s8 =	simm.s32 @!p0 $0x1BF5;
	p2 =	por !p2, p0  }
0x20: {  	[sflag:s8] =	ssyncset.s32 @!p0 $0xFFFFF086;
	s6 =	sadd.s32 @!p0 s3, s7;
	s7 =	simm.s32 @!p0 $0x108  }
0x21: {  	s3 =	sadd.s32 s3, s9;
	s6 =	sadd.s32 @!p0 $0x88, s6;
	s7 =	simm.s32 @p2 $0x1082  }
0x22: {  	[simem:s7], [sflag:s8] =	dma.local @!p0 [hbm:s6], $0xF7A  }
0x23: {  	s9 =	sor.u32 $0xD0000000, s2;
	s6 =	simm.s32 $0x108;
	_ =	swait.ge @!p0 [sflag:s8], $0x0  }
0x24: {  	s3 =	sadd.s32 $0x88, s3;
	s6 =	simm.s32 @!p1 $0x1082;
	[sflag:s4] =	ssyncset.s32 $0xFFFFF086  }
0x25: {  	[simem:s6], [sflag:s4] =	dma.local [hbm:s3], $0xF7A  }
0x26: {  	[smem:$0x3F8C] =	sst s1;
	(tag) =	ssettag s2;
	_ =	strace s9  }
0x27: {  	s1 =	sld [smem:$0x3F9C]  }
0x28: {  	s2 =	sld [smem:$0x3F9D]  }
0x29: {  	s4 =	sld [smem:$0x3F9F]  }
0x2a: {  	p0 =	seq.s32 s5, $0x0;
	s5 =	sld [smem:$0x3FA0]  }
0x2b: {  	s6 =	sld [smem:$0x3FA1]  }
0x2c: {  	s7 =	sld [smem:$0x3FA2]  }
0x2d: {  	s3 =	simm.s32 $0x108;
	s8 =	sld [smem:$0x3FA3]  }
0x2e: {  	s3 =	simm.s32 @!p0 $0x1082;
	s9 =	sld [smem:$0x3FA4]  }
0x2f: {  	lr =	sadd.s32 s0, s3;
	s0 =	sld [smem:$0x3F9B]  }
0x30: {  	s3 =	sld [smem:$0x3F9E]  }
0x31: {  	[smem:$0x3FA7] =	sst s10  }
0x32: {  	s10 =	sld [smem:$0x3FA5];
	_ =	sdelay $0x3  }
0x33: {  	p0 =	seq.s32 s10, $0x1;
	s10 =	sld [smem:$0x3FA7];
	_ =	sdelay $0x3  }
0x34: {  	[smem:$0x3FA7] =	sst s10  }
0x35: {  	s10 =	sld [smem:$0x3FA6];
	_ =	sdelay $0x3  }
0x36: {  	p1 =	seq.s32 s10, $0x1;
	s10 =	sld [smem:$0x3FA7];
	_ =	sdelay $0x3  }
0x37: {  	[smem:$0x3FA7] =	sst s10  }
0x38: {  	s10 =	sld [smem:$0x3FA8]  }
0x39: {  	_ = 	snop;
	(pc) =	sbr.ind lr, $3  }
0x3a: {  	_ = 	snop  }
0x3b: {  	_ = 	snop  }
0x3c: {  	p2 =	seq.s32 s10, $0x1;
	s10 =	sld [smem:$0x3FA7]  }
0x3d: {  	_ =	shalt  }
0x3e: {  	_ =	shalt  }
0x3f: {  	_ =	shalt  }
0x40: {  	_ =	shalt  }
0x41: {  	_ =	shalt  }
0x42: {  	_ =	shalt  }
0x43: {  	_ =	shalt  }
0x44: {  	_ =	shalt  }
0x45: {  	_ =	shalt  }
0x46: {  	_ =	shalt  }
0x47: {  	_ =	shalt  }
0x48: {  	_ =	shalt  }
0x49: {  	_ =	shalt  }
0x4a: {  	_ =	shalt  }
0x4b: {  	_ =	shalt  }
0x4c: {  	_ =	shalt  }
0x4d: {  	_ =	shalt  }
0x4e: {  	_ =	shalt  }
0x4f: {  	_ =	shalt  }
0x50: {  	_ =	shalt  }
0x51: {  	_ =	shalt  }
0x52: {  	_ =	shalt  }
0x53: {  	_ =	shalt  }
0x54: {  	_ =	shalt  }
0x55: {  	_ =	shalt  }
0x56: {  	_ =	shalt  }
0x57: {  	_ =	shalt  }
0x58: {  	_ =	shalt  }
0x59: {  	_ =	shalt  }
0x5a: {  	_ =	shalt  }
0x5b: {  	_ =	shalt  }
0x5c: {  	_ =	shalt  }
0x5d: {  	_ =	shalt  }
0x5e: {  	_ =	shalt  }
0x5f: {  	_ =	shalt  }
0x60: {  	_ =	shalt  }
0x61: {  	_ =	shalt  }
0x62: {  	_ =	shalt  }
0x63: {  	_ =	shalt  }
0x64: {  	_ =	shalt  }
0x65: {  	_ =	shalt  }
0x66: {  	_ =	shalt  }
0x67: {  	_ =	shalt  }
0x68: {  	_ =	shalt  }
0x69: {  	_ =	shalt  }
0x6a: {  	_ =	shalt  }
0x6b: {  	_ =	shalt  }
0x6c: {  	_ =	shalt  }
0x6d: {  	_ =	shalt  }
0x6e: {  	_ =	shalt  }
0x6f: {  	_ =	shalt  }
0x70: {  	_ =	shalt  }
0x71: {  	_ =	shalt  }
0x72: {  	_ =	shalt  }
0x73: {  	_ =	shalt  }
0x74: {  	_ =	shalt  }
0x75: {  	_ =	shalt  }
0x76: {  	_ =	shalt  }
0x77: {  	_ =	shalt  }
0x78: {  	_ =	shalt  }
0x79: {  	_ =	shalt  }
0x7a: {  	_ =	shalt  }
0x7b: {  	_ =	shalt  }
0x7c: {  	_ =	shalt  }
0x7d: {  	_ =	shalt  }
0x7e: {  	_ =	shalt  }
0x7f: {  	_ =	shalt  }
0x80: {  	_ =	shalt  }
0x81: {  	_ =	shalt  }
0x82: {  	_ =	shalt  }
0x83: {  	_ =	shalt  }
0x84: {  	_ =	shalt  }
0x85: {  	_ =	shalt  }
0x86: {  	_ =	shalt  }
0x87: {  	_ =	shalt  }
.Lfunc_end0:
.L_simem_size_0:
called_computation.2_lowered:
.L_overlay_start_0:
0x88: {  	s2 =	sld [smem:$0x3FD9]  }
0x89: {  	s3 =	sld [smem:$0x3FFE];
	_ =	sdelay $0x1  }
0x8a: {  	s1 =	srdreg.scid  }
0x8b: {  	s0 =	sand.u32 $0x1, s1  }
0x8c: {  	s17 =	sshll.u32 s0, $0xA;
	s2 =	sadd.s32 s3, s2  }
0x8d: {  	s2 =	sadd.s32 s2, s17  }
0x8e: {  	[smem:$0x3FB3] =	sst s2  }
0x8f: {  	_ = 	snop  }
0x90: {  	s2 =	sld [smem:$0x3FD0];
	(tm) =	ssettm $0x1  }
0x91: {  	s18 =	sld [smem:$0x3FFB];
	_ =	sdelay $0x3  }
0x92: {  	_ =	strace s18  }
0x93: {  	s3 =	sld [smem:$0x3FFC];
	_ =	sdelay $0x3  }
0x94: {  	_ =	strace s3  }
0x95: {  	s3 =	sld [smem:$0x3FFD];
	_ =	sdelay $0x3  }
0x96: {  	_ =	strace s3  }
0x97: {  	_ =	strace $0x8FFFFFFF  }
0x98: {  	s19 =	sld [smem:$0x3FDB];
	_ =	sdelay $0x1  }
0x99: {  	s4 =	simm.s32 $_scs_section_size  }
0x9a: {  	s5 =	simm.s32 $_size__tile_overlayer_lowered;
	s6 =	simm.s32 $_tile_overlayer_lowered  }
0x9b: {  	s22 =	simm.s32 $0x1BFF;
	s21 =	sshll.u32 s6, $0x1;
	s3 =	sadd.s32 s4, s19  }
0x9c: {  	s7 =	simm.s32 $0x0;
	s20 =	sshll.u32 s5, $0x1;
	s5 =	sadd.s32 s21, s3  }
0x9d: {  	[timem:s7], [sflag:s22] =	dma.local [hbm:s5], s20  }
0x9e: {  	_ =	swait.ge [sflag:s22], s20  }
0x9f: {  	s4 =	ssub.s32 $0x0, s20;
	[sflag:s22] =	ssyncset.done $0x0  }
0xa0: {  	[sflag:s22] =	ssyncadd.s32 s4;
	_ =	sdelay $0x1  }
0xa1: {  	s23 =	simm.s32 $0x1B8B  }
0xa2: {  	_ =	swait.ge [sflag:s23], $0x1  }
0xa3: {  	[sflag:s23] =	ssyncset.done $0x0  }
0xa4: {  	s25 =	simm.s32 $0x1B8E;
	s24 =	sld [smem:$0x3FFE];
	[sflag:s23] =	ssyncadd.s32 $0xFFFFFFFF  }
0xa5: {  	s26 =	simm.s32 $execute0_lowered;
	[smem:$0x3FD2] =	sst s25  }
0xa6: {  	s5 =	sshll.u32 s26, $0x1;
	_ =	strace $0x8000004C;
	[dreg:$0x1] =	wrdreg $0xFFFFFFFF  }
0xa7: {  	s28 =	simm.s32 $_size_execute0_lowered;
	s3 =	sadd.s32 s3, s5;
	[dreg:$0x0] =	wrdreg $0x0  }
0xa8: {  	s5 =	sshll.u32 s28, $0x1;
	[dreg:$0x2] =	wrdreg s3  }
0xa9: {  	[dreg:$0x3] =	wrdreg s5  }
0xaa: {  	[dreg:$0x4] =	wrdreg $0xC0  }
0xab: {  	_ =	task [dreg:s7], $0x5FFFF  }
0xac: {  	[dreg:$0x1] =	wrdreg $0xFFFFFFFF  }
0xad: {  	[dreg:$0x0] =	wrdreg $0x60  }
0xae: {  	[dreg:$0x2] =	wrdreg s2  }
0xaf: {  	[dreg:$0x3] =	wrdreg s24  }
0xb0: {  	[dreg:$0x4] =	wrdreg $0x9  }
0xb1: {  	_ =	task.clear_ibuf [dreg:s7], $0x5FFFF;
	_ =	strace $0x9000004C  }
0xb2: {  	s29 =	simm.s32 $0x9;
	_ =	strace $0x8000004E  }
0xb3: {  	_ =	swait.ge [sflag:s29], $0x1  }
0xb4: {  	[sflag:s29] =	ssyncadd.s32 $0xFFFFFFFF  }
0xb5: {  	_ =	strace $0x9000004E  }
0xb6: {  	_ =	sfence  }
0xb7: {  	s30 =	sld [smem:$0x0];
	_ =	sdelay $0x2  }
0xb8: {  	s31 =	sshll.u32 s1, $0xD;
	s1 =	sshrl.u32 s1, $0x2  }
0xb9: {  	s3 =	sand.u32 $0x4000, s31;
	s1 =	sadd.s32 s1, s30  }
0xba: {  	s0 =	sor.u32 s3, s0;
	s1 =	sshll.u32 s1, $0x11  }
0xbb: {  	s0 =	sor.u32 s1, s0  }
0xbc: {  	s0 =	sadd.s32 $0x8F2B, s0  }
0xbd: {  	[sflag:s0] =	ssyncadd.remote.s32 $0x1  }
0xbe: {  	_ =	sfence.sel $0xFFFF  }
0xbf: {  	[dreg:$0x0] =	wrdreg $0xFFFFFFFF;
	(pc) =	sbr.abs _section_cstart, $3  }
0xc0: {  	[dreg:$0x1] =	wrdreg $0xFFFFFFFF  }
0xc1: {  	_ =	task.clear_ibuf [dreg:s7], $0x2FFFF;
	_ =	strace $0x9FFFFFFF  }
0xc2: {  	(tm) =	ssettm $0x7FFFFFFF  }
0xc3: {  	_ =	shalt  }
tec
execute0_lowered:
.L_overlay_start_1:
0x0: {  	(tag) =	ssettag $0x1  }
0x1: {  	s2 =	rddreg [dreg:$0x0]  }
0x2: {  	s4 =	rddreg [dreg:$0x1]  }
0x3: {  	s0 =	rddreg [dreg:$0x2]  }
0x4: {  	s5 =	srdreg.scid;
	s1 =	stileid.u32  }
0x5: {  	s3 =	simm.s32 $0x0;
	s13 =	simm.s32 $0x1;
	s14 =	simm.s32 $0x2  }
0x6: {  	s15 =	simm.s32 $0x3;
	s16 =	simm.s32 $0x4;
	s17 =	simm.s32 $0x0  }
0x7: {  	s6 =	sand.u32 $0x1, s5;
	s25 =	smul.u32 $0xA00, s1;
	[smem:$0x7FF] =	sst s3  }
0x8: {  	s8 =	sadd.s32 $0x4600, s4;
	s10 =	sadd.s32 $0x5A00, s4;
	s7 =	smul.u32 $0x500, s6  }
0x9: {  	s29 =	smul.u32 $0x5000, s1;
	_ =	strace $0x8000004D;
	s9 =	ssub.s32 $0x2, s6  }
0xa: {  	s12 =	smul.u32 $0x2800, s6;
	s26 =	sshrl.u32 s9, $0x1;
	s7 =	sadd.s32 s7, s25  }
0xb: {  	s4 =	ssub.s32 s9, s26;
	s9 =	sadd.s32 s29, s10;
	s11 =	sor.u32 $0x80, s7  }
0xc: {  	s4 =	smax.u32 s4, $0x1;
	s31 =	sshrl.u32 s7, $0x3;
	s7 =	sadd.s32 s12, s9  }
0xd: {  	s9 =	simm.s32 $0x5;
	s12 =	simm.s32 $0x2100;
	s28 =	sshll.u32 s11, $0x3  }
0xe: {  	s30 =	sshrl.u32 s11, $0x3;
	s11 =	simm.s32 $0x100;
	s5 =	sadd.s32 s28, s10  }
0xf: {  	s6 =	sadd.s32 s30, s8;
	s8 =	sadd.s32 s31, s8;
	s10 =	simm.s32 $0x80  }
.LBB2_1:
0x10: {  	s18 =	sadd.s32 $0x0, s8  }
0x11: {  	[tilespmem:s3], [sflag:$0x5] =	stream.linear.gather [hbm4b:s18+s3], $0x80, $0x38;
	[tilespmem:$0x4100] =	vst v63  }
0x12: {  	_ =	swait.ge [sflag:s9], $0x80  }
0x13: {  	[sflag:s9] =	ssyncset.done $0x0  }
0x14: {  	[sflag:s9] =	ssyncadd.s32 $0xFFFFFF80  }
0x15: {  	[tilespmem:s11], [sflag:$0x1] =	stream.indirect.gather [hbm4b:s2+s10], $0x40, s3, s10, $0xb8;
	[tilespmem:$0x4100] =	vst v63  }
0x16: {  	s31 =	sadd.s32 $0x0, s6  }
0x17: {  	[tilespmem:s10], [sflag:$0x5] =	stream.linear.gather [hbm4b:s31+s3], $0x80, $0x38;
	[tilespmem:$0x4100] =	vst v63  }
0x18: {  	_ =	swait.ge [sflag:s9], $0x80  }
0x19: {  	[sflag:s9] =	ssyncset.done $0x0  }
0x1a: {  	[sflag:s9] =	ssyncadd.s32 $0xFFFFFF80  }
0x1b: {  	[tilespmem:s12], [sflag:$0x2] =	stream.indirect.gather [hbm4b:s2+s10], $0x40, s10, s10, $0xb8;
	[tilespmem:$0x4100] =	vst v63  }
0x1c: {  	_ =	swait.ge [sflag:s13], $0x2000  }
0x1d: {  	[sflag:s13] =	ssyncset.done $0x0  }
0x1e: {  	[sflag:s13] =	ssyncadd.s32 $0xFFFFE000  }
0x1f: {  	[hbm4b:s7+s3] =	stream.linear.scatter [tilespmem:s11], [sflag:$0x3], $0x2000, $0x38;
	[tilespmem:$0x4100] =	vst v63  }
0x20: {  	_ =	swait.ge [sflag:s14], $0x2000  }
0x21: {  	[sflag:s14] =	ssyncset.done $0x0  }
0x22: {  	[sflag:s14] =	ssyncadd.s32 $0xFFFFE000  }
0x23: {  	[hbm4b:s5+s3] =	stream.linear.scatter [tilespmem:s12], [sflag:$0x4], $0x2000, $0x38;
	[tilespmem:$0x4100] =	vst v63  }
0x24: {  	_ =	swait.ge [sflag:s15], $0x2000  }
0x25: {  	[sflag:s15] =	ssyncset.done $0x0  }
0x26: {  	[sflag:s15] =	ssyncadd.s32 $0xFFFFE000  }
0x27: {  	s20 =	simm.s32 $0x20;
	s21 =	simm.s32 $0x40;
	_ =	swait.ge [sflag:s16], $0x2000  }
0x28: {  	s19 =	sadd.s32 $0x800, s7;
	s18 =	sadd.s32 $0x800, s5;
	[sflag:s16] =	ssyncset.done $0x0  }
.LBB2_2:
0x29: {  	s22 =	sadd.s32 s20, s8  }
0x2a: {  	[sflag:s16] =	ssyncadd.s32 $0xFFFFE000;
	s23 =	smov.u32 s21;
	s24 =	sadd.s32 $0x20, s21  }
0x2b: {  	[tilespmem:s3], [sflag:$0x5] =	stream.linear.gather [hbm4b:s22+s3], $0x80, $0x38;
	[tilespmem:$0x4100] =	vst v63  }
0x2c: {  	p0 =	sne.s32 s21, $0x80;
	_ =	swait.ge [sflag:s9], $0x80  }
0x2d: {  	[sflag:s9] =	ssyncset.done $0x0  }
0x2e: {  	[sflag:s9] =	ssyncadd.s32 $0xFFFFFF80  }
0x2f: {  	[tilespmem:s11], [sflag:$0x1] =	stream.indirect.gather [hbm4b:s2+s10], $0x40, s3, s10, $0xb8;
	[tilespmem:$0x4100] =	vst v63  }
0x30: {  	s21 =	sadd.s32 s20, s6;
	s20 =	smov.u32 s23  }
0x31: {  	[tilespmem:s10], [sflag:$0x5] =	stream.linear.gather [hbm4b:s21+s3], $0x80, $0x38;
	[tilespmem:$0x4100] =	vst v63  }
0x32: {  	_ =	swait.ge [sflag:s9], $0x80  }
0x33: {  	[sflag:s9] =	ssyncset.done $0x0  }
0x34: {  	[sflag:s9] =	ssyncadd.s32 $0xFFFFFF80  }
0x35: {  	[tilespmem:s12], [sflag:$0x2] =	stream.indirect.gather [hbm4b:s2+s10], $0x40, s10, s10, $0xb8;
	[tilespmem:$0x4100] =	vst v63  }
0x36: {  	_ =	swait.ge [sflag:s13], $0x2000  }
0x37: {  	[sflag:s13] =	ssyncset.done $0x0  }
0x38: {  	[sflag:s13] =	ssyncadd.s32 $0xFFFFE000  }
0x39: {  	[hbm4b:s19+s3] =	stream.linear.scatter [tilespmem:s11], [sflag:$0x3], $0x2000, $0x38;
	[tilespmem:$0x4100] =	vst v63  }
0x3a: {  	_ =	swait.ge [sflag:s14], $0x2000  }
0x3b: {  	[sflag:s14] =	ssyncset.done $0x0  }
0x3c: {  	[sflag:s14] =	ssyncadd.s32 $0xFFFFE000  }
0x3d: {  	[hbm4b:s18+s3] =	stream.linear.scatter [tilespmem:s12], [sflag:$0x4], $0x2000, $0x38;
	[tilespmem:$0x4100] =	vst v63  }
.Ltmp0:
0x3e: {  	_ =	swait.ge [sflag:s15], $0x2000;
	(pc) =	sbr.rel @p0 .LBB2_2-.Ltmp0, $4  }
0x3f: {  	[sflag:s15] =	ssyncset.done $0x0  }
0x40: {  	[sflag:s15] =	ssyncadd.s32 $0xFFFFE000  }
0x41: {  	s21 =	smov.u32 s24;
	_ =	swait.ge [sflag:s16], $0x2000  }
0x42: {  	s19 =	sadd.s32 $0x800, s19;
	s18 =	sadd.s32 $0x800, s18;
	[sflag:s16] =	ssyncset.done $0x0  }
0x43: {  	s21 =	sadd.s32 s20, s8;
	[sflag:s16] =	ssyncadd.s32 $0xFFFFE000  }
0x44: {  	[tilespmem:s3], [sflag:$0x5] =	stream.linear.gather [hbm4b:s21+s3], $0x80, $0x38;
	[tilespmem:$0x4100] =	vst v63  }
0x45: {  	_ =	swait.ge [sflag:s9], $0x80  }
0x46: {  	[sflag:s9] =	ssyncset.done $0x0  }
0x47: {  	[sflag:s9] =	ssyncadd.s32 $0xFFFFFF80  }
0x48: {  	[tilespmem:s11], [sflag:$0x1] =	stream.indirect.gather [hbm4b:s2+s10], $0x40, s3, s10, $0xb8;
	[tilespmem:$0x4100] =	vst v63  }
0x49: {  	s31 =	sadd.s32 s20, s6  }
0x4a: {  	[tilespmem:s10], [sflag:$0x5] =	stream.linear.gather [hbm4b:s31+s3], $0x80, $0x38;
	[tilespmem:$0x4100] =	vst v63  }
0x4b: {  	_ =	swait.ge [sflag:s9], $0x80  }
0x4c: {  	[sflag:s9] =	ssyncset.done $0x0  }
0x4d: {  	[sflag:s9] =	ssyncadd.s32 $0xFFFFFF80  }
0x4e: {  	[tilespmem:s12], [sflag:$0x2] =	stream.indirect.gather [hbm4b:s2+s10], $0x40, s10, s10, $0xb8;
	[tilespmem:$0x4100] =	vst v63  }
0x4f: {  	_ =	swait.ge [sflag:s13], $0x2000  }
0x50: {  	[sflag:s13] =	ssyncset.done $0x0  }
0x51: {  	[sflag:s13] =	ssyncadd.s32 $0xFFFFE000  }
0x52: {  	[hbm4b:s19+s3] =	stream.linear.scatter [tilespmem:s11], [sflag:$0x3], $0x2000, $0x38;
	[tilespmem:$0x4100] =	vst v63  }
0x53: {  	_ =	swait.ge [sflag:s14], $0x2000  }
0x54: {  	[sflag:s14] =	ssyncset.done $0x0  }
0x55: {  	s17 =	sadd.s32 $0x1, s17;
	[sflag:s14] =	ssyncadd.s32 $0xFFFFE000  }
0x56: {  	[hbm4b:s18+s3] =	stream.linear.scatter [tilespmem:s12], [sflag:$0x4], $0x2000, $0x38;
	[tilespmem:$0x4100] =	vst v63  }
0x57: {  	p0 =	sne.s32 s17, s4;
	_ =	swait.ge [sflag:s15], $0x2000  }
.Ltmp1:
0x58: {  	[sflag:s15] =	ssyncset.done $0x0;
	(pc) =	sbr.rel @p0 .LBB2_1-.Ltmp1, $4  }
0x59: {  	[sflag:s15] =	ssyncadd.s32 $0xFFFFE000  }
0x5a: {  	_ =	swait.ge [sflag:s16], $0x2000  }
0x5b: {  	[sflag:s16] =	ssyncset.done $0x0  }
0x5c: {  	[sflag:s16] =	ssyncadd.s32 $0xFFFFE000  }
0x5d: {  	_ =	sfence.sel $0x180000  }
0x5e: {  	[bflag:$0x0] =	sbarrier.arrive $0xFFFF  }
0x5f: {  	p0 =	sne.s32 s1, $0x0;
	_ =	strace $0x9000004D  }
0x60: {  	s0 =	sadd.s32 @!p0 $0x100000, s0;
	[bflag:$0x2] =	sbarrier.arrive $0xFFFF  }
0x61: {  	[sflag:s0] =	ssyncadd.tile.s32 @!p0 $0x1;
	_ =	shalt  }
.Lfunc_end2:
_tile_overlayer_lowered:
.L_overlay_start_2:
0x62: {  	(tag) =	ssettag $0x2  }
0x63: {  	s0 =	rddreg [dreg:$0x0];
	s2 =	stileid.u32  }
0x64: {  	s1 =	rddreg [dreg:$0x1];
	p0 =	sne.s32 s2, $0x0  }
0x65: {  	s3 =	rddreg [dreg:$0x2];
	[bflag:$0x3] =	sbarrier.arrive $0xFFFF;
	s2 =	simm.s32 @!p0 $0x1C05  }
0x66: {  	[timem:s3], [sflag:s2] =	dma.local @!p0 [hbm:s0], s1  }
0x67: {  	s0 =	simm.s32 @!p0 $0x5  }
0x68: {  	_ =	swait.ge @!p0 [sflag:s0], s1  }
0x69: {  	s1 =	ssub.s32 @!p0 $0x0, s1;
	[sflag:s0] =	ssyncset.done @!p0 $0x0  }
0x6a: {  	[sflag:s0] =	ssyncadd.s32 @!p0 s1  }
0x6b: {  	[bflag:$0x3] =	sbarrier.arrive $0xFFFF  }
0x6c: {  	_ =	shalt  }

// kernel: kernel.28.cloned.1.call-start
scs
__scs_entry_jumppad:
0x0: {  	(pc) =	sbr.rel $0x88, $3  }
0x1: {  	(tag) =	ssettag $0x0;
	lr =	simm.s32 $0x1  }
0x2: {  	[smem:$0x3F8C] =	sst lr;
	_ =	strace $0xD0000000  }
0x3: {  	_ = 	snop  }
0x4: {  	_ = 	snop  }
0x5: {  	_ = 	snop  }
0x6: {  	_ = 	snop  }
0x7: {  	_ = 	snop  }
__scs_overlays_trampoline_lowered:
0x8: {  	[smem:$0x3F9B] =	sst s0  }
0x9: {  	[smem:$0x3F9C] =	sst s1  }
0xa: {  	[smem:$0x3F9D] =	sst s2  }
0xb: {  	[smem:$0x3F9E] =	sst s3  }
0xc: {  	[smem:$0x3F9F] =	sst s4  }
0xd: {  	[smem:$0x3FA0] =	sst s5  }
0xe: {  	[smem:$0x3FA1] =	sst s6  }
0xf: {  	[smem:$0x3FA2] =	sst s7  }
0x10: {  	[smem:$0x3FA3] =	sst s8  }
0x11: {  	[smem:$0x3FA4] =	sst s9;
	s0 =	simm.s32 @!p0 $0x0  }
0x12: {  	s1 =	sld [smem:$0x3F8A];
	s0 =	simm.s32 @p0 $0x1  }
0x13: {  	[smem:$0x3FA5] =	sst s0;
	s0 =	simm.s32 @!p1 $0x0  }
0x14: {  	s2 =	sld [smem:$0x3F89];
	s0 =	simm.s32 @p1 $0x1  }
0x15: {  	[smem:$0x3FA6] =	sst s0;
	s0 =	simm.s32 @!p2 $0x0  }
0x16: {  	s3 =	sld [smem:$0x3FDB];
	s0 =	simm.s32 @p2 $0x1  }
0x17: {  	s4 =	simm.s32 $0x1BF5;
	[smem:$0x3FA8] =	sst s0  }
0x18: {  	s0 =	sld [smem:$0x3F8B];
	_ =	swait.ge [sflag:s4], $0x0  }
0x19: {  	s7 =	sld [smem:$0x3F8C]  }
0x1a: {  	s8 =	sadd.s32 $0xFFFFE003, lr  }
0x1b: {  	s9 =	sadd.s32 $0xFFFFFEF7, lr;
	s5 =	simm.s32 $0xFFFFFFFF;
	p2 =	slt.u32 s8, $0xFFFFF086  }
0x1c: {  	p1 =	slt.u32 s9, $0xF7A;
	s5 =	simm.s32 @!p2 $0x0  }
0x1d: {  	s5 =	simm.s32 @p1 $0x1;
	p0 =	seq.s32 s7, s2  }
0x1e: {  	s7 =	smul.u32 @!p0 $0xF7A, s2;
	p2 =	seq.s32 @!p0 s5, $0x0  }
0x1f: {  	s9 =	smul.u32 $0xF7A, s1;
	s8 =	simm.s32 @!p0 $0x1BF5;
	p2 =	por !p2, p0  }
0x20: {  	[sflag:s8] =	ssyncset.s32 @!p0 $0xFFFFF086;
	s6 =	sadd.s32 @!p0 s3, s7;
	s7 =	simm.s32 @!p0 $0x108  }
0x21: {  	s3 =	sadd.s32 s3, s9;
	s6 =	sadd.s32 @!p0 $0x88, s6;
	s7 =	simm.s32 @p2 $0x1082  }
0x22: {  	[simem:s7], [sflag:s8] =	dma.local @!p0 [hbm:s6], $0xF7A  }
0x23: {  	s9 =	sor.u32 $0xD0000000, s2;
	s6 =	simm.s32 $0x108;
	_ =	swait.ge @!p0 [sflag:s8], $0x0  }
0x24: {  	s3 =	sadd.s32 $0x88, s3;
	s6 =	simm.s32 @!p1 $0x1082;
	[sflag:s4] =	ssyncset.s32 $0xFFFFF086  }
0x25: {  	[simem:s6], [sflag:s4] =	dma.local [hbm:s3], $0xF7A  }
0x26: {  	[smem:$0x3F8C] =	sst s1;
	(tag) =	ssettag s2;
	_ =	strace s9  }
0x27: {  	s1 =	sld [smem:$0x3F9C]  }
0x28: {  	s2 =	sld [smem:$0x3F9D]  }
0x29: {  	s4 =	sld [smem:$0x3F9F]  }
0x2a: {  	p0 =	seq.s32 s5, $0x0;
	s5 =	sld [smem:$0x3FA0]  }
0x2b: {  	s6 =	sld [smem:$0x3FA1]  }
0x2c: {  	s7 =	sld [smem:$0x3FA2]  }
0x2d: {  	s3 =	simm.s32 $0x108;
	s8 =	sld [smem:$0x3FA3]  }
0x2e: {  	s3 =	simm.s32 @!p0 $0x1082;
	s9 =	sld [smem:$0x3FA4]  }
0x2f: {  	lr =	sadd.s32 s0, s3;
	s0 =	sld [smem:$0x3F9B]  }
0x30: {  	s3 =	sld [smem:$0x3F9E]  }
0x31: {  	[smem:$0x3FA7] =	sst s10  }
0x32: {  	s10 =	sld [smem:$0x3FA5];
	_ =	sdelay $0x3  }
0x33: {  	p0 =	seq.s32 s10, $0x1;
	s10 =	sld [smem:$0x3FA7];
	_ =	sdelay $0x3  }
0x34: {  	[smem:$0x3FA7] =	sst s10  }
0x35: {  	s10 =	sld [smem:$0x3FA6];
	_ =	sdelay $0x3  }
0x36: {  	p1 =	seq.s32 s10, $0x1;
	s10 =	sld [smem:$0x3FA7];
	_ =	sdelay $0x3  }
0x37: {  	[smem:$0x3FA7] =	sst s10  }
0x38: {  	s10 =	sld [smem:$0x3FA8]  }
0x39: {  	_ = 	snop;
	(pc) =	sbr.ind lr, $3  }
0x3a: {  	_ = 	snop  }
0x3b: {  	_ = 	snop  }
0x3c: {  	p2 =	seq.s32 s10, $0x1;
	s10 =	sld [smem:$0x3FA7]  }
0x3d: {  	_ =	shalt  }
0x3e: {  	_ =	shalt  }
0x3f: {  	_ =	shalt  }
0x40: {  	_ =	shalt  }
0x41: {  	_ =	shalt  }
0x42: {  	_ =	shalt  }
0x43: {  	_ =	shalt  }
0x44: {  	_ =	shalt  }
0x45: {  	_ =	shalt  }
0x46: {  	_ =	shalt  }
0x47: {  	_ =	shalt  }
0x48: {  	_ =	shalt  }
0x49: {  	_ =	shalt  }
0x4a: {  	_ =	shalt  }
0x4b: {  	_ =	shalt  }
0x4c: {  	_ =	shalt  }
0x4d: {  	_ =	shalt  }
0x4e: {  	_ =	shalt  }
0x4f: {  	_ =	shalt  }
0x50: {  	_ =	shalt  }
0x51: {  	_ =	shalt  }
0x52: {  	_ =	shalt  }
0x53: {  	_ =	shalt  }
0x54: {  	_ =	shalt  }
0x55: {  	_ =	shalt  }
0x56: {  	_ =	shalt  }
0x57: {  	_ =	shalt  }
0x58: {  	_ =	shalt  }
0x59: {  	_ =	shalt  }
0x5a: {  	_ =	shalt  }
0x5b: {  	_ =	shalt  }
0x5c: {  	_ =	shalt  }
0x5d: {  	_ =	shalt  }
0x5e: {  	_ =	shalt  }
0x5f: {  	_ =	shalt  }
0x60: {  	_ =	shalt  }
0x61: {  	_ =	shalt  }
0x62: {  	_ =	shalt  }
0x63: {  	_ =	shalt  }
0x64: {  	_ =	shalt  }
0x65: {  	_ =	shalt  }
0x66: {  	_ =	shalt  }
0x67: {  	_ =	shalt  }
0x68: {  	_ =	shalt  }
0x69: {  	_ =	shalt  }
0x6a: {  	_ =	shalt  }
0x6b: {  	_ =	shalt  }
0x6c: {  	_ =	shalt  }
0x6d: {  	_ =	shalt  }
0x6e: {  	_ =	shalt  }
0x6f: {  	_ =	shalt  }
0x70: {  	_ =	shalt  }
0x71: {  	_ =	shalt  }
0x72: {  	_ =	shalt  }
0x73: {  	_ =	shalt  }
0x74: {  	_ =	shalt  }
0x75: {  	_ =	shalt  }
0x76: {  	_ =	shalt  }
0x77: {  	_ =	shalt  }
0x78: {  	_ =	shalt  }
0x79: {  	_ =	shalt  }
0x7a: {  	_ =	shalt  }
0x7b: {  	_ =	shalt  }
0x7c: {  	_ =	shalt  }
0x7d: {  	_ =	shalt  }
0x7e: {  	_ =	shalt  }
0x7f: {  	_ =	shalt  }
0x80: {  	_ =	shalt  }
0x81: {  	_ =	shalt  }
0x82: {  	_ =	shalt  }
0x83: {  	_ =	shalt  }
0x84: {  	_ =	shalt  }
0x85: {  	_ =	shalt  }
0x86: {  	_ =	shalt  }
0x87: {  	_ =	shalt  }
.Lfunc_end0:
.L_simem_size_0:
called_computation.3_lowered:
.L_overlay_start_0:
0x88: {  	s2 =	sld [smem:$0x3FD9]  }
0x89: {  	s3 =	sld [smem:$0x3FFE];
	_ =	sdelay $0x1  }
0x8a: {  	s1 =	srdreg.scid  }
0x8b: {  	s0 =	sand.u32 $0x1, s1  }
0x8c: {  	s17 =	sshll.u32 s0, $0xA;
	s2 =	sadd.s32 s3, s2  }
0x8d: {  	s2 =	sadd.s32 s2, s17  }
0x8e: {  	[smem:$0x3FB3] =	sst s2  }
0x8f: {  	_ = 	snop  }
0x90: {  	s2 =	sld [smem:$0x3FD0];
	(tm) =	ssettm $0x1  }
0x91: {  	s18 =	sld [smem:$0x3FFB];
	_ =	sdelay $0x3  }
0x92: {  	_ =	strace s18  }
0x93: {  	s3 =	sld [smem:$0x3FFC];
	_ =	sdelay $0x3  }
0x94: {  	_ =	strace s3  }
0x95: {  	s3 =	sld [smem:$0x3FFD];
	_ =	sdelay $0x3  }
0x96: {  	_ =	strace s3  }
0x97: {  	_ =	strace $0x8FFFFFFF  }
0x98: {  	s19 =	sld [smem:$0x3FDB];
	_ =	sdelay $0x1  }
0x99: {  	s4 =	simm.s32 $_scs_section_size  }
0x9a: {  	s5 =	simm.s32 $_size__tile_overlayer_lowered;
	s6 =	simm.s32 $_tile_overlayer_lowered  }
0x9b: {  	s22 =	simm.s32 $0x1BFF;
	s21 =	sshll.u32 s6, $0x1;
	s3 =	sadd.s32 s4, s19  }
0x9c: {  	s7 =	simm.s32 $0x0;
	s20 =	sshll.u32 s5, $0x1;
	s5 =	sadd.s32 s21, s3  }
0x9d: {  	[timem:s7], [sflag:s22] =	dma.local [hbm:s5], s20  }
0x9e: {  	_ =	swait.ge [sflag:s22], s20  }
0x9f: {  	s4 =	ssub.s32 $0x0, s20;
	[sflag:s22] =	ssyncset.done $0x0  }
0xa0: {  	[sflag:s22] =	ssyncadd.s32 s4;
	_ =	sdelay $0x1  }
0xa1: {  	s23 =	simm.s32 $0x1B8B  }
0xa2: {  	_ =	swait.ge [sflag:s23], $0x1  }
0xa3: {  	[sflag:s23] =	ssyncset.done $0x0  }
0xa4: {  	s25 =	simm.s32 $0x1B8E;
	s24 =	sld [smem:$0x3FFE];
	[sflag:s23] =	ssyncadd.s32 $0xFFFFFFFF  }
0xa5: {  	s26 =	simm.s32 $execute0_lowered;
	[smem:$0x3FD2] =	sst s25  }
0xa6: {  	s5 =	sshll.u32 s26, $0x1;
	_ =	strace $0x8000004F;
	[dreg:$0x1] =	wrdreg $0xFFFFFFFF  }
0xa7: {  	s28 =	simm.s32 $_size_execute0_lowered;
	s3 =	sadd.s32 s3, s5;
	[dreg:$0x0] =	wrdreg $0x0  }
0xa8: {  	s5 =	sshll.u32 s28, $0x1;
	[dreg:$0x2] =	wrdreg s3  }
0xa9: {  	[dreg:$0x3] =	wrdreg s5  }
0xaa: {  	[dreg:$0x4] =	wrdreg $0xC0  }
0xab: {  	_ =	task [dreg:s7], $0x5FFFF  }
0xac: {  	[dreg:$0x1] =	wrdreg $0xFFFFFFFF  }
0xad: {  	[dreg:$0x0] =	wrdreg $0x60  }
0xae: {  	[dreg:$0x2] =	wrdreg s2  }
0xaf: {  	[dreg:$0x3] =	wrdreg s24  }
0xb0: {  	[dreg:$0x4] =	wrdreg $0x9  }
0xb1: {  	_ =	task.clear_ibuf [dreg:s7], $0x5FFFF;
	_ =	strace $0x9000004F  }
0xb2: {  	s29 =	simm.s32 $0x9;
	_ =	strace $0x80000051  }
0xb3: {  	_ =	swait.ge [sflag:s29], $0x1  }
0xb4: {  	[sflag:s29] =	ssyncadd.s32 $0xFFFFFFFF  }
0xb5: {  	_ =	strace $0x90000051  }
0xb6: {  	_ =	sfence  }
0xb7: {  	s30 =	sld [smem:$0x0];
	_ =	sdelay $0x2  }
0xb8: {  	s31 =	sshll.u32 s1, $0xD;
	s1 =	sshrl.u32 s1, $0x2  }
0xb9: {  	s3 =	sand.u32 $0x4000, s31;
	s1 =	sadd.s32 s1, s30  }
0xba: {  	s0 =	sor.u32 s3, s0;
	s1 =	sshll.u32 s1, $0x11  }
0xbb: {  	s0 =	sor.u32 s1, s0  }
0xbc: {  	s0 =	sadd.s32 $0x8F2B, s0  }
0xbd: {  	[sflag:s0] =	ssyncadd.remote.s32 $0x1  }
0xbe: {  	_ =	sfence.sel $0xFFFF  }
0xbf: {  	[dreg:$0x0] =	wrdreg $0xFFFFFFFF;
	(pc) =	sbr.abs _section_cstart, $3  }
0xc0: {  	[dreg:$0x1] =	wrdreg $0xFFFFFFFF  }
0xc1: {  	_ =	task.clear_ibuf [dreg:s7], $0x2FFFF;
	_ =	strace $0x9FFFFFFF  }
0xc2: {  	(tm) =	ssettm $0x7FFFFFFF  }
0xc3: {  	_ =	shalt  }
tec
execute0_lowered:
.L_overlay_start_1:
0x0: {  	(tag) =	ssettag $0x1  }
0x1: {  	s2 =	rddreg [dreg:$0x0]  }
0x2: {  	s4 =	rddreg [dreg:$0x1]  }
0x3: {  	s0 =	rddreg [dreg:$0x2]  }
0x4: {  	s5 =	srdreg.scid;
	s1 =	stileid.u32  }
0x5: {  	s3 =	simm.s32 $0x0;
	s13 =	simm.s32 $0x1;
	s14 =	simm.s32 $0x2  }
0x6: {  	s15 =	simm.s32 $0x3;
	s16 =	simm.s32 $0x4;
	s17 =	simm.s32 $0x0  }
0x7: {  	s6 =	sand.u32 $0x1, s5;
	s25 =	smul.u32 $0xA00, s1;
	[smem:$0x7FF] =	sst s3  }
0x8: {  	s8 =	sadd.s32 $0x4600, s4;
	s10 =	sadd.s32 $0x5A00, s4;
	s7 =	smul.u32 $0x500, s6  }
0x9: {  	s29 =	smul.u32 $0xA000, s1;
	_ =	strace $0x80000050;
	s9 =	ssub.s32 $0x2, s6  }
0xa: {  	s12 =	smul.u32 $0x5000, s6;
	s26 =	sshrl.u32 s9, $0x1;
	s7 =	sadd.s32 s7, s25  }
0xb: {  	s4 =	ssub.s32 s9, s26;
	s9 =	sadd.s32 s29, s10;
	s11 =	sor.u32 $0x80, s7  }
0xc: {  	s4 =	smax.u32 s4, $0x1;
	s31 =	sshrl.u32 s7, $0x3;
	s7 =	sadd.s32 s12, s9  }
0xd: {  	s9 =	simm.s32 $0x5;
	s12 =	simm.s32 $0x4100;
	s28 =	sshll.u32 s11, $0x4  }
0xe: {  	s30 =	sshrl.u32 s11, $0x3;
	s11 =	simm.s32 $0x100;
	s5 =	sadd.s32 s28, s10  }
0xf: {  	s6 =	sadd.s32 s30, s8;
	s8 =	sadd.s32 s31, s8;
	s10 =	simm.s32 $0x80  }
.LBB2_1:
0x10: {  	s18 =	sadd.s32 $0x0, s8  }
0x11: {  	[tilespmem:s3], [sflag:$0x5] =	stream.linear.gather [hbm4b:s18+s3], $0x80, $0x38;
	[tilespmem:$0x8100] =	vst v63  }
0x12: {  	_ =	swait.ge [sflag:s9], $0x80  }
0x13: {  	[sflag:s9] =	ssyncset.done $0x0  }
0x14: {  	[sflag:s9] =	ssyncadd.s32 $0xFFFFFF80  }
0x15: {  	[tilespmem:s11], [sflag:$0x1] =	stream.indirect.gather [hbm4b:s2+s10], $0x80, s3, s10, $0xb8;
	[tilespmem:$0x8100] =	vst v63  }
0x16: {  	s31 =	sadd.s32 $0x0, s6  }
0x17: {  	[tilespmem:s10], [sflag:$0x5] =	stream.linear.gather [hbm4b:s31+s3], $0x80, $0x38;
	[tilespmem:$0x8100] =	vst v63  }
0x18: {  	_ =	swait.ge [sflag:s9], $0x80  }
0x19: {  	[sflag:s9] =	ssyncset.done $0x0  }
0x1a: {  	[sflag:s9] =	ssyncadd.s32 $0xFFFFFF80  }
0x1b: {  	[tilespmem:s12], [sflag:$0x2] =	stream.indirect.gather [hbm4b:s2+s10], $0x80, s10, s10, $0xb8;
	[tilespmem:$0x8100] =	vst v63  }
0x1c: {  	_ =	swait.ge [sflag:s13], $0x4000  }
0x1d: {  	[sflag:s13] =	ssyncset.done $0x0  }
0x1e: {  	[sflag:s13] =	ssyncadd.s32 $0xFFFFC000  }
0x1f: {  	[hbm4b:s7+s3] =	stream.linear.scatter [tilespmem:s11], [sflag:$0x3], $0x4000, $0x38;
	[tilespmem:$0x8100] =	vst v63  }
0x20: {  	_ =	swait.ge [sflag:s14], $0x4000  }
0x21: {  	[sflag:s14] =	ssyncset.done $0x0  }
0x22: {  	[sflag:s14] =	ssyncadd.s32 $0xFFFFC000  }
0x23: {  	[hbm4b:s5+s3] =	stream.linear.scatter [tilespmem:s12], [sflag:$0x4], $0x4000, $0x38;
	[tilespmem:$0x8100] =	vst v63  }
0x24: {  	_ =	swait.ge [sflag:s15], $0x4000  }
0x25: {  	[sflag:s15] =	ssyncset.done $0x0  }
0x26: {  	[sflag:s15] =	ssyncadd.s32 $0xFFFFC000  }
0x27: {  	s20 =	simm.s32 $0x20;
	s21 =	simm.s32 $0x40;
	_ =	swait.ge [sflag:s16], $0x4000  }
0x28: {  	s19 =	sadd.s32 $0x1000, s7;
	s18 =	sadd.s32 $0x1000, s5;
	[sflag:s16] =	ssyncset.done $0x0  }
.LBB2_2:
0x29: {  	s22 =	sadd.s32 s20, s8  }
0x2a: {  	[sflag:s16] =	ssyncadd.s32 $0xFFFFC000;
	s23 =	smov.u32 s21;
	s24 =	sadd.s32 $0x20, s21  }
0x2b: {  	[tilespmem:s3], [sflag:$0x5] =	stream.linear.gather [hbm4b:s22+s3], $0x80, $0x38;
	[tilespmem:$0x8100] =	vst v63  }
0x2c: {  	p0 =	sne.s32 s21, $0x80;
	_ =	swait.ge [sflag:s9], $0x80  }
0x2d: {  	[sflag:s9] =	ssyncset.done $0x0  }
0x2e: {  	[sflag:s9] =	ssyncadd.s32 $0xFFFFFF80  }
0x2f: {  	[tilespmem:s11], [sflag:$0x1] =	stream.indirect.gather [hbm4b:s2+s10], $0x80, s3, s10, $0xb8;
	[tilespmem:$0x8100] =	vst v63  }
0x30: {  	s21 =	sadd.s32 s20, s6;
	s20 =	smov.u32 s23  }
0x31: {  	[tilespmem:s10], [sflag:$0x5] =	stream.linear.gather [hbm4b:s21+s3], $0x80, $0x38;
	[tilespmem:$0x8100] =	vst v63  }
0x32: {  	_ =	swait.ge [sflag:s9], $0x80  }
0x33: {  	[sflag:s9] =	ssyncset.done $0x0  }
0x34: {  	[sflag:s9] =	ssyncadd.s32 $0xFFFFFF80  }
0x35: {  	[tilespmem:s12], [sflag:$0x2] =	stream.indirect.gather [hbm4b:s2+s10], $0x80, s10, s10, $0xb8;
	[tilespmem:$0x8100] =	vst v63  }
0x36: {  	_ =	swait.ge [sflag:s13], $0x4000  }
0x37: {  	[sflag:s13] =	ssyncset.done $0x0  }
0x38: {  	[sflag:s13] =	ssyncadd.s32 $0xFFFFC000  }
0x39: {  	[hbm4b:s19+s3] =	stream.linear.scatter [tilespmem:s11], [sflag:$0x3], $0x4000, $0x38;
	[tilespmem:$0x8100] =	vst v63  }
0x3a: {  	_ =	swait.ge [sflag:s14], $0x4000  }
0x3b: {  	[sflag:s14] =	ssyncset.done $0x0  }
0x3c: {  	[sflag:s14] =	ssyncadd.s32 $0xFFFFC000  }
0x3d: {  	[hbm4b:s18+s3] =	stream.linear.scatter [tilespmem:s12], [sflag:$0x4], $0x4000, $0x38;
	[tilespmem:$0x8100] =	vst v63  }
.Ltmp0:
0x3e: {  	_ =	swait.ge [sflag:s15], $0x4000;
	(pc) =	sbr.rel @p0 .LBB2_2-.Ltmp0, $4  }
0x3f: {  	[sflag:s15] =	ssyncset.done $0x0  }
0x40: {  	[sflag:s15] =	ssyncadd.s32 $0xFFFFC000  }
0x41: {  	s21 =	smov.u32 s24;
	_ =	swait.ge [sflag:s16], $0x4000  }
0x42: {  	s19 =	sadd.s32 $0x1000, s19;
	s18 =	sadd.s32 $0x1000, s18;
	[sflag:s16] =	ssyncset.done $0x0  }
0x43: {  	s21 =	sadd.s32 s20, s8;
	[sflag:s16] =	ssyncadd.s32 $0xFFFFC000  }
0x44: {  	[tilespmem:s3], [sflag:$0x5] =	stream.linear.gather [hbm4b:s21+s3], $0x80, $0x38;
	[tilespmem:$0x8100] =	vst v63  }
0x45: {  	_ =	swait.ge [sflag:s9], $0x80  }
0x46: {  	[sflag:s9] =	ssyncset.done $0x0  }
0x47: {  	[sflag:s9] =	ssyncadd.s32 $0xFFFFFF80  }
0x48: {  	[tilespmem:s11], [sflag:$0x1] =	stream.indirect.gather [hbm4b:s2+s10], $0x80, s3, s10, $0xb8;
	[tilespmem:$0x8100] =	vst v63  }
0x49: {  	s31 =	sadd.s32 s20, s6  }
0x4a: {  	[tilespmem:s10], [sflag:$0x5] =	stream.linear.gather [hbm4b:s31+s3], $0x80, $0x38;
	[tilespmem:$0x8100] =	vst v63  }
0x4b: {  	_ =	swait.ge [sflag:s9], $0x80  }
0x4c: {  	[sflag:s9] =	ssyncset.done $0x0  }
0x4d: {  	[sflag:s9] =	ssyncadd.s32 $0xFFFFFF80  }
0x4e: {  	[tilespmem:s12], [sflag:$0x2] =	stream.indirect.gather [hbm4b:s2+s10], $0x80, s10, s10, $0xb8;
	[tilespmem:$0x8100] =	vst v63  }
0x4f: {  	_ =	swait.ge [sflag:s13], $0x4000  }
0x50: {  	[sflag:s13] =	ssyncset.done $0x0  }
0x51: {  	[sflag:s13] =	ssyncadd.s32 $0xFFFFC000  }
0x52: {  	[hbm4b:s19+s3] =	stream.linear.scatter [tilespmem:s11], [sflag:$0x3], $0x4000, $0x38;
	[tilespmem:$0x8100] =	vst v63  }
0x53: {  	_ =	swait.ge [sflag:s14], $0x4000  }
0x54: {  	[sflag:s14] =	ssyncset.done $0x0  }
0x55: {  	s17 =	sadd.s32 $0x1, s17;
	[sflag:s14] =	ssyncadd.s32 $0xFFFFC000  }
0x56: {  	[hbm4b:s18+s3] =	stream.linear.scatter [tilespmem:s12], [sflag:$0x4], $0x4000, $0x38;
	[tilespmem:$0x8100] =	vst v63  }
0x57: {  	p0 =	sne.s32 s17, s4;
	_ =	swait.ge [sflag:s15], $0x4000  }
.Ltmp1:
0x58: {  	[sflag:s15] =	ssyncset.done $0x0;
	(pc) =	sbr.rel @p0 .LBB2_1-.Ltmp1, $4  }
0x59: {  	[sflag:s15] =	ssyncadd.s32 $0xFFFFC000  }
0x5a: {  	_ =	swait.ge [sflag:s16], $0x4000  }
0x5b: {  	[sflag:s16] =	ssyncset.done $0x0  }
0x5c: {  	[sflag:s16] =	ssyncadd.s32 $0xFFFFC000  }
0x5d: {  	_ =	sfence.sel $0x180000  }
0x5e: {  	[bflag:$0x0] =	sbarrier.arrive $0xFFFF  }
0x5f: {  	p0 =	sne.s32 s1, $0x0;
	_ =	strace $0x90000050  }
0x60: {  	s0 =	sadd.s32 @!p0 $0x100000, s0;
	[bflag:$0x2] =	sbarrier.arrive $0xFFFF  }
0x61: {  	[sflag:s0] =	ssyncadd.tile.s32 @!p0 $0x1;
	_ =	shalt  }
.Lfunc_end2:
_tile_overlayer_lowered:
.L_overlay_start_2:
0x62: {  	(tag) =	ssettag $0x2  }
0x63: {  	s0 =	rddreg [dreg:$0x0];
	s2 =	stileid.u32  }
0x64: {  	s1 =	rddreg [dreg:$0x1];
	p0 =	sne.s32 s2, $0x0  }
0x65: {  	s3 =	rddreg [dreg:$0x2];
	[bflag:$0x3] =	sbarrier.arrive $0xFFFF;
	s2 =	simm.s32 @!p0 $0x1C05  }
0x66: {  	[timem:s3], [sflag:s2] =	dma.local @!p0 [hbm:s0], s1  }
0x67: {  	s0 =	simm.s32 @!p0 $0x5  }
0x68: {  	_ =	swait.ge @!p0 [sflag:s0], s1  }
0x69: {  	s1 =	ssub.s32 @!p0 $0x0, s1;
	[sflag:s0] =	ssyncset.done @!p0 $0x0  }
0x6a: {  	[sflag:s0] =	ssyncadd.s32 @!p0 s1  }
0x6b: {  	[bflag:$0x3] =	sbarrier.arrive $0xFFFF  }
0x6c: {  	_ =	shalt  }

</sc_bundles>
